<compile_context>
chip_gen: v7x
topology: tpu7x:2x2x1
jax: 0.10.2.dev20260603
libtpu: 0.0.44.dev20260713+nightly
codegen_flags: <defaults>
</compile_context>

<pallas_src>
import functools

import jax
import jax.numpy as jnp
from jax import lax
from jax.experimental import pallas as pl
from jax.experimental.pallas import tpu as pltpu
from jax.experimental.pallas import tpu_sc as plsc

DIM = 64
EPS = 1e-5

NUM_CORES = 2
NUM_SUBCORES = 16
NUM_WORKERS = NUM_CORES * NUM_SUBCORES
LANES = 16

SUBG = 128
NSUB = 4
CHUNK = SUBG * NSUB


ROW_UNROLL = 8


def _ln_chunk(rows_ref, wb_v, lane):
    del lane
    wq = [wb_v[0, pl.ds(q * 16, 16)] for q in range(4)]
    bq = [wb_v[1, pl.ds(q * 16, 16)] for q in range(4)]

    @plsc.parallel_loop(0, CHUNK, 1, unroll=ROW_UNROLL)
    def row_body(row):
        v = [rows_ref[row, pl.ds(q * 16, 16)] for q in range(4)]
        s = (v[0] + v[1]) + (v[2] + v[3])
        sq = (v[0] * v[0] + v[1] * v[1]) + (v[2] * v[2] + v[3] * v[3])
        mu_s = jnp.sum(s) * (1.0 / DIM)
        var_s = jnp.sum(sq) * (1.0 / DIM) - mu_s * mu_s
        x_s = var_s + EPS
        i_s = lax.bitcast_convert_type(x_s, jnp.int32)
        y_s = lax.bitcast_convert_type(
            jnp.int32(0x5F3759DF) - (i_s >> 1), jnp.float32
        )
        for _ in range(3):
            y_s = y_s * (1.5 - 0.5 * x_s * y_s * y_s)
        mu_b = jnp.broadcast_to(mu_s, (16,))
        y_b = jnp.broadcast_to(y_s, (16,))
        for q in range(4):
            rows_ref[row, pl.ds(q * 16, 16)] = (
                (v[q] - mu_b) * y_b * wq[q] + bq[q]
            )


def _sc_body(
    table_h, x_h, w_h, b_h, out_h,
    idx_v, rows_v, wb_v,
    sem_i0, sem_i1, sem_g0, sem_g1, sem_o0, sem_o1,
):
    n_rows = x_h.shape[0]
    rows_per_w = n_rows // NUM_WORKERS
    n_chunks = rows_per_w // CHUNK
    sem_i = (sem_i0, sem_i1)
    sem_g = (sem_g0, sem_g1)
    sem_o = (sem_o0, sem_o1)

    wid = lax.axis_index("s") * NUM_CORES + lax.axis_index("c")
    base_w = wid * rows_per_w
    pltpu.sync_copy(w_h, wb_v.at[0])
    pltpu.sync_copy(b_h, wb_v.at[1])

    lane = lax.iota(jnp.int32, 16)

    def start_idx(g, b):
        base = base_w + g * CHUNK
        for j in range(NSUB):
            pltpu.async_copy(
                x_h.at[pl.ds(base + j * SUBG, SUBG)],
                idx_v.at[b].at[j],
                sem_i[b],
            )

    def wait_idx(b):
        for j in range(NSUB):
            pltpu.make_async_copy(
                x_h.at[pl.ds(0, SUBG)], idx_v.at[b].at[j], sem_i[b]
            ).wait()

    def start_gather(b):
        for j in range(NSUB):
            pltpu.async_copy(
                table_h.at[idx_v.at[b].at[j]],
                rows_v.at[b].at[pl.ds(j * SUBG, SUBG)],
                sem_g[b],
            )

    def wait_gather(b):
        pltpu.make_async_copy(
            table_h.at[pl.ds(0, CHUNK)], rows_v.at[b], sem_g[b]
        ).wait()

    def start_out(g, b):
        base = base_w + g * CHUNK
        pltpu.async_copy(
            rows_v.at[b],
            out_h.at[pl.ds(base, CHUNK), pl.ds(0, DIM)],
            sem_o[b],
        )

    def wait_out(b):
        pltpu.make_async_copy(
            rows_v.at[b], out_h.at[pl.ds(0, CHUNK), pl.ds(0, DIM)], sem_o[b]
        ).wait()

    start_idx(0, 0)
    wait_idx(0)
    start_gather(0)
    start_idx(1, 1)

    def pair_body(jj, carry):
        for b in range(2):
            g = jj * 2 + b
            nb = 1 - b
            wait_gather(b)

            @pl.when(g + 1 < n_chunks)
            def _():
                wait_idx(nb)
                start_gather(nb)

            @pl.when(g + 2 < n_chunks)
            def _():
                start_idx(g + 2, b)

            @pl.when(g >= 2)
            def _():
                wait_out(b)

            _ln_chunk(rows_v.at[b], wb_v, lane)
            start_out(g, b)
        return carry

    lax.fori_loop(0, n_chunks // 2, pair_body, 0)
    wait_out(0)
    wait_out(1)


def _make_sc_call(n_rows):
    mesh = plsc.VectorSubcoreMesh(
        core_axis_name="c",
        subcore_axis_name="s",
        num_cores=NUM_CORES,
        num_subcores=NUM_SUBCORES,
    )
    return pl.kernel(
        _sc_body,
        out_type=jax.ShapeDtypeStruct((n_rows, 128), jnp.float32),
        mesh=mesh,
        compiler_params=pltpu.CompilerParams(
            needs_layout_passes=False, use_tc_tiling_on_sc=False
        ),
        scratch_types=[
            pltpu.VMEM((2, NSUB, SUBG), jnp.int32),
            pltpu.VMEM((2, CHUNK, DIM), jnp.float32),
            pltpu.VMEM((2, DIM), jnp.float32),
            pltpu.SemaphoreType.DMA,
            pltpu.SemaphoreType.DMA,
            pltpu.SemaphoreType.DMA,
            pltpu.SemaphoreType.DMA,
            pltpu.SemaphoreType.DMA,
            pltpu.SemaphoreType.DMA,
        ],
    )


def _mask_body(x_ref, o_ref):
    o_ref[...] = x_ref[...] > 0


@jax.jit
def kernel(x, table, ln_weight, ln_bias):
    batches, seq = x.shape
    xf = x.reshape(-1).astype(jnp.int32)
    raw = _make_sc_call(xf.shape[0])(table, xf, ln_weight, ln_bias)
    normed = raw.reshape(batches, seq, 128)[:, :, :DIM]
    mask = pl.pallas_call(
        _mask_body,
        out_shape=jax.ShapeDtypeStruct(x.shape, jnp.bool_),
    )(x)
    return normed, mask

# --- scband reference (transcript-rebuilt; emitter-appended) ---
"""Pipeline reference for scband-lruembedding-26156350832985 (READ-ONLY COPY).

The authoritative reference and input builder live on the scoring server;
editing this copy changes nothing except your own understanding.
"""

import jax, jax.numpy as jnp
import numpy as np

VOCAB = 100000
DIM = 64
EPS = 1e-5


def setup_inputs(seed: int = 0) -> dict:
    key = jax.random.key(seed)
    k1, k2 = jax.random.split(key)
    x = jax.random.randint(k1, (4096, 200), 0, VOCAB)
    table = jax.random.normal(k2, (VOCAB, DIM), dtype=jnp.float32)
    ln_weight = jnp.ones((DIM,), dtype=jnp.float32)
    ln_bias = jnp.zeros((DIM,), dtype=jnp.float32)
    return {"x": x, "table": table, "ln_weight": ln_weight, "ln_bias": ln_bias}


def reference(x, table, ln_weight, ln_bias):
    # mask = x > 0
    mask = x > 0
    # token embedding lookup (gather)
    emb = jnp.take(table, x, axis=0)
    # dropout is identity in eval mode
    # LayerNorm over last dim
    mu = jnp.mean(emb, axis=-1, keepdims=True)
    var = jnp.var(emb, axis=-1, keepdims=True)
    normed = (emb - mu) / jnp.sqrt(var + EPS) * ln_weight + ln_bias
    return (normed, mask)

if __name__ == "__main__":
    import jax
    _d = setup_inputs()
    print(jax.jit(kernel)(*tuple(_d.values())))

</pallas_src>

<mosaic_0001>
#map = affine_map<(d0, d1) -> (0, 0)>
#map1 = affine_map<(d0, d1) -> (0)>
module attributes {stable_mosaic.version = 14 : i64} {
  func.func @_sc_body(%arg0: i32, %arg1: i32, %arg2: memref<100000x64xf32, #tpu.memory_space<hbm>>, %arg3: memref<819200xi32, #tpu.memory_space<hbm>>, %arg4: memref<64xf32, #tpu.memory_space<hbm>>, %arg5: memref<64xf32, #tpu.memory_space<hbm>>, %arg6: memref<819200x128xf32, #tpu.memory_space<hbm>>, %arg7: memref<2x4x128xi32, #tpu.memory_space<vmem>>, %arg8: memref<2x512x64xf32, #tpu.memory_space<vmem>>, %arg9: memref<2x64xf32, #tpu.memory_space<vmem>>, %arg10: memref<!tpu.dma_semaphore, #tpu.memory_space<semaphore_mem>>, %arg11: memref<!tpu.dma_semaphore, #tpu.memory_space<semaphore_mem>>, %arg12: memref<!tpu.dma_semaphore, #tpu.memory_space<semaphore_mem>>, %arg13: memref<!tpu.dma_semaphore, #tpu.memory_space<semaphore_mem>>, %arg14: memref<!tpu.dma_semaphore, #tpu.memory_space<semaphore_mem>>, %arg15: memref<!tpu.dma_semaphore, #tpu.memory_space<semaphore_mem>>) attributes {dimension_semantics = [#tpu.dimension_semantics<core_parallel>, #tpu.dimension_semantics<subcore_parallel>], iteration_bounds = array<i64: 2, 16>, scalar_prefetch = 0 : i64, scratch_operands = 9 : i64, tpu.core_type = #tpu.core_type<sc_vector_subcore>, window_params = [{transform_indices = #map}, {transform_indices = #map1}, {transform_indices = #map1}, {transform_indices = #map1}, {transform_indices = #map}]} {
    %mul3A = arith.constant 2 : i32
    %mul3A_0 = arith.muli %arg1, %mul3A : i32
    %add3A = arith.addi %mul3A_0, %arg0 : i32
    %mul3A_1 = arith.constant 25600 : i32
    %mul3A_2 = arith.muli %add3A, %mul3A_1 : i32
    %run_scoped3A = arith.constant 0 : i32
    "tpu.region"() ({
      %run_scoped3A_361 = tpu.sem_alloc : memref<!tpu.dma_semaphore, #tpu.memory_space<semaphore_mem>>
      %dma_start3A_362 = arith.constant 0 : i32
      %dma_start3A_363 = tpu.memref_slice %arg9[%run_scoped3A, %dma_start3A_362] : memref<2x64xf32, #tpu.memory_space<vmem>> -> memref<1x64xf32, #tpu.memory_space<vmem>>
      %dma_start3A_364 = tpu.memref_squeeze %dma_start3A_363 : memref<1x64xf32, #tpu.memory_space<vmem>> -> memref<64xf32, #tpu.memory_space<vmem>>
      %dma_start3A_365 = arith.constant 0 : i32
      %dma_start3A_366 = tpu.memref_slice %arg9[%run_scoped3A, %dma_start3A_365] : memref<2x64xf32, #tpu.memory_space<vmem>> -> memref<1x64xf32, #tpu.memory_space<vmem>>
      %dma_start3A_367 = tpu.memref_squeeze %dma_start3A_366 : memref<1x64xf32, #tpu.memory_space<vmem>> -> memref<64xf32, #tpu.memory_space<vmem>>
      tpu.enqueue_dma source(%arg4 : memref<64xf32, #tpu.memory_space<hbm>>) target(%dma_start3A_367 : memref<64xf32, #tpu.memory_space<vmem>>) target_semaphore(%run_scoped3A_361 : memref<!tpu.dma_semaphore, #tpu.memory_space<semaphore_mem>>)
      %dma_wait3A_368 = arith.constant 0 : i32
      %dma_wait3A_369 = tpu.memref_slice %arg9[%run_scoped3A, %dma_wait3A_368] : memref<2x64xf32, #tpu.memory_space<vmem>> -> memref<1x64xf32, #tpu.memory_space<vmem>>
      %dma_wait3A_370 = tpu.memref_squeeze %dma_wait3A_369 : memref<1x64xf32, #tpu.memory_space<vmem>> -> memref<64xf32, #tpu.memory_space<vmem>>
      %dma_wait3A_371 = arith.constant 0 : i32
      %dma_wait3A_372 = tpu.memref_slice %arg9[%run_scoped3A, %dma_wait3A_371] : memref<2x64xf32, #tpu.memory_space<vmem>> -> memref<1x64xf32, #tpu.memory_space<vmem>>
      %dma_wait3A_373 = tpu.memref_squeeze %dma_wait3A_372 : memref<1x64xf32, #tpu.memory_space<vmem>> -> memref<64xf32, #tpu.memory_space<vmem>>
      tpu.wait_dma2 semaphore(%run_scoped3A_361 : memref<!tpu.dma_semaphore, #tpu.memory_space<semaphore_mem>>) src(%arg4 : memref<64xf32, #tpu.memory_space<hbm>>) dst(%dma_wait3A_373 : memref<64xf32, #tpu.memory_space<vmem>>)
      tpu.yield
    }) : () -> ()
    %run_scoped3A_3 = arith.constant 1 : i32
    "tpu.region"() ({
      %run_scoped3A_361 = tpu.sem_alloc : memref<!tpu.dma_semaphore, #tpu.memory_space<semaphore_mem>>
      %dma_start3A_362 = arith.constant 0 : i32
      %dma_start3A_363 = tpu.memref_slice %arg9[%run_scoped3A_3, %dma_start3A_362] : memref<2x64xf32, #tpu.memory_space<vmem>> -> memref<1x64xf32, #tpu.memory_space<vmem>>
      %dma_start3A_364 = tpu.memref_squeeze %dma_start3A_363 : memref<1x64xf32, #tpu.memory_space<vmem>> -> memref<64xf32, #tpu.memory_space<vmem>>
      %dma_start3A_365 = arith.constant 0 : i32
      %dma_start3A_366 = tpu.memref_slice %arg9[%run_scoped3A_3, %dma_start3A_365] : memref<2x64xf32, #tpu.memory_space<vmem>> -> memref<1x64xf32, #tpu.memory_space<vmem>>
      %dma_start3A_367 = tpu.memref_squeeze %dma_start3A_366 : memref<1x64xf32, #tpu.memory_space<vmem>> -> memref<64xf32, #tpu.memory_space<vmem>>
      tpu.enqueue_dma source(%arg5 : memref<64xf32, #tpu.memory_space<hbm>>) target(%dma_start3A_367 : memref<64xf32, #tpu.memory_space<vmem>>) target_semaphore(%run_scoped3A_361 : memref<!tpu.dma_semaphore, #tpu.memory_space<semaphore_mem>>)
      %dma_wait3A_368 = arith.constant 0 : i32
      %dma_wait3A_369 = tpu.memref_slice %arg9[%run_scoped3A_3, %dma_wait3A_368] : memref<2x64xf32, #tpu.memory_space<vmem>> -> memref<1x64xf32, #tpu.memory_space<vmem>>
      %dma_wait3A_370 = tpu.memref_squeeze %dma_wait3A_369 : memref<1x64xf32, #tpu.memory_space<vmem>> -> memref<64xf32, #tpu.memory_space<vmem>>
      %dma_wait3A_371 = arith.constant 0 : i32
      %dma_wait3A_372 = tpu.memref_slice %arg9[%run_scoped3A_3, %dma_wait3A_371] : memref<2x64xf32, #tpu.memory_space<vmem>> -> memref<1x64xf32, #tpu.memory_space<vmem>>
      %dma_wait3A_373 = tpu.memref_squeeze %dma_wait3A_372 : memref<1x64xf32, #tpu.memory_space<vmem>> -> memref<64xf32, #tpu.memory_space<vmem>>
      tpu.wait_dma2 semaphore(%run_scoped3A_361 : memref<!tpu.dma_semaphore, #tpu.memory_space<semaphore_mem>>) src(%arg5 : memref<64xf32, #tpu.memory_space<hbm>>) dst(%dma_wait3A_373 : memref<64xf32, #tpu.memory_space<vmem>>)
      tpu.yield
    }) : () -> ()
    %iota3A = tpu.iota {dimensions = array<i32: 0>} : vector<16xi32>
    %add3A_4 = arith.constant 0 : i32
    %add3A_5 = arith.addi %mul3A_2, %add3A_4 : i32
    %add3A_6 = arith.constant 0 : i32
    %add3A_7 = arith.addi %add3A_5, %add3A_6 : i32
    %dma_start3A = arith.constant 0 : i32
    %dma_start3A_8 = arith.constant 0 : i32
    %dma_start3A_9 = arith.constant 0 : i32
    %dma_start3A_10 = arith.constant 0 : i32
    %dma_start3A_11 = tpu.memref_slice %arg7[%dma_start3A, %dma_start3A_9, %dma_start3A_10] : memref<2x4x128xi32, #tpu.memory_space<vmem>> -> memref<1x4x128xi32, #tpu.memory_space<vmem>>
    %dma_start3A_12 = tpu.memref_squeeze %dma_start3A_11 : memref<1x4x128xi32, #tpu.memory_space<vmem>> -> memref<4x128xi32, #tpu.memory_space<vmem>>
    %dma_start3A_13 = arith.constant 0 : i32
    %dma_start3A_14 = tpu.memref_slice %dma_start3A_12[%dma_start3A_8, %dma_start3A_13] : memref<4x128xi32, #tpu.memory_space<vmem>> -> memref<1x128xi32, #tpu.memory_space<vmem>>
    %dma_start3A_15 = tpu.memref_squeeze %dma_start3A_14 : memref<1x128xi32, #tpu.memory_space<vmem>> -> memref<128xi32, #tpu.memory_space<vmem>>
    %dma_start3A_16 = tpu.memref_slice %arg3[%add3A_7] : memref<819200xi32, #tpu.memory_space<hbm>> -> memref<128xi32, #tpu.memory_space<hbm>>
    %dma_start3A_17 = arith.constant 0 : i32
    %dma_start3A_18 = arith.constant 0 : i32
    %dma_start3A_19 = tpu.memref_slice %arg7[%dma_start3A, %dma_start3A_17, %dma_start3A_18] : memref<2x4x128xi32, #tpu.memory_space<vmem>> -> memref<1x4x128xi32, #tpu.memory_space<vmem>>
    %dma_start3A_20 = tpu.memref_squeeze %dma_start3A_19 : memref<1x4x128xi32, #tpu.memory_space<vmem>> -> memref<4x128xi32, #tpu.memory_space<vmem>>
    %dma_start3A_21 = arith.constant 0 : i32
    %dma_start3A_22 = tpu.memref_slice %dma_start3A_20[%dma_start3A_8, %dma_start3A_21] : memref<4x128xi32, #tpu.memory_space<vmem>> -> memref<1x128xi32, #tpu.memory_space<vmem>>
    %dma_start3A_23 = tpu.memref_squeeze %dma_start3A_22 : memref<1x128xi32, #tpu.memory_space<vmem>> -> memref<128xi32, #tpu.memory_space<vmem>>
    %dma_start3A_24 = tpu.memref_slice %arg3[%add3A_7] : memref<819200xi32, #tpu.memory_space<hbm>> -> memref<128xi32, #tpu.memory_space<hbm>>
    tpu.enqueue_dma source(%dma_start3A_24 : memref<128xi32, #tpu.memory_space<hbm>>) target(%dma_start3A_23 : memref<128xi32, #tpu.memory_space<vmem>>) target_semaphore(%arg10 : memref<!tpu.dma_semaphore, #tpu.memory_space<semaphore_mem>>)
    %add3A_25 = arith.constant 128 : i32
    %add3A_26 = arith.addi %add3A_5, %add3A_25 : i32
    %dma_start3A_27 = arith.constant 0 : i32
    %dma_start3A_28 = arith.constant 1 : i32
    %dma_start3A_29 = arith.constant 0 : i32
    %dma_start3A_30 = arith.constant 0 : i32
    %dma_start3A_31 = tpu.memref_slice %arg7[%dma_start3A_27, %dma_start3A_29, %dma_start3A_30] : memref<2x4x128xi32, #tpu.memory_space<vmem>> -> memref<1x4x128xi32, #tpu.memory_space<vmem>>
    %dma_start3A_32 = tpu.memref_squeeze %dma_start3A_31 : memref<1x4x128xi32, #tpu.memory_space<vmem>> -> memref<4x128xi32, #tpu.memory_space<vmem>>
    %dma_start3A_33 = arith.constant 0 : i32
    %dma_start3A_34 = tpu.memref_slice %dma_start3A_32[%dma_start3A_28, %dma_start3A_33] : memref<4x128xi32, #tpu.memory_space<vmem>> -> memref<1x128xi32, #tpu.memory_space<vmem>>
    %dma_start3A_35 = tpu.memref_squeeze %dma_start3A_34 : memref<1x128xi32, #tpu.memory_space<vmem>> -> memref<128xi32, #tpu.memory_space<vmem>>
    %dma_start3A_36 = tpu.memref_slice %arg3[%add3A_26] : memref<819200xi32, #tpu.memory_space<hbm>> -> memref<128xi32, #tpu.memory_space<hbm>>
    %dma_start3A_37 = arith.constant 0 : i32
    %dma_start3A_38 = arith.constant 0 : i32
    %dma_start3A_39 = tpu.memref_slice %arg7[%dma_start3A_27, %dma_start3A_37, %dma_start3A_38] : memref<2x4x128xi32, #tpu.memory_space<vmem>> -> memref<1x4x128xi32, #tpu.memory_space<vmem>>
    %dma_start3A_40 = tpu.memref_squeeze %dma_start3A_39 : memref<1x4x128xi32, #tpu.memory_space<vmem>> -> memref<4x128xi32, #tpu.memory_space<vmem>>
    %dma_start3A_41 = arith.constant 0 : i32
    %dma_start3A_42 = tpu.memref_slice %dma_start3A_40[%dma_start3A_28, %dma_start3A_41] : memref<4x128xi32, #tpu.memory_space<vmem>> -> memref<1x128xi32, #tpu.memory_space<vmem>>
    %dma_start3A_43 = tpu.memref_squeeze %dma_start3A_42 : memref<1x128xi32, #tpu.memory_space<vmem>> -> memref<128xi32, #tpu.memory_space<vmem>>
    %dma_start3A_44 = tpu.memref_slice %arg3[%add3A_26] : memref<819200xi32, #tpu.memory_space<hbm>> -> memref<128xi32, #tpu.memory_space<hbm>>
    tpu.enqueue_dma source(%dma_start3A_44 : memref<128xi32, #tpu.memory_space<hbm>>) target(%dma_start3A_43 : memref<128xi32, #tpu.memory_space<vmem>>) target_semaphore(%arg10 : memref<!tpu.dma_semaphore, #tpu.memory_space<semaphore_mem>>)
    %add3A_45 = arith.constant 256 : i32
    %add3A_46 = arith.addi %add3A_5, %add3A_45 : i32
    %dma_start3A_47 = arith.constant 0 : i32
    %dma_start3A_48 = arith.constant 2 : i32
    %dma_start3A_49 = arith.constant 0 : i32
    %dma_start3A_50 = arith.constant 0 : i32
    %dma_start3A_51 = tpu.memref_slice %arg7[%dma_start3A_47, %dma_start3A_49, %dma_start3A_50] : memref<2x4x128xi32, #tpu.memory_space<vmem>> -> memref<1x4x128xi32, #tpu.memory_space<vmem>>
    %dma_start3A_52 = tpu.memref_squeeze %dma_start3A_51 : memref<1x4x128xi32, #tpu.memory_space<vmem>> -> memref<4x128xi32, #tpu.memory_space<vmem>>
    %dma_start3A_53 = arith.constant 0 : i32
    %dma_start3A_54 = tpu.memref_slice %dma_start3A_52[%dma_start3A_48, %dma_start3A_53] : memref<4x128xi32, #tpu.memory_space<vmem>> -> memref<1x128xi32, #tpu.memory_space<vmem>>
    %dma_start3A_55 = tpu.memref_squeeze %dma_start3A_54 : memref<1x128xi32, #tpu.memory_space<vmem>> -> memref<128xi32, #tpu.memory_space<vmem>>
    %dma_start3A_56 = tpu.memref_slice %arg3[%add3A_46] : memref<819200xi32, #tpu.memory_space<hbm>> -> memref<128xi32, #tpu.memory_space<hbm>>
    %dma_start3A_57 = arith.constant 0 : i32
    %dma_start3A_58 = arith.constant 0 : i32
    %dma_start3A_59 = tpu.memref_slice %arg7[%dma_start3A_47, %dma_start3A_57, %dma_start3A_58] : memref<2x4x128xi32, #tpu.memory_space<vmem>> -> memref<1x4x128xi32, #tpu.memory_space<vmem>>
    %dma_start3A_60 = tpu.memref_squeeze %dma_start3A_59 : memref<1x4x128xi32, #tpu.memory_space<vmem>> -> memref<4x128xi32, #tpu.memory_space<vmem>>
    %dma_start3A_61 = arith.constant 0 : i32
    %dma_start3A_62 = tpu.memref_slice %dma_start3A_60[%dma_start3A_48, %dma_start3A_61] : memref<4x128xi32, #tpu.memory_space<vmem>> -> memref<1x128xi32, #tpu.memory_space<vmem>>
    %dma_start3A_63 = tpu.memref_squeeze %dma_start3A_62 : memref<1x128xi32, #tpu.memory_space<vmem>> -> memref<128xi32, #tpu.memory_space<vmem>>
    %dma_start3A_64 = tpu.memref_slice %arg3[%add3A_46] : memref<819200xi32, #tpu.memory_space<hbm>> -> memref<128xi32, #tpu.memory_space<hbm>>
    tpu.enqueue_dma source(%dma_start3A_64 : memref<128xi32, #tpu.memory_space<hbm>>) target(%dma_start3A_63 : memref<128xi32, #tpu.memory_space<vmem>>) target_semaphore(%arg10 : memref<!tpu.dma_semaphore, #tpu.memory_space<semaphore_mem>>)
    %add3A_65 = arith.constant 384 : i32
    %add3A_66 = arith.addi %add3A_5, %add3A_65 : i32
    %dma_start3A_67 = arith.constant 0 : i32
    %dma_start3A_68 = arith.constant 3 : i32
    %dma_start3A_69 = arith.constant 0 : i32
    %dma_start3A_70 = arith.constant 0 : i32
    %dma_start3A_71 = tpu.memref_slice %arg7[%dma_start3A_67, %dma_start3A_69, %dma_start3A_70] : memref<2x4x128xi32, #tpu.memory_space<vmem>> -> memref<1x4x128xi32, #tpu.memory_space<vmem>>
    %dma_start3A_72 = tpu.memref_squeeze %dma_start3A_71 : memref<1x4x128xi32, #tpu.memory_space<vmem>> -> memref<4x128xi32, #tpu.memory_space<vmem>>
    %dma_start3A_73 = arith.constant 0 : i32
    %dma_start3A_74 = tpu.memref_slice %dma_start3A_72[%dma_start3A_68, %dma_start3A_73] : memref<4x128xi32, #tpu.memory_space<vmem>> -> memref<1x128xi32, #tpu.memory_space<vmem>>
    %dma_start3A_75 = tpu.memref_squeeze %dma_start3A_74 : memref<1x128xi32, #tpu.memory_space<vmem>> -> memref<128xi32, #tpu.memory_space<vmem>>
    %dma_start3A_76 = tpu.memref_slice %arg3[%add3A_66] : memref<819200xi32, #tpu.memory_space<hbm>> -> memref<128xi32, #tpu.memory_space<hbm>>
    %dma_start3A_77 = arith.constant 0 : i32
    %dma_start3A_78 = arith.constant 0 : i32
    %dma_start3A_79 = tpu.memref_slice %arg7[%dma_start3A_67, %dma_start3A_77, %dma_start3A_78] : memref<2x4x128xi32, #tpu.memory_space<vmem>> -> memref<1x4x128xi32, #tpu.memory_space<vmem>>
    %dma_start3A_80 = tpu.memref_squeeze %dma_start3A_79 : memref<1x4x128xi32, #tpu.memory_space<vmem>> -> memref<4x128xi32, #tpu.memory_space<vmem>>
    %dma_start3A_81 = arith.constant 0 : i32
    %dma_start3A_82 = tpu.memref_slice %dma_start3A_80[%dma_start3A_68, %dma_start3A_81] : memref<4x128xi32, #tpu.memory_space<vmem>> -> memref<1x128xi32, #tpu.memory_space<vmem>>
    %dma_start3A_83 = tpu.memref_squeeze %dma_start3A_82 : memref<1x128xi32, #tpu.memory_space<vmem>> -> memref<128xi32, #tpu.memory_space<vmem>>
    %dma_start3A_84 = tpu.memref_slice %arg3[%add3A_66] : memref<819200xi32, #tpu.memory_space<hbm>> -> memref<128xi32, #tpu.memory_space<hbm>>
    tpu.enqueue_dma source(%dma_start3A_84 : memref<128xi32, #tpu.memory_space<hbm>>) target(%dma_start3A_83 : memref<128xi32, #tpu.memory_space<vmem>>) target_semaphore(%arg10 : memref<!tpu.dma_semaphore, #tpu.memory_space<semaphore_mem>>)
    %dma_wait3A = arith.constant 0 : i32
    %dma_wait3A_85 = arith.constant 0 : i32
    %dma_wait3A_86 = arith.constant 0 : i32
    %dma_wait3A_87 = arith.constant 0 : i32
    %dma_wait3A_88 = tpu.memref_slice %arg7[%dma_wait3A, %dma_wait3A_86, %dma_wait3A_87] : memref<2x4x128xi32, #tpu.memory_space<vmem>> -> memref<1x4x128xi32, #tpu.memory_space<vmem>>
    %dma_wait3A_89 = tpu.memref_squeeze %dma_wait3A_88 : memref<1x4x128xi32, #tpu.memory_space<vmem>> -> memref<4x128xi32, #tpu.memory_space<vmem>>
    %dma_wait3A_90 = arith.constant 0 : i32
    %dma_wait3A_91 = tpu.memref_slice %dma_wait3A_89[%dma_wait3A_85, %dma_wait3A_90] : memref<4x128xi32, #tpu.memory_space<vmem>> -> memref<1x128xi32, #tpu.memory_space<vmem>>
    %dma_wait3A_92 = tpu.memref_squeeze %dma_wait3A_91 : memref<1x128xi32, #tpu.memory_space<vmem>> -> memref<128xi32, #tpu.memory_space<vmem>>
    %dma_wait3A_93 = arith.constant 0 : i32
    %dma_wait3A_94 = tpu.memref_slice %arg3[%dma_wait3A_93] : memref<819200xi32, #tpu.memory_space<hbm>> -> memref<128xi32, #tpu.memory_space<hbm>>
    %dma_wait3A_95 = arith.constant 0 : i32
    %dma_wait3A_96 = arith.constant 0 : i32
    %dma_wait3A_97 = tpu.memref_slice %arg7[%dma_wait3A, %dma_wait3A_95, %dma_wait3A_96] : memref<2x4x128xi32, #tpu.memory_space<vmem>> -> memref<1x4x128xi32, #tpu.memory_space<vmem>>
    %dma_wait3A_98 = tpu.memref_squeeze %dma_wait3A_97 : memref<1x4x128xi32, #tpu.memory_space<vmem>> -> memref<4x128xi32, #tpu.memory_space<vmem>>
    %dma_wait3A_99 = arith.constant 0 : i32
    %dma_wait3A_100 = tpu.memref_slice %dma_wait3A_98[%dma_wait3A_85, %dma_wait3A_99] : memref<4x128xi32, #tpu.memory_space<vmem>> -> memref<1x128xi32, #tpu.memory_space<vmem>>
    %dma_wait3A_101 = tpu.memref_squeeze %dma_wait3A_100 : memref<1x128xi32, #tpu.memory_space<vmem>> -> memref<128xi32, #tpu.memory_space<vmem>>
    %dma_wait3A_102 = arith.constant 0 : i32
    %dma_wait3A_103 = tpu.memref_slice %arg3[%dma_wait3A_102] : memref<819200xi32, #tpu.memory_space<hbm>> -> memref<128xi32, #tpu.memory_space<hbm>>
    tpu.wait_dma2 semaphore(%arg10 : memref<!tpu.dma_semaphore, #tpu.memory_space<semaphore_mem>>) src(%dma_wait3A_103 : memref<128xi32, #tpu.memory_space<hbm>>) dst(%dma_wait3A_101 : memref<128xi32, #tpu.memory_space<vmem>>)
    %dma_wait3A_104 = arith.constant 0 : i32
    %dma_wait3A_105 = arith.constant 1 : i32
    %dma_wait3A_106 = arith.constant 0 : i32
    %dma_wait3A_107 = arith.constant 0 : i32
    %dma_wait3A_108 = tpu.memref_slice %arg7[%dma_wait3A_104, %dma_wait3A_106, %dma_wait3A_107] : memref<2x4x128xi32, #tpu.memory_space<vmem>> -> memref<1x4x128xi32, #tpu.memory_space<vmem>>
    %dma_wait3A_109 = tpu.memref_squeeze %dma_wait3A_108 : memref<1x4x128xi32, #tpu.memory_space<vmem>> -> memref<4x128xi32, #tpu.memory_space<vmem>>
    %dma_wait3A_110 = arith.constant 0 : i32
    %dma_wait3A_111 = tpu.memref_slice %dma_wait3A_109[%dma_wait3A_105, %dma_wait3A_110] : memref<4x128xi32, #tpu.memory_space<vmem>> -> memref<1x128xi32, #tpu.memory_space<vmem>>
    %dma_wait3A_112 = tpu.memref_squeeze %dma_wait3A_111 : memref<1x128xi32, #tpu.memory_space<vmem>> -> memref<128xi32, #tpu.memory_space<vmem>>
    %dma_wait3A_113 = arith.constant 0 : i32
    %dma_wait3A_114 = tpu.memref_slice %arg3[%dma_wait3A_113] : memref<819200xi32, #tpu.memory_space<hbm>> -> memref<128xi32, #tpu.memory_space<hbm>>
    %dma_wait3A_115 = arith.constant 0 : i32
    %dma_wait3A_116 = arith.constant 0 : i32
    %dma_wait3A_117 = tpu.memref_slice %arg7[%dma_wait3A_104, %dma_wait3A_115, %dma_wait3A_116] : memref<2x4x128xi32, #tpu.memory_space<vmem>> -> memref<1x4x128xi32, #tpu.memory_space<vmem>>
    %dma_wait3A_118 = tpu.memref_squeeze %dma_wait3A_117 : memref<1x4x128xi32, #tpu.memory_space<vmem>> -> memref<4x128xi32, #tpu.memory_space<vmem>>
    %dma_wait3A_119 = arith.constant 0 : i32
    %dma_wait3A_120 = tpu.memref_slice %dma_wait3A_118[%dma_wait3A_105, %dma_wait3A_119] : memref<4x128xi32, #tpu.memory_space<vmem>> -> memref<1x128xi32, #tpu.memory_space<vmem>>
    %dma_wait3A_121 = tpu.memref_squeeze %dma_wait3A_120 : memref<1x128xi32, #tpu.memory_space<vmem>> -> memref<128xi32, #tpu.memory_space<vmem>>
    %dma_wait3A_122 = arith.constant 0 : i32
    %dma_wait3A_123 = tpu.memref_slice %arg3[%dma_wait3A_122] : memref<819200xi32, #tpu.memory_space<hbm>> -> memref<128xi32, #tpu.memory_space<hbm>>
    tpu.wait_dma2 semaphore(%arg10 : memref<!tpu.dma_semaphore, #tpu.memory_space<semaphore_mem>>) src(%dma_wait3A_123 : memref<128xi32, #tpu.memory_space<hbm>>) dst(%dma_wait3A_121 : memref<128xi32, #tpu.memory_space<vmem>>)
    %dma_wait3A_124 = arith.constant 0 : i32
    %dma_wait3A_125 = arith.constant 2 : i32
    %dma_wait3A_126 = arith.constant 0 : i32
    %dma_wait3A_127 = arith.constant 0 : i32
    %dma_wait3A_128 = tpu.memref_slice %arg7[%dma_wait3A_124, %dma_wait3A_126, %dma_wait3A_127] : memref<2x4x128xi32, #tpu.memory_space<vmem>> -> memref<1x4x128xi32, #tpu.memory_space<vmem>>
    %dma_wait3A_129 = tpu.memref_squeeze %dma_wait3A_128 : memref<1x4x128xi32, #tpu.memory_space<vmem>> -> memref<4x128xi32, #tpu.memory_space<vmem>>
    %dma_wait3A_130 = arith.constant 0 : i32
    %dma_wait3A_131 = tpu.memref_slice %dma_wait3A_129[%dma_wait3A_125, %dma_wait3A_130] : memref<4x128xi32, #tpu.memory_space<vmem>> -> memref<1x128xi32, #tpu.memory_space<vmem>>
    %dma_wait3A_132 = tpu.memref_squeeze %dma_wait3A_131 : memref<1x128xi32, #tpu.memory_space<vmem>> -> memref<128xi32, #tpu.memory_space<vmem>>
    %dma_wait3A_133 = arith.constant 0 : i32
    %dma_wait3A_134 = tpu.memref_slice %arg3[%dma_wait3A_133] : memref<819200xi32, #tpu.memory_space<hbm>> -> memref<128xi32, #tpu.memory_space<hbm>>
    %dma_wait3A_135 = arith.constant 0 : i32
    %dma_wait3A_136 = arith.constant 0 : i32
    %dma_wait3A_137 = tpu.memref_slice %arg7[%dma_wait3A_124, %dma_wait3A_135, %dma_wait3A_136] : memref<2x4x128xi32, #tpu.memory_space<vmem>> -> memref<1x4x128xi32, #tpu.memory_space<vmem>>
    %dma_wait3A_138 = tpu.memref_squeeze %dma_wait3A_137 : memref<1x4x128xi32, #tpu.memory_space<vmem>> -> memref<4x128xi32, #tpu.memory_space<vmem>>
    %dma_wait3A_139 = arith.constant 0 : i32
    %dma_wait3A_140 = tpu.memref_slice %dma_wait3A_138[%dma_wait3A_125, %dma_wait3A_139] : memref<4x128xi32, #tpu.memory_space<vmem>> -> memref<1x128xi32, #tpu.memory_space<vmem>>
    %dma_wait3A_141 = tpu.memref_squeeze %dma_wait3A_140 : memref<1x128xi32, #tpu.memory_space<vmem>> -> memref<128xi32, #tpu.memory_space<vmem>>
    %dma_wait3A_142 = arith.constant 0 : i32
    %dma_wait3A_143 = tpu.memref_slice %arg3[%dma_wait3A_142] : memref<819200xi32, #tpu.memory_space<hbm>> -> memref<128xi32, #tpu.memory_space<hbm>>
    tpu.wait_dma2 semaphore(%arg10 : memref<!tpu.dma_semaphore, #tpu.memory_space<semaphore_mem>>) src(%dma_wait3A_143 : memref<128xi32, #tpu.memory_space<hbm>>) dst(%dma_wait3A_141 : memref<128xi32, #tpu.memory_space<vmem>>)
    %dma_wait3A_144 = arith.constant 0 : i32
    %dma_wait3A_145 = arith.constant 3 : i32
    %dma_wait3A_146 = arith.constant 0 : i32
    %dma_wait3A_147 = arith.constant 0 : i32
    %dma_wait3A_148 = tpu.memref_slice %arg7[%dma_wait3A_144, %dma_wait3A_146, %dma_wait3A_147] : memref<2x4x128xi32, #tpu.memory_space<vmem>> -> memref<1x4x128xi32, #tpu.memory_space<vmem>>
    %dma_wait3A_149 = tpu.memref_squeeze %dma_wait3A_148 : memref<1x4x128xi32, #tpu.memory_space<vmem>> -> memref<4x128xi32, #tpu.memory_space<vmem>>
    %dma_wait3A_150 = arith.constant 0 : i32
    %dma_wait3A_151 = tpu.memref_slice %dma_wait3A_149[%dma_wait3A_145, %dma_wait3A_150] : memref<4x128xi32, #tpu.memory_space<vmem>> -> memref<1x128xi32, #tpu.memory_space<vmem>>
    %dma_wait3A_152 = tpu.memref_squeeze %dma_wait3A_151 : memref<1x128xi32, #tpu.memory_space<vmem>> -> memref<128xi32, #tpu.memory_space<vmem>>
    %dma_wait3A_153 = arith.constant 0 : i32
    %dma_wait3A_154 = tpu.memref_slice %arg3[%dma_wait3A_153] : memref<819200xi32, #tpu.memory_space<hbm>> -> memref<128xi32, #tpu.memory_space<hbm>>
    %dma_wait3A_155 = arith.constant 0 : i32
    %dma_wait3A_156 = arith.constant 0 : i32
    %dma_wait3A_157 = tpu.memref_slice %arg7[%dma_wait3A_144, %dma_wait3A_155, %dma_wait3A_156] : memref<2x4x128xi32, #tpu.memory_space<vmem>> -> memref<1x4x128xi32, #tpu.memory_space<vmem>>
    %dma_wait3A_158 = tpu.memref_squeeze %dma_wait3A_157 : memref<1x4x128xi32, #tpu.memory_space<vmem>> -> memref<4x128xi32, #tpu.memory_space<vmem>>
    %dma_wait3A_159 = arith.constant 0 : i32
    %dma_wait3A_160 = tpu.memref_slice %dma_wait3A_158[%dma_wait3A_145, %dma_wait3A_159] : memref<4x128xi32, #tpu.memory_space<vmem>> -> memref<1x128xi32, #tpu.memory_space<vmem>>
    %dma_wait3A_161 = tpu.memref_squeeze %dma_wait3A_160 : memref<1x128xi32, #tpu.memory_space<vmem>> -> memref<128xi32, #tpu.memory_space<vmem>>
    %dma_wait3A_162 = arith.constant 0 : i32
    %dma_wait3A_163 = tpu.memref_slice %arg3[%dma_wait3A_162] : memref<819200xi32, #tpu.memory_space<hbm>> -> memref<128xi32, #tpu.memory_space<hbm>>
    tpu.wait_dma2 semaphore(%arg10 : memref<!tpu.dma_semaphore, #tpu.memory_space<semaphore_mem>>) src(%dma_wait3A_163 : memref<128xi32, #tpu.memory_space<hbm>>) dst(%dma_wait3A_161 : memref<128xi32, #tpu.memory_space<vmem>>)
    %dma_start3A_164 = arith.constant 0 : i32
    %dma_start3A_165 = arith.constant 0 : i32
    %dma_start3A_166 = arith.constant 0 : i32
    %dma_start3A_167 = arith.constant 0 : i32
    %dma_start3A_168 = arith.constant 0 : i32
    %dma_start3A_169 = tpu.memref_slice %arg8[%dma_start3A_166, %dma_start3A_167, %dma_start3A_168] : memref<2x512x64xf32, #tpu.memory_space<vmem>> -> memref<1x512x64xf32, #tpu.memory_space<vmem>>
    %dma_start3A_170 = tpu.memref_squeeze %dma_start3A_169 : memref<1x512x64xf32, #tpu.memory_space<vmem>> -> memref<512x64xf32, #tpu.memory_space<vmem>>
    %dma_start3A_171 = arith.constant 0 : i32
    %dma_start3A_172 = arith.constant 0 : i32
    %dma_start3A_173 = tpu.memref_slice %dma_start3A_170[%dma_start3A_171, %dma_start3A_172] : memref<512x64xf32, #tpu.memory_space<vmem>> -> memref<128x64xf32, #tpu.memory_space<vmem>>
    %dma_start3A_174 = arith.constant 0 : i32
    %dma_start3A_175 = arith.constant 0 : i32
    %dma_start3A_176 = tpu.memref_slice %arg7[%dma_start3A_164, %dma_start3A_174, %dma_start3A_175] : memref<2x4x128xi32, #tpu.memory_space<vmem>> -> memref<1x4x128xi32, #tpu.memory_space<vmem>>
    %dma_start3A_177 = tpu.memref_squeeze %dma_start3A_176 : memref<1x4x128xi32, #tpu.memory_space<vmem>> -> memref<4x128xi32, #tpu.memory_space<vmem>>
    %dma_start3A_178 = arith.constant 0 : i32
    %dma_start3A_179 = tpu.memref_slice %dma_start3A_177[%dma_start3A_165, %dma_start3A_178] : memref<4x128xi32, #tpu.memory_space<vmem>> -> memref<1x128xi32, #tpu.memory_space<vmem>>
    %dma_start3A_180 = tpu.memref_squeeze %dma_start3A_179 : memref<1x128xi32, #tpu.memory_space<vmem>> -> memref<128xi32, #tpu.memory_space<vmem>>
    %dma_start3A_181 = arith.constant 0 : i32
    %dma_start3A_182 = arith.constant 0 : i32
    %dma_start3A_183 = tpu.memref_slice %arg2[%dma_start3A_181, %dma_start3A_182] : memref<100000x64xf32, #tpu.memory_space<hbm>> -> memref<100000x64xf32, #tpu.memory_space<hbm>>
    tpu.enqueue_indirect_dma source(%dma_start3A_183 : memref<100000x64xf32, #tpu.memory_space<hbm>>) target(%dma_start3A_173 : memref<128x64xf32, #tpu.memory_space<vmem>>) offsets(%dma_start3A_180 : memref<128xi32, #tpu.memory_space<vmem>>) semaphore(%arg12 : memref<!tpu.dma_semaphore, #tpu.memory_space<semaphore_mem>>)
    %dma_start3A_184 = arith.constant 0 : i32
    %dma_start3A_185 = arith.constant 1 : i32
    %dma_start3A_186 = arith.constant 0 : i32
    %dma_start3A_187 = arith.constant 0 : i32
    %dma_start3A_188 = arith.constant 0 : i32
    %dma_start3A_189 = tpu.memref_slice %arg8[%dma_start3A_186, %dma_start3A_187, %dma_start3A_188] : memref<2x512x64xf32, #tpu.memory_space<vmem>> -> memref<1x512x64xf32, #tpu.memory_space<vmem>>
    %dma_start3A_190 = tpu.memref_squeeze %dma_start3A_189 : memref<1x512x64xf32, #tpu.memory_space<vmem>> -> memref<512x64xf32, #tpu.memory_space<vmem>>
    %dma_start3A_191 = arith.constant 128 : i32
    %dma_start3A_192 = arith.constant 0 : i32
    %dma_start3A_193 = tpu.memref_slice %dma_start3A_190[%dma_start3A_191, %dma_start3A_192] : memref<512x64xf32, #tpu.memory_space<vmem>> -> memref<128x64xf32, #tpu.memory_space<vmem>>
    %dma_start3A_194 = arith.constant 0 : i32
    %dma_start3A_195 = arith.constant 0 : i32
    %dma_start3A_196 = tpu.memref_slice %arg7[%dma_start3A_184, %dma_start3A_194, %dma_start3A_195] : memref<2x4x128xi32, #tpu.memory_space<vmem>> -> memref<1x4x128xi32, #tpu.memory_space<vmem>>
    %dma_start3A_197 = tpu.memref_squeeze %dma_start3A_196 : memref<1x4x128xi32, #tpu.memory_space<vmem>> -> memref<4x128xi32, #tpu.memory_space<vmem>>
    %dma_start3A_198 = arith.constant 0 : i32
    %dma_start3A_199 = tpu.memref_slice %dma_start3A_197[%dma_start3A_185, %dma_start3A_198] : memref<4x128xi32, #tpu.memory_space<vmem>> -> memref<1x128xi32, #tpu.memory_space<vmem>>
    %dma_start3A_200 = tpu.memref_squeeze %dma_start3A_199 : memref<1x128xi32, #tpu.memory_space<vmem>> -> memref<128xi32, #tpu.memory_space<vmem>>
    %dma_start3A_201 = arith.constant 0 : i32
    %dma_start3A_202 = arith.constant 0 : i32
    %dma_start3A_203 = tpu.memref_slice %arg2[%dma_start3A_201, %dma_start3A_202] : memref<100000x64xf32, #tpu.memory_space<hbm>> -> memref<100000x64xf32, #tpu.memory_space<hbm>>
    tpu.enqueue_indirect_dma source(%dma_start3A_203 : memref<100000x64xf32, #tpu.memory_space<hbm>>) target(%dma_start3A_193 : memref<128x64xf32, #tpu.memory_space<vmem>>) offsets(%dma_start3A_200 : memref<128xi32, #tpu.memory_space<vmem>>) semaphore(%arg12 : memref<!tpu.dma_semaphore, #tpu.memory_space<semaphore_mem>>)
    %dma_start3A_204 = arith.constant 0 : i32
    %dma_start3A_205 = arith.constant 2 : i32
    %dma_start3A_206 = arith.constant 0 : i32
    %dma_start3A_207 = arith.constant 0 : i32
    %dma_start3A_208 = arith.constant 0 : i32
    %dma_start3A_209 = tpu.memref_slice %arg8[%dma_start3A_206, %dma_start3A_207, %dma_start3A_208] : memref<2x512x64xf32, #tpu.memory_space<vmem>> -> memref<1x512x64xf32, #tpu.memory_space<vmem>>
    %dma_start3A_210 = tpu.memref_squeeze %dma_start3A_209 : memref<1x512x64xf32, #tpu.memory_space<vmem>> -> memref<512x64xf32, #tpu.memory_space<vmem>>
    %dma_start3A_211 = arith.constant 256 : i32
    %dma_start3A_212 = arith.constant 0 : i32
    %dma_start3A_213 = tpu.memref_slice %dma_start3A_210[%dma_start3A_211, %dma_start3A_212] : memref<512x64xf32, #tpu.memory_space<vmem>> -> memref<128x64xf32, #tpu.memory_space<vmem>>
    %dma_start3A_214 = arith.constant 0 : i32
    %dma_start3A_215 = arith.constant 0 : i32
    %dma_start3A_216 = tpu.memref_slice %arg7[%dma_start3A_204, %dma_start3A_214, %dma_start3A_215] : memref<2x4x128xi32, #tpu.memory_space<vmem>> -> memref<1x4x128xi32, #tpu.memory_space<vmem>>
    %dma_start3A_217 = tpu.memref_squeeze %dma_start3A_216 : memref<1x4x128xi32, #tpu.memory_space<vmem>> -> memref<4x128xi32, #tpu.memory_space<vmem>>
    %dma_start3A_218 = arith.constant 0 : i32
    %dma_start3A_219 = tpu.memref_slice %dma_start3A_217[%dma_start3A_205, %dma_start3A_218] : memref<4x128xi32, #tpu.memory_space<vmem>> -> memref<1x128xi32, #tpu.memory_space<vmem>>
    %dma_start3A_220 = tpu.memref_squeeze %dma_start3A_219 : memref<1x128xi32, #tpu.memory_space<vmem>> -> memref<128xi32, #tpu.memory_space<vmem>>
    %dma_start3A_221 = arith.constant 0 : i32
    %dma_start3A_222 = arith.constant 0 : i32
    %dma_start3A_223 = tpu.memref_slice %arg2[%dma_start3A_221, %dma_start3A_222] : memref<100000x64xf32, #tpu.memory_space<hbm>> -> memref<100000x64xf32, #tpu.memory_space<hbm>>
    tpu.enqueue_indirect_dma source(%dma_start3A_223 : memref<100000x64xf32, #tpu.memory_space<hbm>>) target(%dma_start3A_213 : memref<128x64xf32, #tpu.memory_space<vmem>>) offsets(%dma_start3A_220 : memref<128xi32, #tpu.memory_space<vmem>>) semaphore(%arg12 : memref<!tpu.dma_semaphore, #tpu.memory_space<semaphore_mem>>)
    %dma_start3A_224 = arith.constant 0 : i32
    %dma_start3A_225 = arith.constant 3 : i32
    %dma_start3A_226 = arith.constant 0 : i32
    %dma_start3A_227 = arith.constant 0 : i32
    %dma_start3A_228 = arith.constant 0 : i32
    %dma_start3A_229 = tpu.memref_slice %arg8[%dma_start3A_226, %dma_start3A_227, %dma_start3A_228] : memref<2x512x64xf32, #tpu.memory_space<vmem>> -> memref<1x512x64xf32, #tpu.memory_space<vmem>>
    %dma_start3A_230 = tpu.memref_squeeze %dma_start3A_229 : memref<1x512x64xf32, #tpu.memory_space<vmem>> -> memref<512x64xf32, #tpu.memory_space<vmem>>
    %dma_start3A_231 = arith.constant 384 : i32
    %dma_start3A_232 = arith.constant 0 : i32
    %dma_start3A_233 = tpu.memref_slice %dma_start3A_230[%dma_start3A_231, %dma_start3A_232] : memref<512x64xf32, #tpu.memory_space<vmem>> -> memref<128x64xf32, #tpu.memory_space<vmem>>
    %dma_start3A_234 = arith.constant 0 : i32
    %dma_start3A_235 = arith.constant 0 : i32
    %dma_start3A_236 = tpu.memref_slice %arg7[%dma_start3A_224, %dma_start3A_234, %dma_start3A_235] : memref<2x4x128xi32, #tpu.memory_space<vmem>> -> memref<1x4x128xi32, #tpu.memory_space<vmem>>
    %dma_start3A_237 = tpu.memref_squeeze %dma_start3A_236 : memref<1x4x128xi32, #tpu.memory_space<vmem>> -> memref<4x128xi32, #tpu.memory_space<vmem>>
    %dma_start3A_238 = arith.constant 0 : i32
    %dma_start3A_239 = tpu.memref_slice %dma_start3A_237[%dma_start3A_225, %dma_start3A_238] : memref<4x128xi32, #tpu.memory_space<vmem>> -> memref<1x128xi32, #tpu.memory_space<vmem>>
    %dma_start3A_240 = tpu.memref_squeeze %dma_start3A_239 : memref<1x128xi32, #tpu.memory_space<vmem>> -> memref<128xi32, #tpu.memory_space<vmem>>
    %dma_start3A_241 = arith.constant 0 : i32
    %dma_start3A_242 = arith.constant 0 : i32
    %dma_start3A_243 = tpu.memref_slice %arg2[%dma_start3A_241, %dma_start3A_242] : memref<100000x64xf32, #tpu.memory_space<hbm>> -> memref<100000x64xf32, #tpu.memory_space<hbm>>
    tpu.enqueue_indirect_dma source(%dma_start3A_243 : memref<100000x64xf32, #tpu.memory_space<hbm>>) target(%dma_start3A_233 : memref<128x64xf32, #tpu.memory_space<vmem>>) offsets(%dma_start3A_240 : memref<128xi32, #tpu.memory_space<vmem>>) semaphore(%arg12 : memref<!tpu.dma_semaphore, #tpu.memory_space<semaphore_mem>>)
    %add3A_244 = arith.constant 512 : i32
    %add3A_245 = arith.addi %mul3A_2, %add3A_244 : i32
    %add3A_246 = arith.constant 0 : i32
    %add3A_247 = arith.addi %add3A_245, %add3A_246 : i32
    %dma_start3A_248 = arith.constant 1 : i32
    %dma_start3A_249 = arith.constant 0 : i32
    %dma_start3A_250 = arith.constant 0 : i32
    %dma_start3A_251 = arith.constant 0 : i32
    %dma_start3A_252 = tpu.memref_slice %arg7[%dma_start3A_248, %dma_start3A_250, %dma_start3A_251] : memref<2x4x128xi32, #tpu.memory_space<vmem>> -> memref<1x4x128xi32, #tpu.memory_space<vmem>>
    %dma_start3A_253 = tpu.memref_squeeze %dma_start3A_252 : memref<1x4x128xi32, #tpu.memory_space<vmem>> -> memref<4x128xi32, #tpu.memory_space<vmem>>
    %dma_start3A_254 = arith.constant 0 : i32
    %dma_start3A_255 = tpu.memref_slice %dma_start3A_253[%dma_start3A_249, %dma_start3A_254] : memref<4x128xi32, #tpu.memory_space<vmem>> -> memref<1x128xi32, #tpu.memory_space<vmem>>
    %dma_start3A_256 = tpu.memref_squeeze %dma_start3A_255 : memref<1x128xi32, #tpu.memory_space<vmem>> -> memref<128xi32, #tpu.memory_space<vmem>>
    %dma_start3A_257 = tpu.memref_slice %arg3[%add3A_247] : memref<819200xi32, #tpu.memory_space<hbm>> -> memref<128xi32, #tpu.memory_space<hbm>>
    %dma_start3A_258 = arith.constant 0 : i32
    %dma_start3A_259 = arith.constant 0 : i32
    %dma_start3A_260 = tpu.memref_slice %arg7[%dma_start3A_248, %dma_start3A_258, %dma_start3A_259] : memref<2x4x128xi32, #tpu.memory_space<vmem>> -> memref<1x4x128xi32, #tpu.memory_space<vmem>>
    %dma_start3A_261 = tpu.memref_squeeze %dma_start3A_260 : memref<1x4x128xi32, #tpu.memory_space<vmem>> -> memref<4x128xi32, #tpu.memory_space<vmem>>
    %dma_start3A_262 = arith.constant 0 : i32
    %dma_start3A_263 = tpu.memref_slice %dma_start3A_261[%dma_start3A_249, %dma_start3A_262] : memref<4x128xi32, #tpu.memory_space<vmem>> -> memref<1x128xi32, #tpu.memory_space<vmem>>
    %dma_start3A_264 = tpu.memref_squeeze %dma_start3A_263 : memref<1x128xi32, #tpu.memory_space<vmem>> -> memref<128xi32, #tpu.memory_space<vmem>>
    %dma_start3A_265 = tpu.memref_slice %arg3[%add3A_247] : memref<819200xi32, #tpu.memory_space<hbm>> -> memref<128xi32, #tpu.memory_space<hbm>>
    tpu.enqueue_dma source(%dma_start3A_265 : memref<128xi32, #tpu.memory_space<hbm>>) target(%dma_start3A_264 : memref<128xi32, #tpu.memory_space<vmem>>) target_semaphore(%arg11 : memref<!tpu.dma_semaphore, #tpu.memory_space<semaphore_mem>>)
    %add3A_266 = arith.constant 128 : i32
    %add3A_267 = arith.addi %add3A_245, %add3A_266 : i32
    %dma_start3A_268 = arith.constant 1 : i32
    %dma_start3A_269 = arith.constant 1 : i32
    %dma_start3A_270 = arith.constant 0 : i32
    %dma_start3A_271 = arith.constant 0 : i32
    %dma_start3A_272 = tpu.memref_slice %arg7[%dma_start3A_268, %dma_start3A_270, %dma_start3A_271] : memref<2x4x128xi32, #tpu.memory_space<vmem>> -> memref<1x4x128xi32, #tpu.memory_space<vmem>>
    %dma_start3A_273 = tpu.memref_squeeze %dma_start3A_272 : memref<1x4x128xi32, #tpu.memory_space<vmem>> -> memref<4x128xi32, #tpu.memory_space<vmem>>
    %dma_start3A_274 = arith.constant 0 : i32
    %dma_start3A_275 = tpu.memref_slice %dma_start3A_273[%dma_start3A_269, %dma_start3A_274] : memref<4x128xi32, #tpu.memory_space<vmem>> -> memref<1x128xi32, #tpu.memory_space<vmem>>
    %dma_start3A_276 = tpu.memref_squeeze %dma_start3A_275 : memref<1x128xi32, #tpu.memory_space<vmem>> -> memref<128xi32, #tpu.memory_space<vmem>>
    %dma_start3A_277 = tpu.memref_slice %arg3[%add3A_267] : memref<819200xi32, #tpu.memory_space<hbm>> -> memref<128xi32, #tpu.memory_space<hbm>>
    %dma_start3A_278 = arith.constant 0 : i32
    %dma_start3A_279 = arith.constant 0 : i32
    %dma_start3A_280 = tpu.memref_slice %arg7[%dma_start3A_268, %dma_start3A_278, %dma_start3A_279] : memref<2x4x128xi32, #tpu.memory_space<vmem>> -> memref<1x4x128xi32, #tpu.memory_space<vmem>>
    %dma_start3A_281 = tpu.memref_squeeze %dma_start3A_280 : memref<1x4x128xi32, #tpu.memory_space<vmem>> -> memref<4x128xi32, #tpu.memory_space<vmem>>
    %dma_start3A_282 = arith.constant 0 : i32
    %dma_start3A_283 = tpu.memref_slice %dma_start3A_281[%dma_start3A_269, %dma_start3A_282] : memref<4x128xi32, #tpu.memory_space<vmem>> -> memref<1x128xi32, #tpu.memory_space<vmem>>
    %dma_start3A_284 = tpu.memref_squeeze %dma_start3A_283 : memref<1x128xi32, #tpu.memory_space<vmem>> -> memref<128xi32, #tpu.memory_space<vmem>>
    %dma_start3A_285 = tpu.memref_slice %arg3[%add3A_267] : memref<819200xi32, #tpu.memory_space<hbm>> -> memref<128xi32, #tpu.memory_space<hbm>>
    tpu.enqueue_dma source(%dma_start3A_285 : memref<128xi32, #tpu.memory_space<hbm>>) target(%dma_start3A_284 : memref<128xi32, #tpu.memory_space<vmem>>) target_semaphore(%arg11 : memref<!tpu.dma_semaphore, #tpu.memory_space<semaphore_mem>>)
    %add3A_286 = arith.constant 256 : i32
    %add3A_287 = arith.addi %add3A_245, %add3A_286 : i32
    %dma_start3A_288 = arith.constant 1 : i32
    %dma_start3A_289 = arith.constant 2 : i32
    %dma_start3A_290 = arith.constant 0 : i32
    %dma_start3A_291 = arith.constant 0 : i32
    %dma_start3A_292 = tpu.memref_slice %arg7[%dma_start3A_288, %dma_start3A_290, %dma_start3A_291] : memref<2x4x128xi32, #tpu.memory_space<vmem>> -> memref<1x4x128xi32, #tpu.memory_space<vmem>>
    %dma_start3A_293 = tpu.memref_squeeze %dma_start3A_292 : memref<1x4x128xi32, #tpu.memory_space<vmem>> -> memref<4x128xi32, #tpu.memory_space<vmem>>
    %dma_start3A_294 = arith.constant 0 : i32
    %dma_start3A_295 = tpu.memref_slice %dma_start3A_293[%dma_start3A_289, %dma_start3A_294] : memref<4x128xi32, #tpu.memory_space<vmem>> -> memref<1x128xi32, #tpu.memory_space<vmem>>
    %dma_start3A_296 = tpu.memref_squeeze %dma_start3A_295 : memref<1x128xi32, #tpu.memory_space<vmem>> -> memref<128xi32, #tpu.memory_space<vmem>>
    %dma_start3A_297 = tpu.memref_slice %arg3[%add3A_287] : memref<819200xi32, #tpu.memory_space<hbm>> -> memref<128xi32, #tpu.memory_space<hbm>>
    %dma_start3A_298 = arith.constant 0 : i32
    %dma_start3A_299 = arith.constant 0 : i32
    %dma_start3A_300 = tpu.memref_slice %arg7[%dma_start3A_288, %dma_start3A_298, %dma_start3A_299] : memref<2x4x128xi32, #tpu.memory_space<vmem>> -> memref<1x4x128xi32, #tpu.memory_space<vmem>>
    %dma_start3A_301 = tpu.memref_squeeze %dma_start3A_300 : memref<1x4x128xi32, #tpu.memory_space<vmem>> -> memref<4x128xi32, #tpu.memory_space<vmem>>
    %dma_start3A_302 = arith.constant 0 : i32
    %dma_start3A_303 = tpu.memref_slice %dma_start3A_301[%dma_start3A_289, %dma_start3A_302] : memref<4x128xi32, #tpu.memory_space<vmem>> -> memref<1x128xi32, #tpu.memory_space<vmem>>
    %dma_start3A_304 = tpu.memref_squeeze %dma_start3A_303 : memref<1x128xi32, #tpu.memory_space<vmem>> -> memref<128xi32, #tpu.memory_space<vmem>>
    %dma_start3A_305 = tpu.memref_slice %arg3[%add3A_287] : memref<819200xi32, #tpu.memory_space<hbm>> -> memref<128xi32, #tpu.memory_space<hbm>>
    tpu.enqueue_dma source(%dma_start3A_305 : memref<128xi32, #tpu.memory_space<hbm>>) target(%dma_start3A_304 : memref<128xi32, #tpu.memory_space<vmem>>) target_semaphore(%arg11 : memref<!tpu.dma_semaphore, #tpu.memory_space<semaphore_mem>>)
    %add3A_306 = arith.constant 384 : i32
    %add3A_307 = arith.addi %add3A_245, %add3A_306 : i32
    %dma_start3A_308 = arith.constant 1 : i32
    %dma_start3A_309 = arith.constant 3 : i32
    %dma_start3A_310 = arith.constant 0 : i32
    %dma_start3A_311 = arith.constant 0 : i32
    %dma_start3A_312 = tpu.memref_slice %arg7[%dma_start3A_308, %dma_start3A_310, %dma_start3A_311] : memref<2x4x128xi32, #tpu.memory_space<vmem>> -> memref<1x4x128xi32, #tpu.memory_space<vmem>>
    %dma_start3A_313 = tpu.memref_squeeze %dma_start3A_312 : memref<1x4x128xi32, #tpu.memory_space<vmem>> -> memref<4x128xi32, #tpu.memory_space<vmem>>
    %dma_start3A_314 = arith.constant 0 : i32
    %dma_start3A_315 = tpu.memref_slice %dma_start3A_313[%dma_start3A_309, %dma_start3A_314] : memref<4x128xi32, #tpu.memory_space<vmem>> -> memref<1x128xi32, #tpu.memory_space<vmem>>
    %dma_start3A_316 = tpu.memref_squeeze %dma_start3A_315 : memref<1x128xi32, #tpu.memory_space<vmem>> -> memref<128xi32, #tpu.memory_space<vmem>>
    %dma_start3A_317 = tpu.memref_slice %arg3[%add3A_307] : memref<819200xi32, #tpu.memory_space<hbm>> -> memref<128xi32, #tpu.memory_space<hbm>>
    %dma_start3A_318 = arith.constant 0 : i32
    %dma_start3A_319 = arith.constant 0 : i32
    %dma_start3A_320 = tpu.memref_slice %arg7[%dma_start3A_308, %dma_start3A_318, %dma_start3A_319] : memref<2x4x128xi32, #tpu.memory_space<vmem>> -> memref<1x4x128xi32, #tpu.memory_space<vmem>>
    %dma_start3A_321 = tpu.memref_squeeze %dma_start3A_320 : memref<1x4x128xi32, #tpu.memory_space<vmem>> -> memref<4x128xi32, #tpu.memory_space<vmem>>
    %dma_start3A_322 = arith.constant 0 : i32
    %dma_start3A_323 = tpu.memref_slice %dma_start3A_321[%dma_start3A_309, %dma_start3A_322] : memref<4x128xi32, #tpu.memory_space<vmem>> -> memref<1x128xi32, #tpu.memory_space<vmem>>
    %dma_start3A_324 = tpu.memref_squeeze %dma_start3A_323 : memref<1x128xi32, #tpu.memory_space<vmem>> -> memref<128xi32, #tpu.memory_space<vmem>>
    %dma_start3A_325 = tpu.memref_slice %arg3[%add3A_307] : memref<819200xi32, #tpu.memory_space<hbm>> -> memref<128xi32, #tpu.memory_space<hbm>>
    tpu.enqueue_dma source(%dma_start3A_325 : memref<128xi32, #tpu.memory_space<hbm>>) target(%dma_start3A_324 : memref<128xi32, #tpu.memory_space<vmem>>) target_semaphore(%arg11 : memref<!tpu.dma_semaphore, #tpu.memory_space<semaphore_mem>>)
    %scan3A = arith.constant 0 : i32
    %scan3A_326 = arith.constant 0 : i32
    %scan3A_327 = arith.constant 25 : i32
    %scan3A_328 = arith.addi %scan3A_326, %scan3A_327 : i32
    %scan3A_329 = arith.constant 1 : i32
    scf.for %scan3A_361 = %scan3A_326 to %scan3A_328 step %scan3A_329  : i32 {
      %mul3A_362 = arith.constant 2 : i32
      %mul3A_363 = arith.muli %scan3A_361, %mul3A_362 : i32
      %add3A_364 = arith.constant 0 : i32
      %add3A_365 = arith.addi %mul3A_363, %add3A_364 : i32
      %dma_wait3A_366 = arith.constant 0 : i32
      %dma_wait3A_367 = arith.constant 0 : i32
      %dma_wait3A_368 = arith.constant 0 : i32
      %dma_wait3A_369 = tpu.memref_slice %arg8[%dma_wait3A_366, %dma_wait3A_367, %dma_wait3A_368] : memref<2x512x64xf32, #tpu.memory_space<vmem>> -> memref<1x512x64xf32, #tpu.memory_space<vmem>>
      %dma_wait3A_370 = tpu.memref_squeeze %dma_wait3A_369 : memref<1x512x64xf32, #tpu.memory_space<vmem>> -> memref<512x64xf32, #tpu.memory_space<vmem>>
      %dma_wait3A_371 = arith.constant 0 : i32
      %dma_wait3A_372 = arith.constant 0 : i32
      %dma_wait3A_373 = tpu.memref_slice %arg2[%dma_wait3A_371, %dma_wait3A_372] : memref<100000x64xf32, #tpu.memory_space<hbm>> -> memref<512x64xf32, #tpu.memory_space<hbm>>
      %dma_wait3A_374 = arith.constant 0 : i32
      %dma_wait3A_375 = arith.constant 0 : i32
      %dma_wait3A_376 = tpu.memref_slice %arg8[%dma_wait3A_366, %dma_wait3A_374, %dma_wait3A_375] : memref<2x512x64xf32, #tpu.memory_space<vmem>> -> memref<1x512x64xf32, #tpu.memory_space<vmem>>
      %dma_wait3A_377 = tpu.memref_squeeze %dma_wait3A_376 : memref<1x512x64xf32, #tpu.memory_space<vmem>> -> memref<512x64xf32, #tpu.memory_space<vmem>>
      %dma_wait3A_378 = arith.constant 0 : i32
      %dma_wait3A_379 = arith.constant 0 : i32
      %dma_wait3A_380 = tpu.memref_slice %arg2[%dma_wait3A_378, %dma_wait3A_379] : memref<100000x64xf32, #tpu.memory_space<hbm>> -> memref<512x64xf32, #tpu.memory_space<hbm>>
      tpu.wait_dma2 semaphore(%arg12 : memref<!tpu.dma_semaphore, #tpu.memory_space<semaphore_mem>>) src(%dma_wait3A_380 : memref<512x64xf32, #tpu.memory_space<hbm>>) dst(%dma_wait3A_377 : memref<512x64xf32, #tpu.memory_space<vmem>>)
      %add3A_381 = arith.constant 1 : i32
      %add3A_382 = arith.addi %add3A_365, %add3A_381 : i32
      %lt3A = arith.constant 50 : i32
      %lt3A_383 = arith.cmpi slt, %add3A_382, %lt3A : i32
      %convert_element_type3A = arith.extui %lt3A_383 : i1 to i32
      %cond3A = arith.constant 0 : i32
      %cond3A_384 = arith.cmpi ne, %convert_element_type3A, %cond3A : i32
      scf.if %cond3A_384 {
        %dma_wait3A_536 = arith.constant 1 : i32
        %dma_wait3A_537 = arith.constant 0 : i32
        %dma_wait3A_538 = arith.constant 0 : i32
        %dma_wait3A_539 = arith.constant 0 : i32
        %dma_wait3A_540 = tpu.memref_slice %arg7[%dma_wait3A_536, %dma_wait3A_538, %dma_wait3A_539] : memref<2x4x128xi32, #tpu.memory_space<vmem>> -> memref<1x4x128xi32, #tpu.memory_space<vmem>>
        %dma_wait3A_541 = tpu.memref_squeeze %dma_wait3A_540 : memref<1x4x128xi32, #tpu.memory_space<vmem>> -> memref<4x128xi32, #tpu.memory_space<vmem>>
        %dma_wait3A_542 = arith.constant 0 : i32
        %dma_wait3A_543 = tpu.memref_slice %dma_wait3A_541[%dma_wait3A_537, %dma_wait3A_542] : memref<4x128xi32, #tpu.memory_space<vmem>> -> memref<1x128xi32, #tpu.memory_space<vmem>>
        %dma_wait3A_544 = tpu.memref_squeeze %dma_wait3A_543 : memref<1x128xi32, #tpu.memory_space<vmem>> -> memref<128xi32, #tpu.memory_space<vmem>>
        %dma_wait3A_545 = arith.constant 0 : i32
        %dma_wait3A_546 = tpu.memref_slice %arg3[%dma_wait3A_545] : memref<819200xi32, #tpu.memory_space<hbm>> -> memref<128xi32, #tpu.memory_space<hbm>>
        %dma_wait3A_547 = arith.constant 0 : i32
        %dma_wait3A_548 = arith.constant 0 : i32
        %dma_wait3A_549 = tpu.memref_slice %arg7[%dma_wait3A_536, %dma_wait3A_547, %dma_wait3A_548] : memref<2x4x128xi32, #tpu.memory_space<vmem>> -> memref<1x4x128xi32, #tpu.memory_space<vmem>>
        %dma_wait3A_550 = tpu.memref_squeeze %dma_wait3A_549 : memref<1x4x128xi32, #tpu.memory_space<vmem>> -> memref<4x128xi32, #tpu.memory_space<vmem>>
        %dma_wait3A_551 = arith.constant 0 : i32
        %dma_wait3A_552 = tpu.memref_slice %dma_wait3A_550[%dma_wait3A_537, %dma_wait3A_551] : memref<4x128xi32, #tpu.memory_space<vmem>> -> memref<1x128xi32, #tpu.memory_space<vmem>>
        %dma_wait3A_553 = tpu.memref_squeeze %dma_wait3A_552 : memref<1x128xi32, #tpu.memory_space<vmem>> -> memref<128xi32, #tpu.memory_space<vmem>>
        %dma_wait3A_554 = arith.constant 0 : i32
        %dma_wait3A_555 = tpu.memref_slice %arg3[%dma_wait3A_554] : memref<819200xi32, #tpu.memory_space<hbm>> -> memref<128xi32, #tpu.memory_space<hbm>>
        tpu.wait_dma2 semaphore(%arg11 : memref<!tpu.dma_semaphore, #tpu.memory_space<semaphore_mem>>) src(%dma_wait3A_555 : memref<128xi32, #tpu.memory_space<hbm>>) dst(%dma_wait3A_553 : memref<128xi32, #tpu.memory_space<vmem>>)
        %dma_wait3A_556 = arith.constant 1 : i32
        %dma_wait3A_557 = arith.constant 1 : i32
        %dma_wait3A_558 = arith.constant 0 : i32
        %dma_wait3A_559 = arith.constant 0 : i32
        %dma_wait3A_560 = tpu.memref_slice %arg7[%dma_wait3A_556, %dma_wait3A_558, %dma_wait3A_559] : memref<2x4x128xi32, #tpu.memory_space<vmem>> -> memref<1x4x128xi32, #tpu.memory_space<vmem>>
        %dma_wait3A_561 = tpu.memref_squeeze %dma_wait3A_560 : memref<1x4x128xi32, #tpu.memory_space<vmem>> -> memref<4x128xi32, #tpu.memory_space<vmem>>
        %dma_wait3A_562 = arith.constant 0 : i32
        %dma_wait3A_563 = tpu.memref_slice %dma_wait3A_561[%dma_wait3A_557, %dma_wait3A_562] : memref<4x128xi32, #tpu.memory_space<vmem>> -> memref<1x128xi32, #tpu.memory_space<vmem>>
        %dma_wait3A_564 = tpu.memref_squeeze %dma_wait3A_563 : memref<1x128xi32, #tpu.memory_space<vmem>> -> memref<128xi32, #tpu.memory_space<vmem>>
        %dma_wait3A_565 = arith.constant 0 : i32
        %dma_wait3A_566 = tpu.memref_slice %arg3[%dma_wait3A_565] : memref<819200xi32, #tpu.memory_space<hbm>> -> memref<128xi32, #tpu.memory_space<hbm>>
        %dma_wait3A_567 = arith.constant 0 : i32
        %dma_wait3A_568 = arith.constant 0 : i32
        %dma_wait3A_569 = tpu.memref_slice %arg7[%dma_wait3A_556, %dma_wait3A_567, %dma_wait3A_568] : memref<2x4x128xi32, #tpu.memory_space<vmem>> -> memref<1x4x128xi32, #tpu.memory_space<vmem>>
        %dma_wait3A_570 = tpu.memref_squeeze %dma_wait3A_569 : memref<1x4x128xi32, #tpu.memory_space<vmem>> -> memref<4x128xi32, #tpu.memory_space<vmem>>
        %dma_wait3A_571 = arith.constant 0 : i32
        %dma_wait3A_572 = tpu.memref_slice %dma_wait3A_570[%dma_wait3A_557, %dma_wait3A_571] : memref<4x128xi32, #tpu.memory_space<vmem>> -> memref<1x128xi32, #tpu.memory_space<vmem>>
        %dma_wait3A_573 = tpu.memref_squeeze %dma_wait3A_572 : memref<1x128xi32, #tpu.memory_space<vmem>> -> memref<128xi32, #tpu.memory_space<vmem>>
        %dma_wait3A_574 = arith.constant 0 : i32
        %dma_wait3A_575 = tpu.memref_slice %arg3[%dma_wait3A_574] : memref<819200xi32, #tpu.memory_space<hbm>> -> memref<128xi32, #tpu.memory_space<hbm>>
        tpu.wait_dma2 semaphore(%arg11 : memref<!tpu.dma_semaphore, #tpu.memory_space<semaphore_mem>>) src(%dma_wait3A_575 : memref<128xi32, #tpu.memory_space<hbm>>) dst(%dma_wait3A_573 : memref<128xi32, #tpu.memory_space<vmem>>)
        %dma_wait3A_576 = arith.constant 1 : i32
        %dma_wait3A_577 = arith.constant 2 : i32
        %dma_wait3A_578 = arith.constant 0 : i32
        %dma_wait3A_579 = arith.constant 0 : i32
        %dma_wait3A_580 = tpu.memref_slice %arg7[%dma_wait3A_576, %dma_wait3A_578, %dma_wait3A_579] : memref<2x4x128xi32, #tpu.memory_space<vmem>> -> memref<1x4x128xi32, #tpu.memory_space<vmem>>
        %dma_wait3A_581 = tpu.memref_squeeze %dma_wait3A_580 : memref<1x4x128xi32, #tpu.memory_space<vmem>> -> memref<4x128xi32, #tpu.memory_space<vmem>>
        %dma_wait3A_582 = arith.constant 0 : i32
        %dma_wait3A_583 = tpu.memref_slice %dma_wait3A_581[%dma_wait3A_577, %dma_wait3A_582] : memref<4x128xi32, #tpu.memory_space<vmem>> -> memref<1x128xi32, #tpu.memory_space<vmem>>
        %dma_wait3A_584 = tpu.memref_squeeze %dma_wait3A_583 : memref<1x128xi32, #tpu.memory_space<vmem>> -> memref<128xi32, #tpu.memory_space<vmem>>
        %dma_wait3A_585 = arith.constant 0 : i32
        %dma_wait3A_586 = tpu.memref_slice %arg3[%dma_wait3A_585] : memref<819200xi32, #tpu.memory_space<hbm>> -> memref<128xi32, #tpu.memory_space<hbm>>
        %dma_wait3A_587 = arith.constant 0 : i32
        %dma_wait3A_588 = arith.constant 0 : i32
        %dma_wait3A_589 = tpu.memref_slice %arg7[%dma_wait3A_576, %dma_wait3A_587, %dma_wait3A_588] : memref<2x4x128xi32, #tpu.memory_space<vmem>> -> memref<1x4x128xi32, #tpu.memory_space<vmem>>
        %dma_wait3A_590 = tpu.memref_squeeze %dma_wait3A_589 : memref<1x4x128xi32, #tpu.memory_space<vmem>> -> memref<4x128xi32, #tpu.memory_space<vmem>>
        %dma_wait3A_591 = arith.constant 0 : i32
        %dma_wait3A_592 = tpu.memref_slice %dma_wait3A_590[%dma_wait3A_577, %dma_wait3A_591] : memref<4x128xi32, #tpu.memory_space<vmem>> -> memref<1x128xi32, #tpu.memory_space<vmem>>
        %dma_wait3A_593 = tpu.memref_squeeze %dma_wait3A_592 : memref<1x128xi32, #tpu.memory_space<vmem>> -> memref<128xi32, #tpu.memory_space<vmem>>
        %dma_wait3A_594 = arith.constant 0 : i32
        %dma_wait3A_595 = tpu.memref_slice %arg3[%dma_wait3A_594] : memref<819200xi32, #tpu.memory_space<hbm>> -> memref<128xi32, #tpu.memory_space<hbm>>
        tpu.wait_dma2 semaphore(%arg11 : memref<!tpu.dma_semaphore, #tpu.memory_space<semaphore_mem>>) src(%dma_wait3A_595 : memref<128xi32, #tpu.memory_space<hbm>>) dst(%dma_wait3A_593 : memref<128xi32, #tpu.memory_space<vmem>>)
        %dma_wait3A_596 = arith.constant 1 : i32
        %dma_wait3A_597 = arith.constant 3 : i32
        %dma_wait3A_598 = arith.constant 0 : i32
        %dma_wait3A_599 = arith.constant 0 : i32
        %dma_wait3A_600 = tpu.memref_slice %arg7[%dma_wait3A_596, %dma_wait3A_598, %dma_wait3A_599] : memref<2x4x128xi32, #tpu.memory_space<vmem>> -> memref<1x4x128xi32, #tpu.memory_space<vmem>>
        %dma_wait3A_601 = tpu.memref_squeeze %dma_wait3A_600 : memref<1x4x128xi32, #tpu.memory_space<vmem>> -> memref<4x128xi32, #tpu.memory_space<vmem>>
        %dma_wait3A_602 = arith.constant 0 : i32
        %dma_wait3A_603 = tpu.memref_slice %dma_wait3A_601[%dma_wait3A_597, %dma_wait3A_602] : memref<4x128xi32, #tpu.memory_space<vmem>> -> memref<1x128xi32, #tpu.memory_space<vmem>>
        %dma_wait3A_604 = tpu.memref_squeeze %dma_wait3A_603 : memref<1x128xi32, #tpu.memory_space<vmem>> -> memref<128xi32, #tpu.memory_space<vmem>>
        %dma_wait3A_605 = arith.constant 0 : i32
        %dma_wait3A_606 = tpu.memref_slice %arg3[%dma_wait3A_605] : memref<819200xi32, #tpu.memory_space<hbm>> -> memref<128xi32, #tpu.memory_space<hbm>>
        %dma_wait3A_607 = arith.constant 0 : i32
        %dma_wait3A_608 = arith.constant 0 : i32
        %dma_wait3A_609 = tpu.memref_slice %arg7[%dma_wait3A_596, %dma_wait3A_607, %dma_wait3A_608] : memref<2x4x128xi32, #tpu.memory_space<vmem>> -> memref<1x4x128xi32, #tpu.memory_space<vmem>>
        %dma_wait3A_610 = tpu.memref_squeeze %dma_wait3A_609 : memref<1x4x128xi32, #tpu.memory_space<vmem>> -> memref<4x128xi32, #tpu.memory_space<vmem>>
        %dma_wait3A_611 = arith.constant 0 : i32
        %dma_wait3A_612 = tpu.memref_slice %dma_wait3A_610[%dma_wait3A_597, %dma_wait3A_611] : memref<4x128xi32, #tpu.memory_space<vmem>> -> memref<1x128xi32, #tpu.memory_space<vmem>>
        %dma_wait3A_613 = tpu.memref_squeeze %dma_wait3A_612 : memref<1x128xi32, #tpu.memory_space<vmem>> -> memref<128xi32, #tpu.memory_space<vmem>>
        %dma_wait3A_614 = arith.constant 0 : i32
        %dma_wait3A_615 = tpu.memref_slice %arg3[%dma_wait3A_614] : memref<819200xi32, #tpu.memory_space<hbm>> -> memref<128xi32, #tpu.memory_space<hbm>>
        tpu.wait_dma2 semaphore(%arg11 : memref<!tpu.dma_semaphore, #tpu.memory_space<semaphore_mem>>) src(%dma_wait3A_615 : memref<128xi32, #tpu.memory_space<hbm>>) dst(%dma_wait3A_613 : memref<128xi32, #tpu.memory_space<vmem>>)
        %dma_start3A_616 = arith.constant 1 : i32
        %dma_start3A_617 = arith.constant 0 : i32
        %dma_start3A_618 = arith.constant 1 : i32
        %dma_start3A_619 = arith.constant 0 : i32
        %dma_start3A_620 = arith.constant 0 : i32
        %dma_start3A_621 = tpu.memref_slice %arg8[%dma_start3A_618, %dma_start3A_619, %dma_start3A_620] : memref<2x512x64xf32, #tpu.memory_space<vmem>> -> memref<1x512x64xf32, #tpu.memory_space<vmem>>
        %dma_start3A_622 = tpu.memref_squeeze %dma_start3A_621 : memref<1x512x64xf32, #tpu.memory_space<vmem>> -> memref<512x64xf32, #tpu.memory_space<vmem>>
        %dma_start3A_623 = arith.constant 0 : i32
        %dma_start3A_624 = arith.constant 0 : i32
        %dma_start3A_625 = tpu.memref_slice %dma_start3A_622[%dma_start3A_623, %dma_start3A_624] : memref<512x64xf32, #tpu.memory_space<vmem>> -> memref<128x64xf32, #tpu.memory_space<vmem>>
        %dma_start3A_626 = arith.constant 0 : i32
        %dma_start3A_627 = arith.constant 0 : i32
        %dma_start3A_628 = tpu.memref_slice %arg7[%dma_start3A_616, %dma_start3A_626, %dma_start3A_627] : memref<2x4x128xi32, #tpu.memory_space<vmem>> -> memref<1x4x128xi32, #tpu.memory_space<vmem>>
        %dma_start3A_629 = tpu.memref_squeeze %dma_start3A_628 : memref<1x4x128xi32, #tpu.memory_space<vmem>> -> memref<4x128xi32, #tpu.memory_space<vmem>>
        %dma_start3A_630 = arith.constant 0 : i32
        %dma_start3A_631 = tpu.memref_slice %dma_start3A_629[%dma_start3A_617, %dma_start3A_630] : memref<4x128xi32, #tpu.memory_space<vmem>> -> memref<1x128xi32, #tpu.memory_space<vmem>>
        %dma_start3A_632 = tpu.memref_squeeze %dma_start3A_631 : memref<1x128xi32, #tpu.memory_space<vmem>> -> memref<128xi32, #tpu.memory_space<vmem>>
        %dma_start3A_633 = arith.constant 0 : i32
        %dma_start3A_634 = arith.constant 0 : i32
        %dma_start3A_635 = tpu.memref_slice %arg2[%dma_start3A_633, %dma_start3A_634] : memref<100000x64xf32, #tpu.memory_space<hbm>> -> memref<100000x64xf32, #tpu.memory_space<hbm>>
        tpu.enqueue_indirect_dma source(%dma_start3A_635 : memref<100000x64xf32, #tpu.memory_space<hbm>>) target(%dma_start3A_625 : memref<128x64xf32, #tpu.memory_space<vmem>>) offsets(%dma_start3A_632 : memref<128xi32, #tpu.memory_space<vmem>>) semaphore(%arg13 : memref<!tpu.dma_semaphore, #tpu.memory_space<semaphore_mem>>)
        %dma_start3A_636 = arith.constant 1 : i32
        %dma_start3A_637 = arith.constant 1 : i32
        %dma_start3A_638 = arith.constant 1 : i32
        %dma_start3A_639 = arith.constant 0 : i32
        %dma_start3A_640 = arith.constant 0 : i32
        %dma_start3A_641 = tpu.memref_slice %arg8[%dma_start3A_638, %dma_start3A_639, %dma_start3A_640] : memref<2x512x64xf32, #tpu.memory_space<vmem>> -> memref<1x512x64xf32, #tpu.memory_space<vmem>>
        %dma_start3A_642 = tpu.memref_squeeze %dma_start3A_641 : memref<1x512x64xf32, #tpu.memory_space<vmem>> -> memref<512x64xf32, #tpu.memory_space<vmem>>
        %dma_start3A_643 = arith.constant 128 : i32
        %dma_start3A_644 = arith.constant 0 : i32
        %dma_start3A_645 = tpu.memref_slice %dma_start3A_642[%dma_start3A_643, %dma_start3A_644] : memref<512x64xf32, #tpu.memory_space<vmem>> -> memref<128x64xf32, #tpu.memory_space<vmem>>
        %dma_start3A_646 = arith.constant 0 : i32
        %dma_start3A_647 = arith.constant 0 : i32
        %dma_start3A_648 = tpu.memref_slice %arg7[%dma_start3A_636, %dma_start3A_646, %dma_start3A_647] : memref<2x4x128xi32, #tpu.memory_space<vmem>> -> memref<1x4x128xi32, #tpu.memory_space<vmem>>
        %dma_start3A_649 = tpu.memref_squeeze %dma_start3A_648 : memref<1x4x128xi32, #tpu.memory_space<vmem>> -> memref<4x128xi32, #tpu.memory_space<vmem>>
        %dma_start3A_650 = arith.constant 0 : i32
        %dma_start3A_651 = tpu.memref_slice %dma_start3A_649[%dma_start3A_637, %dma_start3A_650] : memref<4x128xi32, #tpu.memory_space<vmem>> -> memref<1x128xi32, #tpu.memory_space<vmem>>
        %dma_start3A_652 = tpu.memref_squeeze %dma_start3A_651 : memref<1x128xi32, #tpu.memory_space<vmem>> -> memref<128xi32, #tpu.memory_space<vmem>>
        %dma_start3A_653 = arith.constant 0 : i32
        %dma_start3A_654 = arith.constant 0 : i32
        %dma_start3A_655 = tpu.memref_slice %arg2[%dma_start3A_653, %dma_start3A_654] : memref<100000x64xf32, #tpu.memory_space<hbm>> -> memref<100000x64xf32, #tpu.memory_space<hbm>>
        tpu.enqueue_indirect_dma source(%dma_start3A_655 : memref<100000x64xf32, #tpu.memory_space<hbm>>) target(%dma_start3A_645 : memref<128x64xf32, #tpu.memory_space<vmem>>) offsets(%dma_start3A_652 : memref<128xi32, #tpu.memory_space<vmem>>) semaphore(%arg13 : memref<!tpu.dma_semaphore, #tpu.memory_space<semaphore_mem>>)
        %dma_start3A_656 = arith.constant 1 : i32
        %dma_start3A_657 = arith.constant 2 : i32
        %dma_start3A_658 = arith.constant 1 : i32
        %dma_start3A_659 = arith.constant 0 : i32
        %dma_start3A_660 = arith.constant 0 : i32
        %dma_start3A_661 = tpu.memref_slice %arg8[%dma_start3A_658, %dma_start3A_659, %dma_start3A_660] : memref<2x512x64xf32, #tpu.memory_space<vmem>> -> memref<1x512x64xf32, #tpu.memory_space<vmem>>
        %dma_start3A_662 = tpu.memref_squeeze %dma_start3A_661 : memref<1x512x64xf32, #tpu.memory_space<vmem>> -> memref<512x64xf32, #tpu.memory_space<vmem>>
        %dma_start3A_663 = arith.constant 256 : i32
        %dma_start3A_664 = arith.constant 0 : i32
        %dma_start3A_665 = tpu.memref_slice %dma_start3A_662[%dma_start3A_663, %dma_start3A_664] : memref<512x64xf32, #tpu.memory_space<vmem>> -> memref<128x64xf32, #tpu.memory_space<vmem>>
        %dma_start3A_666 = arith.constant 0 : i32
        %dma_start3A_667 = arith.constant 0 : i32
        %dma_start3A_668 = tpu.memref_slice %arg7[%dma_start3A_656, %dma_start3A_666, %dma_start3A_667] : memref<2x4x128xi32, #tpu.memory_space<vmem>> -> memref<1x4x128xi32, #tpu.memory_space<vmem>>
        %dma_start3A_669 = tpu.memref_squeeze %dma_start3A_668 : memref<1x4x128xi32, #tpu.memory_space<vmem>> -> memref<4x128xi32, #tpu.memory_space<vmem>>
        %dma_start3A_670 = arith.constant 0 : i32
        %dma_start3A_671 = tpu.memref_slice %dma_start3A_669[%dma_start3A_657, %dma_start3A_670] : memref<4x128xi32, #tpu.memory_space<vmem>> -> memref<1x128xi32, #tpu.memory_space<vmem>>
        %dma_start3A_672 = tpu.memref_squeeze %dma_start3A_671 : memref<1x128xi32, #tpu.memory_space<vmem>> -> memref<128xi32, #tpu.memory_space<vmem>>
        %dma_start3A_673 = arith.constant 0 : i32
        %dma_start3A_674 = arith.constant 0 : i32
        %dma_start3A_675 = tpu.memref_slice %arg2[%dma_start3A_673, %dma_start3A_674] : memref<100000x64xf32, #tpu.memory_space<hbm>> -> memref<100000x64xf32, #tpu.memory_space<hbm>>
        tpu.enqueue_indirect_dma source(%dma_start3A_675 : memref<100000x64xf32, #tpu.memory_space<hbm>>) target(%dma_start3A_665 : memref<128x64xf32, #tpu.memory_space<vmem>>) offsets(%dma_start3A_672 : memref<128xi32, #tpu.memory_space<vmem>>) semaphore(%arg13 : memref<!tpu.dma_semaphore, #tpu.memory_space<semaphore_mem>>)
        %dma_start3A_676 = arith.constant 1 : i32
        %dma_start3A_677 = arith.constant 3 : i32
        %dma_start3A_678 = arith.constant 1 : i32
        %dma_start3A_679 = arith.constant 0 : i32
        %dma_start3A_680 = arith.constant 0 : i32
        %dma_start3A_681 = tpu.memref_slice %arg8[%dma_start3A_678, %dma_start3A_679, %dma_start3A_680] : memref<2x512x64xf32, #tpu.memory_space<vmem>> -> memref<1x512x64xf32, #tpu.memory_space<vmem>>
        %dma_start3A_682 = tpu.memref_squeeze %dma_start3A_681 : memref<1x512x64xf32, #tpu.memory_space<vmem>> -> memref<512x64xf32, #tpu.memory_space<vmem>>
        %dma_start3A_683 = arith.constant 384 : i32
        %dma_start3A_684 = arith.constant 0 : i32
        %dma_start3A_685 = tpu.memref_slice %dma_start3A_682[%dma_start3A_683, %dma_start3A_684] : memref<512x64xf32, #tpu.memory_space<vmem>> -> memref<128x64xf32, #tpu.memory_space<vmem>>
        %dma_start3A_686 = arith.constant 0 : i32
        %dma_start3A_687 = arith.constant 0 : i32
        %dma_start3A_688 = tpu.memref_slice %arg7[%dma_start3A_676, %dma_start3A_686, %dma_start3A_687] : memref<2x4x128xi32, #tpu.memory_space<vmem>> -> memref<1x4x128xi32, #tpu.memory_space<vmem>>
        %dma_start3A_689 = tpu.memref_squeeze %dma_start3A_688 : memref<1x4x128xi32, #tpu.memory_space<vmem>> -> memref<4x128xi32, #tpu.memory_space<vmem>>
        %dma_start3A_690 = arith.constant 0 : i32
        %dma_start3A_691 = tpu.memref_slice %dma_start3A_689[%dma_start3A_677, %dma_start3A_690] : memref<4x128xi32, #tpu.memory_space<vmem>> -> memref<1x128xi32, #tpu.memory_space<vmem>>
        %dma_start3A_692 = tpu.memref_squeeze %dma_start3A_691 : memref<1x128xi32, #tpu.memory_space<vmem>> -> memref<128xi32, #tpu.memory_space<vmem>>
        %dma_start3A_693 = arith.constant 0 : i32
        %dma_start3A_694 = arith.constant 0 : i32
        %dma_start3A_695 = tpu.memref_slice %arg2[%dma_start3A_693, %dma_start3A_694] : memref<100000x64xf32, #tpu.memory_space<hbm>> -> memref<100000x64xf32, #tpu.memory_space<hbm>>
        tpu.enqueue_indirect_dma source(%dma_start3A_695 : memref<100000x64xf32, #tpu.memory_space<hbm>>) target(%dma_start3A_685 : memref<128x64xf32, #tpu.memory_space<vmem>>) offsets(%dma_start3A_692 : memref<128xi32, #tpu.memory_space<vmem>>) semaphore(%arg13 : memref<!tpu.dma_semaphore, #tpu.memory_space<semaphore_mem>>)
      } else {
      }
      %add3A_385 = arith.constant 2 : i32
      %add3A_386 = arith.addi %add3A_365, %add3A_385 : i32
      %lt3A_387 = arith.constant 50 : i32
      %lt3A_388 = arith.cmpi slt, %add3A_386, %lt3A_387 : i32
      %convert_element_type3A_389 = arith.extui %lt3A_388 : i1 to i32
      %cond3A_390 = arith.constant 0 : i32
      %cond3A_391 = arith.cmpi ne, %convert_element_type3A_389, %cond3A_390 : i32
      scf.if %cond3A_391 {
        %add3A_536 = arith.constant 2 : i32
        %add3A_537 = arith.addi %add3A_365, %add3A_536 : i32
        %mul3A_538 = arith.constant 512 : i32
        %mul3A_539 = arith.muli %add3A_537, %mul3A_538 : i32
        %add3A_540 = arith.addi %mul3A_2, %mul3A_539 : i32
        %add3A_541 = arith.constant 0 : i32
        %add3A_542 = arith.addi %add3A_540, %add3A_541 : i32
        %dma_start3A_543 = arith.constant 0 : i32
        %dma_start3A_544 = arith.constant 0 : i32
        %dma_start3A_545 = arith.constant 0 : i32
        %dma_start3A_546 = arith.constant 0 : i32
        %dma_start3A_547 = tpu.memref_slice %arg7[%dma_start3A_543, %dma_start3A_545, %dma_start3A_546] : memref<2x4x128xi32, #tpu.memory_space<vmem>> -> memref<1x4x128xi32, #tpu.memory_space<vmem>>
        %dma_start3A_548 = tpu.memref_squeeze %dma_start3A_547 : memref<1x4x128xi32, #tpu.memory_space<vmem>> -> memref<4x128xi32, #tpu.memory_space<vmem>>
        %dma_start3A_549 = arith.constant 0 : i32
        %dma_start3A_550 = tpu.memref_slice %dma_start3A_548[%dma_start3A_544, %dma_start3A_549] : memref<4x128xi32, #tpu.memory_space<vmem>> -> memref<1x128xi32, #tpu.memory_space<vmem>>
        %dma_start3A_551 = tpu.memref_squeeze %dma_start3A_550 : memref<1x128xi32, #tpu.memory_space<vmem>> -> memref<128xi32, #tpu.memory_space<vmem>>
        %dma_start3A_552 = tpu.memref_slice %arg3[%add3A_542] : memref<819200xi32, #tpu.memory_space<hbm>> -> memref<128xi32, #tpu.memory_space<hbm>>
        %dma_start3A_553 = arith.constant 0 : i32
        %dma_start3A_554 = arith.constant 0 : i32
        %dma_start3A_555 = tpu.memref_slice %arg7[%dma_start3A_543, %dma_start3A_553, %dma_start3A_554] : memref<2x4x128xi32, #tpu.memory_space<vmem>> -> memref<1x4x128xi32, #tpu.memory_space<vmem>>
        %dma_start3A_556 = tpu.memref_squeeze %dma_start3A_555 : memref<1x4x128xi32, #tpu.memory_space<vmem>> -> memref<4x128xi32, #tpu.memory_space<vmem>>
        %dma_start3A_557 = arith.constant 0 : i32
        %dma_start3A_558 = tpu.memref_slice %dma_start3A_556[%dma_start3A_544, %dma_start3A_557] : memref<4x128xi32, #tpu.memory_space<vmem>> -> memref<1x128xi32, #tpu.memory_space<vmem>>
        %dma_start3A_559 = tpu.memref_squeeze %dma_start3A_558 : memref<1x128xi32, #tpu.memory_space<vmem>> -> memref<128xi32, #tpu.memory_space<vmem>>
        %dma_start3A_560 = tpu.memref_slice %arg3[%add3A_542] : memref<819200xi32, #tpu.memory_space<hbm>> -> memref<128xi32, #tpu.memory_space<hbm>>
        tpu.enqueue_dma source(%dma_start3A_560 : memref<128xi32, #tpu.memory_space<hbm>>) target(%dma_start3A_559 : memref<128xi32, #tpu.memory_space<vmem>>) target_semaphore(%arg10 : memref<!tpu.dma_semaphore, #tpu.memory_space<semaphore_mem>>)
        %add3A_561 = arith.constant 128 : i32
        %add3A_562 = arith.addi %add3A_540, %add3A_561 : i32
        %dma_start3A_563 = arith.constant 0 : i32
        %dma_start3A_564 = arith.constant 1 : i32
        %dma_start3A_565 = arith.constant 0 : i32
        %dma_start3A_566 = arith.constant 0 : i32
        %dma_start3A_567 = tpu.memref_slice %arg7[%dma_start3A_563, %dma_start3A_565, %dma_start3A_566] : memref<2x4x128xi32, #tpu.memory_space<vmem>> -> memref<1x4x128xi32, #tpu.memory_space<vmem>>
        %dma_start3A_568 = tpu.memref_squeeze %dma_start3A_567 : memref<1x4x128xi32, #tpu.memory_space<vmem>> -> memref<4x128xi32, #tpu.memory_space<vmem>>
        %dma_start3A_569 = arith.constant 0 : i32
        %dma_start3A_570 = tpu.memref_slice %dma_start3A_568[%dma_start3A_564, %dma_start3A_569] : memref<4x128xi32, #tpu.memory_space<vmem>> -> memref<1x128xi32, #tpu.memory_space<vmem>>
        %dma_start3A_571 = tpu.memref_squeeze %dma_start3A_570 : memref<1x128xi32, #tpu.memory_space<vmem>> -> memref<128xi32, #tpu.memory_space<vmem>>
        %dma_start3A_572 = tpu.memref_slice %arg3[%add3A_562] : memref<819200xi32, #tpu.memory_space<hbm>> -> memref<128xi32, #tpu.memory_space<hbm>>
        %dma_start3A_573 = arith.constant 0 : i32
        %dma_start3A_574 = arith.constant 0 : i32
        %dma_start3A_575 = tpu.memref_slice %arg7[%dma_start3A_563, %dma_start3A_573, %dma_start3A_574] : memref<2x4x128xi32, #tpu.memory_space<vmem>> -> memref<1x4x128xi32, #tpu.memory_space<vmem>>
        %dma_start3A_576 = tpu.memref_squeeze %dma_start3A_575 : memref<1x4x128xi32, #tpu.memory_space<vmem>> -> memref<4x128xi32, #tpu.memory_space<vmem>>
        %dma_start3A_577 = arith.constant 0 : i32
        %dma_start3A_578 = tpu.memref_slice %dma_start3A_576[%dma_start3A_564, %dma_start3A_577] : memref<4x128xi32, #tpu.memory_space<vmem>> -> memref<1x128xi32, #tpu.memory_space<vmem>>
        %dma_start3A_579 = tpu.memref_squeeze %dma_start3A_578 : memref<1x128xi32, #tpu.memory_space<vmem>> -> memref<128xi32, #tpu.memory_space<vmem>>
        %dma_start3A_580 = tpu.memref_slice %arg3[%add3A_562] : memref<819200xi32, #tpu.memory_space<hbm>> -> memref<128xi32, #tpu.memory_space<hbm>>
        tpu.enqueue_dma source(%dma_start3A_580 : memref<128xi32, #tpu.memory_space<hbm>>) target(%dma_start3A_579 : memref<128xi32, #tpu.memory_space<vmem>>) target_semaphore(%arg10 : memref<!tpu.dma_semaphore, #tpu.memory_space<semaphore_mem>>)
        %add3A_581 = arith.constant 256 : i32
        %add3A_582 = arith.addi %add3A_540, %add3A_581 : i32
        %dma_start3A_583 = arith.constant 0 : i32
        %dma_start3A_584 = arith.constant 2 : i32
        %dma_start3A_585 = arith.constant 0 : i32
        %dma_start3A_586 = arith.constant 0 : i32
        %dma_start3A_587 = tpu.memref_slice %arg7[%dma_start3A_583, %dma_start3A_585, %dma_start3A_586] : memref<2x4x128xi32, #tpu.memory_space<vmem>> -> memref<1x4x128xi32, #tpu.memory_space<vmem>>
        %dma_start3A_588 = tpu.memref_squeeze %dma_start3A_587 : memref<1x4x128xi32, #tpu.memory_space<vmem>> -> memref<4x128xi32, #tpu.memory_space<vmem>>
        %dma_start3A_589 = arith.constant 0 : i32
        %dma_start3A_590 = tpu.memref_slice %dma_start3A_588[%dma_start3A_584, %dma_start3A_589] : memref<4x128xi32, #tpu.memory_space<vmem>> -> memref<1x128xi32, #tpu.memory_space<vmem>>
        %dma_start3A_591 = tpu.memref_squeeze %dma_start3A_590 : memref<1x128xi32, #tpu.memory_space<vmem>> -> memref<128xi32, #tpu.memory_space<vmem>>
        %dma_start3A_592 = tpu.memref_slice %arg3[%add3A_582] : memref<819200xi32, #tpu.memory_space<hbm>> -> memref<128xi32, #tpu.memory_space<hbm>>
        %dma_start3A_593 = arith.constant 0 : i32
        %dma_start3A_594 = arith.constant 0 : i32
        %dma_start3A_595 = tpu.memref_slice %arg7[%dma_start3A_583, %dma_start3A_593, %dma_start3A_594] : memref<2x4x128xi32, #tpu.memory_space<vmem>> -> memref<1x4x128xi32, #tpu.memory_space<vmem>>
        %dma_start3A_596 = tpu.memref_squeeze %dma_start3A_595 : memref<1x4x128xi32, #tpu.memory_space<vmem>> -> memref<4x128xi32, #tpu.memory_space<vmem>>
        %dma_start3A_597 = arith.constant 0 : i32
        %dma_start3A_598 = tpu.memref_slice %dma_start3A_596[%dma_start3A_584, %dma_start3A_597] : memref<4x128xi32, #tpu.memory_space<vmem>> -> memref<1x128xi32, #tpu.memory_space<vmem>>
        %dma_start3A_599 = tpu.memref_squeeze %dma_start3A_598 : memref<1x128xi32, #tpu.memory_space<vmem>> -> memref<128xi32, #tpu.memory_space<vmem>>
        %dma_start3A_600 = tpu.memref_slice %arg3[%add3A_582] : memref<819200xi32, #tpu.memory_space<hbm>> -> memref<128xi32, #tpu.memory_space<hbm>>
        tpu.enqueue_dma source(%dma_start3A_600 : memref<128xi32, #tpu.memory_space<hbm>>) target(%dma_start3A_599 : memref<128xi32, #tpu.memory_space<vmem>>) target_semaphore(%arg10 : memref<!tpu.dma_semaphore, #tpu.memory_space<semaphore_mem>>)
        %add3A_601 = arith.constant 384 : i32
        %add3A_602 = arith.addi %add3A_540, %add3A_601 : i32
        %dma_start3A_603 = arith.constant 0 : i32
        %dma_start3A_604 = arith.constant 3 : i32
        %dma_start3A_605 = arith.constant 0 : i32
        %dma_start3A_606 = arith.constant 0 : i32
        %dma_start3A_607 = tpu.memref_slice %arg7[%dma_start3A_603, %dma_start3A_605, %dma_start3A_606] : memref<2x4x128xi32, #tpu.memory_space<vmem>> -> memref<1x4x128xi32, #tpu.memory_space<vmem>>
        %dma_start3A_608 = tpu.memref_squeeze %dma_start3A_607 : memref<1x4x128xi32, #tpu.memory_space<vmem>> -> memref<4x128xi32, #tpu.memory_space<vmem>>
        %dma_start3A_609 = arith.constant 0 : i32
        %dma_start3A_610 = tpu.memref_slice %dma_start3A_608[%dma_start3A_604, %dma_start3A_609] : memref<4x128xi32, #tpu.memory_space<vmem>> -> memref<1x128xi32, #tpu.memory_space<vmem>>
        %dma_start3A_611 = tpu.memref_squeeze %dma_start3A_610 : memref<1x128xi32, #tpu.memory_space<vmem>> -> memref<128xi32, #tpu.memory_space<vmem>>
        %dma_start3A_612 = tpu.memref_slice %arg3[%add3A_602] : memref<819200xi32, #tpu.memory_space<hbm>> -> memref<128xi32, #tpu.memory_space<hbm>>
        %dma_start3A_613 = arith.constant 0 : i32
        %dma_start3A_614 = arith.constant 0 : i32
        %dma_start3A_615 = tpu.memref_slice %arg7[%dma_start3A_603, %dma_start3A_613, %dma_start3A_614] : memref<2x4x128xi32, #tpu.memory_space<vmem>> -> memref<1x4x128xi32, #tpu.memory_space<vmem>>
        %dma_start3A_616 = tpu.memref_squeeze %dma_start3A_615 : memref<1x4x128xi32, #tpu.memory_space<vmem>> -> memref<4x128xi32, #tpu.memory_space<vmem>>
        %dma_start3A_617 = arith.constant 0 : i32
        %dma_start3A_618 = tpu.memref_slice %dma_start3A_616[%dma_start3A_604, %dma_start3A_617] : memref<4x128xi32, #tpu.memory_space<vmem>> -> memref<1x128xi32, #tpu.memory_space<vmem>>
        %dma_start3A_619 = tpu.memref_squeeze %dma_start3A_618 : memref<1x128xi32, #tpu.memory_space<vmem>> -> memref<128xi32, #tpu.memory_space<vmem>>
        %dma_start3A_620 = tpu.memref_slice %arg3[%add3A_602] : memref<819200xi32, #tpu.memory_space<hbm>> -> memref<128xi32, #tpu.memory_space<hbm>>
        tpu.enqueue_dma source(%dma_start3A_620 : memref<128xi32, #tpu.memory_space<hbm>>) target(%dma_start3A_619 : memref<128xi32, #tpu.memory_space<vmem>>) target_semaphore(%arg10 : memref<!tpu.dma_semaphore, #tpu.memory_space<semaphore_mem>>)
      } else {
      }
      %ge3A = arith.constant 2 : i32
      %ge3A_392 = arith.cmpi sge, %add3A_365, %ge3A : i32
      %convert_element_type3A_393 = arith.extui %ge3A_392 : i1 to i32
      %cond3A_394 = arith.constant 0 : i32
      %cond3A_395 = arith.cmpi ne, %convert_element_type3A_393, %cond3A_394 : i32
      scf.if %cond3A_395 {
        %dma_wait3A_536 = arith.constant 0 : i32
        %dma_wait3A_537 = arith.constant 0 : i32
        %dma_wait3A_538 = arith.constant 0 : i32
        %dma_wait3A_539 = tpu.memref_slice %arg8[%dma_wait3A_536, %dma_wait3A_537, %dma_wait3A_538] : memref<2x512x64xf32, #tpu.memory_space<vmem>> -> memref<1x512x64xf32, #tpu.memory_space<vmem>>
        %dma_wait3A_540 = tpu.memref_squeeze %dma_wait3A_539 : memref<1x512x64xf32, #tpu.memory_space<vmem>> -> memref<512x64xf32, #tpu.memory_space<vmem>>
        %dma_wait3A_541 = arith.constant 0 : i32
        %dma_wait3A_542 = arith.constant 0 : i32
        %dma_wait3A_543 = tpu.memref_slice %arg6[%dma_wait3A_541, %dma_wait3A_542] : memref<819200x128xf32, #tpu.memory_space<hbm>> -> memref<512x64xf32, #tpu.memory_space<hbm>>
        %dma_wait3A_544 = arith.constant 0 : i32
        %dma_wait3A_545 = arith.constant 0 : i32
        %dma_wait3A_546 = tpu.memref_slice %arg6[%dma_wait3A_544, %dma_wait3A_545] : memref<819200x128xf32, #tpu.memory_space<hbm>> -> memref<512x64xf32, #tpu.memory_space<hbm>>
        %dma_wait3A_547 = arith.constant 0 : i32
        %dma_wait3A_548 = arith.constant 0 : i32
        %dma_wait3A_549 = tpu.memref_slice %arg8[%dma_wait3A_536, %dma_wait3A_547, %dma_wait3A_548] : memref<2x512x64xf32, #tpu.memory_space<vmem>> -> memref<1x512x64xf32, #tpu.memory_space<vmem>>
        %dma_wait3A_550 = tpu.memref_squeeze %dma_wait3A_549 : memref<1x512x64xf32, #tpu.memory_space<vmem>> -> memref<512x64xf32, #tpu.memory_space<vmem>>
        tpu.wait_dma2 semaphore(%arg14 : memref<!tpu.dma_semaphore, #tpu.memory_space<semaphore_mem>>) src(%dma_wait3A_550 : memref<512x64xf32, #tpu.memory_space<vmem>>) dst(%dma_wait3A_546 : memref<512x64xf32, #tpu.memory_space<hbm>>)
      } else {
      }
      %get3A = arith.constant 0 : i32
      %get3A_396 = arith.index_cast %get3A : i32 to index
      %get3A_397 = arith.constant 0 : index
      %get3A_398 = tpu.vector_load %arg9[%get3A_396, %get3A_397] {strides = array<i32>} : memref<2x64xf32, #tpu.memory_space<vmem>>, vector<16xf32>,
      %get3A_399 = arith.constant 0 : i32
      %get3A_400 = arith.index_cast %get3A_399 : i32 to index
      %get3A_401 = arith.constant 16 : index
      %get3A_402 = tpu.vector_load %arg9[%get3A_400, %get3A_401] {strides = array<i32>} : memref<2x64xf32, #tpu.memory_space<vmem>>, vector<16xf32>,
      %get3A_403 = arith.constant 0 : i32
      %get3A_404 = arith.index_cast %get3A_403 : i32 to index
      %get3A_405 = arith.constant 32 : index
      %get3A_406 = tpu.vector_load %arg9[%get3A_404, %get3A_405] {strides = array<i32>} : memref<2x64xf32, #tpu.memory_space<vmem>>, vector<16xf32>,
      %get3A_407 = arith.constant 0 : i32
      %get3A_408 = arith.index_cast %get3A_407 : i32 to index
      %get3A_409 = arith.constant 48 : index
      %get3A_410 = tpu.vector_load %arg9[%get3A_408, %get3A_409] {strides = array<i32>} : memref<2x64xf32, #tpu.memory_space<vmem>>, vector<16xf32>,
      %get3A_411 = arith.constant 1 : i32
      %get3A_412 = arith.index_cast %get3A_411 : i32 to index
      %get3A_413 = arith.constant 0 : index
      %get3A_414 = tpu.vector_load %arg9[%get3A_412, %get3A_413] {strides = array<i32>} : memref<2x64xf32, #tpu.memory_space<vmem>>, vector<16xf32>,
      %get3A_415 = arith.constant 1 : i32
      %get3A_416 = arith.index_cast %get3A_415 : i32 to index
      %get3A_417 = arith.constant 16 : index
      %get3A_418 = tpu.vector_load %arg9[%get3A_416, %get3A_417] {strides = array<i32>} : memref<2x64xf32, #tpu.memory_space<vmem>>, vector<16xf32>,
      %get3A_419 = arith.constant 1 : i32
      %get3A_420 = arith.index_cast %get3A_419 : i32 to index
      %get3A_421 = arith.constant 32 : index
      %get3A_422 = tpu.vector_load %arg9[%get3A_420, %get3A_421] {strides = array<i32>} : memref<2x64xf32, #tpu.memory_space<vmem>>, vector<16xf32>,
      %get3A_423 = arith.constant 1 : i32
      %get3A_424 = arith.index_cast %get3A_423 : i32 to index
      %get3A_425 = arith.constant 48 : index
      %get3A_426 = tpu.vector_load %arg9[%get3A_424, %get3A_425] {strides = array<i32>} : memref<2x64xf32, #tpu.memory_space<vmem>>, vector<16xf32>,
      %parallel_loop3A = arith.constant 0 : i32
      %parallel_loop3A_427 = arith.constant 512 : i32
      %parallel_loop3A_428 = arith.constant 1 : i32
      %parallel_loop3A_429 = arith.constant 0 : i32
      scf.for %parallel_loop3A_536 = %parallel_loop3A to %parallel_loop3A_427 step %parallel_loop3A_428  : i32 {
        %parallel_loop3A_537 = arith.constant 0 : i32
        %parallel_loop3A_538 = arith.constant 0 : i32
        %parallel_loop3A_539 = tpu.memref_slice %arg8[%parallel_loop3A_429, %parallel_loop3A_537, %parallel_loop3A_538] : memref<2x512x64xf32, #tpu.memory_space<vmem>> -> memref<1x512x64xf32, #tpu.memory_space<vmem>>
        %parallel_loop3A_540 = tpu.memref_squeeze %parallel_loop3A_539 : memref<1x512x64xf32, #tpu.memory_space<vmem>> -> memref<512x64xf32, #tpu.memory_space<vmem>>
        %parallel_loop3A_541 = arith.index_cast %parallel_loop3A_536 : i32 to index
        %parallel_loop3A_542 = arith.constant 0 : index
        %parallel_loop3A_543 = tpu.vector_load %parallel_loop3A_540[%parallel_loop3A_541, %parallel_loop3A_542] {strides = array<i32>} : memref<512x64xf32, #tpu.memory_space<vmem>>, vector<16xf32>,
        %parallel_loop3A_544 = arith.constant 0 : i32
        %parallel_loop3A_545 = arith.constant 0 : i32
        %parallel_loop3A_546 = tpu.memref_slice %arg8[%parallel_loop3A_429, %parallel_loop3A_544, %parallel_loop3A_545] : memref<2x512x64xf32, #tpu.memory_space<vmem>> -> memref<1x512x64xf32, #tpu.memory_space<vmem>>
        %parallel_loop3A_547 = tpu.memref_squeeze %parallel_loop3A_546 : memref<1x512x64xf32, #tpu.memory_space<vmem>> -> memref<512x64xf32, #tpu.memory_space<vmem>>
        %parallel_loop3A_548 = arith.index_cast %parallel_loop3A_536 : i32 to index
        %parallel_loop3A_549 = arith.constant 16 : index
        %parallel_loop3A_550 = tpu.vector_load %parallel_loop3A_547[%parallel_loop3A_548, %parallel_loop3A_549] {strides = array<i32>} : memref<512x64xf32, #tpu.memory_space<vmem>>, vector<16xf32>,
        %parallel_loop3A_551 = arith.constant 0 : i32
        %parallel_loop3A_552 = arith.constant 0 : i32
        %parallel_loop3A_553 = tpu.memref_slice %arg8[%parallel_loop3A_429, %parallel_loop3A_551, %parallel_loop3A_552] : memref<2x512x64xf32, #tpu.memory_space<vmem>> -> memref<1x512x64xf32, #tpu.memory_space<vmem>>
        %parallel_loop3A_554 = tpu.memref_squeeze %parallel_loop3A_553 : memref<1x512x64xf32, #tpu.memory_space<vmem>> -> memref<512x64xf32, #tpu.memory_space<vmem>>
        %parallel_loop3A_555 = arith.index_cast %parallel_loop3A_536 : i32 to index
        %parallel_loop3A_556 = arith.constant 32 : index
        %parallel_loop3A_557 = tpu.vector_load %parallel_loop3A_554[%parallel_loop3A_555, %parallel_loop3A_556] {strides = array<i32>} : memref<512x64xf32, #tpu.memory_space<vmem>>, vector<16xf32>,
        %parallel_loop3A_558 = arith.constant 0 : i32
        %parallel_loop3A_559 = arith.constant 0 : i32
        %parallel_loop3A_560 = tpu.memref_slice %arg8[%parallel_loop3A_429, %parallel_loop3A_558, %parallel_loop3A_559] : memref<2x512x64xf32, #tpu.memory_space<vmem>> -> memref<1x512x64xf32, #tpu.memory_space<vmem>>
        %parallel_loop3A_561 = tpu.memref_squeeze %parallel_loop3A_560 : memref<1x512x64xf32, #tpu.memory_space<vmem>> -> memref<512x64xf32, #tpu.memory_space<vmem>>
        %parallel_loop3A_562 = arith.index_cast %parallel_loop3A_536 : i32 to index
        %parallel_loop3A_563 = arith.constant 48 : index
        %parallel_loop3A_564 = tpu.vector_load %parallel_loop3A_561[%parallel_loop3A_562, %parallel_loop3A_563] {strides = array<i32>} : memref<512x64xf32, #tpu.memory_space<vmem>>, vector<16xf32>,
        %parallel_loop3A_565 = arith.addf %parallel_loop3A_543, %parallel_loop3A_550 : vector<16xf32>
        %parallel_loop3A_566 = arith.addf %parallel_loop3A_557, %parallel_loop3A_564 : vector<16xf32>
        %parallel_loop3A_567 = arith.addf %parallel_loop3A_565, %parallel_loop3A_566 : vector<16xf32>
        %parallel_loop3A_568 = arith.mulf %parallel_loop3A_543, %parallel_loop3A_543 : vector<16xf32>
        %parallel_loop3A_569 = arith.mulf %parallel_loop3A_550, %parallel_loop3A_550 : vector<16xf32>
        %parallel_loop3A_570 = arith.addf %parallel_loop3A_568, %parallel_loop3A_569 : vector<16xf32>
        %parallel_loop3A_571 = arith.mulf %parallel_loop3A_557, %parallel_loop3A_557 : vector<16xf32>
        %parallel_loop3A_572 = arith.mulf %parallel_loop3A_564, %parallel_loop3A_564 : vector<16xf32>
        %parallel_loop3A_573 = arith.addf %parallel_loop3A_571, %parallel_loop3A_572 : vector<16xf32>
        %parallel_loop3A_574 = arith.addf %parallel_loop3A_570, %parallel_loop3A_573 : vector<16xf32>
        %parallel_loop3A_575 = arith.constant true
        %parallel_loop3A_576 = vector.broadcast %parallel_loop3A_575 : i1 to vector<16xi1>
        %parallel_loop3A_577 = tpu.scan <sum>, %parallel_loop3A_567 masked %parallel_loop3A_576 : vector<16xf32>, vector<16xi1> -> vector<16xf32>
        %parallel_loop3A_578 = vector.extract %parallel_loop3A_577[15] : f32 from vector<16xf32>
        %parallel_loop3A_579 = arith.constant 1.562500e-02 : f32
        %parallel_loop3A_580 = arith.mulf %parallel_loop3A_578, %parallel_loop3A_579 : f32
        %parallel_loop3A_581 = arith.constant true
        %parallel_loop3A_582 = vector.broadcast %parallel_loop3A_581 : i1 to vector<16xi1>
        %parallel_loop3A_583 = tpu.scan <sum>, %parallel_loop3A_574 masked %parallel_loop3A_582 : vector<16xf32>, vector<16xi1> -> vector<16xf32>
        %parallel_loop3A_584 = vector.extract %parallel_loop3A_583[15] : f32 from vector<16xf32>
        %parallel_loop3A_585 = arith.constant 1.562500e-02 : f32
        %parallel_loop3A_586 = arith.mulf %parallel_loop3A_584, %parallel_loop3A_585 : f32
        %parallel_loop3A_587 = arith.mulf %parallel_loop3A_580, %parallel_loop3A_580 : f32
        %parallel_loop3A_588 = arith.subf %parallel_loop3A_586, %parallel_loop3A_587 : f32
        %parallel_loop3A_589 = arith.constant 9.99999974E-6 : f32
        %parallel_loop3A_590 = arith.addf %parallel_loop3A_588, %parallel_loop3A_589 : f32
        %parallel_loop3A_591 = arith.bitcast %parallel_loop3A_590 : f32 to i32
        %parallel_loop3A_592 = arith.constant 1 : i32
        %parallel_loop3A_593 = arith.shrsi %parallel_loop3A_591, %parallel_loop3A_592 : i32
        %parallel_loop3A_594 = arith.constant 1597463007 : i32
        %parallel_loop3A_595 = arith.subi %parallel_loop3A_594, %parallel_loop3A_593 : i32
        %parallel_loop3A_596 = arith.bitcast %parallel_loop3A_595 : i32 to f32
        %parallel_loop3A_597 = arith.constant 5.000000e-01 : f32
        %parallel_loop3A_598 = arith.mulf %parallel_loop3A_597, %parallel_loop3A_590 : f32
        %parallel_loop3A_599 = arith.mulf %parallel_loop3A_598, %parallel_loop3A_596 : f32
        %parallel_loop3A_600 = arith.mulf %parallel_loop3A_599, %parallel_loop3A_596 : f32
        %parallel_loop3A_601 = arith.constant 1.500000e+00 : f32
        %parallel_loop3A_602 = arith.subf %parallel_loop3A_601, %parallel_loop3A_600 : f32
        %parallel_loop3A_603 = arith.mulf %parallel_loop3A_596, %parallel_loop3A_602 : f32
        %parallel_loop3A_604 = arith.constant 5.000000e-01 : f32
        %parallel_loop3A_605 = arith.mulf %parallel_loop3A_604, %parallel_loop3A_590 : f32
        %parallel_loop3A_606 = arith.mulf %parallel_loop3A_605, %parallel_loop3A_603 : f32
        %parallel_loop3A_607 = arith.mulf %parallel_loop3A_606, %parallel_loop3A_603 : f32
        %parallel_loop3A_608 = arith.constant 1.500000e+00 : f32
        %parallel_loop3A_609 = arith.subf %parallel_loop3A_608, %parallel_loop3A_607 : f32
        %parallel_loop3A_610 = arith.mulf %parallel_loop3A_603, %parallel_loop3A_609 : f32
        %parallel_loop3A_611 = arith.constant 5.000000e-01 : f32
        %parallel_loop3A_612 = arith.mulf %parallel_loop3A_611, %parallel_loop3A_590 : f32
        %parallel_loop3A_613 = arith.mulf %parallel_loop3A_612, %parallel_loop3A_610 : f32
        %parallel_loop3A_614 = arith.mulf %parallel_loop3A_613, %parallel_loop3A_610 : f32
        %parallel_loop3A_615 = arith.constant 1.500000e+00 : f32
        %parallel_loop3A_616 = arith.subf %parallel_loop3A_615, %parallel_loop3A_614 : f32
        %parallel_loop3A_617 = arith.mulf %parallel_loop3A_610, %parallel_loop3A_616 : f32
        %parallel_loop3A_618 = vector.broadcast %parallel_loop3A_580 : f32 to vector<16xf32>
        %parallel_loop3A_619 = vector.broadcast %parallel_loop3A_617 : f32 to vector<16xf32>
        %parallel_loop3A_620 = arith.subf %parallel_loop3A_543, %parallel_loop3A_618 : vector<16xf32>
        %parallel_loop3A_621 = arith.mulf %parallel_loop3A_620, %parallel_loop3A_619 : vector<16xf32>
        %parallel_loop3A_622 = arith.mulf %parallel_loop3A_621, %get3A_398 : vector<16xf32>
        %parallel_loop3A_623 = arith.addf %parallel_loop3A_622, %get3A_414 : vector<16xf32>
        %parallel_loop3A_624 = arith.constant 0 : i32
        %parallel_loop3A_625 = arith.constant 0 : i32
        %parallel_loop3A_626 = tpu.memref_slice %arg8[%parallel_loop3A_429, %parallel_loop3A_624, %parallel_loop3A_625] : memref<2x512x64xf32, #tpu.memory_space<vmem>> -> memref<1x512x64xf32, #tpu.memory_space<vmem>>
        %parallel_loop3A_627 = tpu.memref_squeeze %parallel_loop3A_626 : memref<1x512x64xf32, #tpu.memory_space<vmem>> -> memref<512x64xf32, #tpu.memory_space<vmem>>
        %parallel_loop3A_628 = arith.index_cast %parallel_loop3A_536 : i32 to index
        %parallel_loop3A_629 = arith.constant 0 : index
        %parallel_loop3A_630 = tpu.vector_load %parallel_loop3A_627[%parallel_loop3A_628, %parallel_loop3A_629] {strides = array<i32>} : memref<512x64xf32, #tpu.memory_space<vmem>>, vector<16xf32>,
        tpu.vector_store %parallel_loop3A_627[%parallel_loop3A_628, %parallel_loop3A_629], %parallel_loop3A_623 {strides = array<i32>} : memref<512x64xf32, #tpu.memory_space<vmem>>, vector<16xf32>,
        %parallel_loop3A_631 = arith.subf %parallel_loop3A_550, %parallel_loop3A_618 : vector<16xf32>
        %parallel_loop3A_632 = arith.mulf %parallel_loop3A_631, %parallel_loop3A_619 : vector<16xf32>
        %parallel_loop3A_633 = arith.mulf %parallel_loop3A_632, %get3A_402 : vector<16xf32>
        %parallel_loop3A_634 = arith.addf %parallel_loop3A_633, %get3A_418 : vector<16xf32>
        %parallel_loop3A_635 = arith.constant 0 : i32
        %parallel_loop3A_636 = arith.constant 0 : i32
        %parallel_loop3A_637 = tpu.memref_slice %arg8[%parallel_loop3A_429, %parallel_loop3A_635, %parallel_loop3A_636] : memref<2x512x64xf32, #tpu.memory_space<vmem>> -> memref<1x512x64xf32, #tpu.memory_space<vmem>>
        %parallel_loop3A_638 = tpu.memref_squeeze %parallel_loop3A_637 : memref<1x512x64xf32, #tpu.memory_space<vmem>> -> memref<512x64xf32, #tpu.memory_space<vmem>>
        %parallel_loop3A_639 = arith.index_cast %parallel_loop3A_536 : i32 to index
        %parallel_loop3A_640 = arith.constant 16 : index
        %parallel_loop3A_641 = tpu.vector_load %parallel_loop3A_638[%parallel_loop3A_639, %parallel_loop3A_640] {strides = array<i32>} : memref<512x64xf32, #tpu.memory_space<vmem>>, vector<16xf32>,
        tpu.vector_store %parallel_loop3A_638[%parallel_loop3A_639, %parallel_loop3A_640], %parallel_loop3A_634 {strides = array<i32>} : memref<512x64xf32, #tpu.memory_space<vmem>>, vector<16xf32>,
        %parallel_loop3A_642 = arith.subf %parallel_loop3A_557, %parallel_loop3A_618 : vector<16xf32>
        %parallel_loop3A_643 = arith.mulf %parallel_loop3A_642, %parallel_loop3A_619 : vector<16xf32>
        %parallel_loop3A_644 = arith.mulf %parallel_loop3A_643, %get3A_406 : vector<16xf32>
        %parallel_loop3A_645 = arith.addf %parallel_loop3A_644, %get3A_422 : vector<16xf32>
        %parallel_loop3A_646 = arith.constant 0 : i32
        %parallel_loop3A_647 = arith.constant 0 : i32
        %parallel_loop3A_648 = tpu.memref_slice %arg8[%parallel_loop3A_429, %parallel_loop3A_646, %parallel_loop3A_647] : memref<2x512x64xf32, #tpu.memory_space<vmem>> -> memref<1x512x64xf32, #tpu.memory_space<vmem>>
        %parallel_loop3A_649 = tpu.memref_squeeze %parallel_loop3A_648 : memref<1x512x64xf32, #tpu.memory_space<vmem>> -> memref<512x64xf32, #tpu.memory_space<vmem>>
        %parallel_loop3A_650 = arith.index_cast %parallel_loop3A_536 : i32 to index
        %parallel_loop3A_651 = arith.constant 32 : index
        %parallel_loop3A_652 = tpu.vector_load %parallel_loop3A_649[%parallel_loop3A_650, %parallel_loop3A_651] {strides = array<i32>} : memref<512x64xf32, #tpu.memory_space<vmem>>, vector<16xf32>,
        tpu.vector_store %parallel_loop3A_649[%parallel_loop3A_650, %parallel_loop3A_651], %parallel_loop3A_645 {strides = array<i32>} : memref<512x64xf32, #tpu.memory_space<vmem>>, vector<16xf32>,
        %parallel_loop3A_653 = arith.subf %parallel_loop3A_564, %parallel_loop3A_618 : vector<16xf32>
        %parallel_loop3A_654 = arith.mulf %parallel_loop3A_653, %parallel_loop3A_619 : vector<16xf32>
        %parallel_loop3A_655 = arith.mulf %parallel_loop3A_654, %get3A_410 : vector<16xf32>
        %parallel_loop3A_656 = arith.addf %parallel_loop3A_655, %get3A_426 : vector<16xf32>
        %parallel_loop3A_657 = arith.constant 0 : i32
        %parallel_loop3A_658 = arith.constant 0 : i32
        %parallel_loop3A_659 = tpu.memref_slice %arg8[%parallel_loop3A_429, %parallel_loop3A_657, %parallel_loop3A_658] : memref<2x512x64xf32, #tpu.memory_space<vmem>> -> memref<1x512x64xf32, #tpu.memory_space<vmem>>
        %parallel_loop3A_660 = tpu.memref_squeeze %parallel_loop3A_659 : memref<1x512x64xf32, #tpu.memory_space<vmem>> -> memref<512x64xf32, #tpu.memory_space<vmem>>
        %parallel_loop3A_661 = arith.index_cast %parallel_loop3A_536 : i32 to index
        %parallel_loop3A_662 = arith.constant 48 : index
        %parallel_loop3A_663 = tpu.vector_load %parallel_loop3A_660[%parallel_loop3A_661, %parallel_loop3A_662] {strides = array<i32>} : memref<512x64xf32, #tpu.memory_space<vmem>>, vector<16xf32>,
        tpu.vector_store %parallel_loop3A_660[%parallel_loop3A_661, %parallel_loop3A_662], %parallel_loop3A_656 {strides = array<i32>} : memref<512x64xf32, #tpu.memory_space<vmem>>, vector<16xf32>,
      } {sc.loop_unroll_factor = 8 : i64, sc.parallel_access}
      %mul3A_430 = arith.constant 512 : i32
      %mul3A_431 = arith.muli %add3A_365, %mul3A_430 : i32
      %add3A_432 = arith.addi %mul3A_2, %mul3A_431 : i32
      %dma_start3A_433 = arith.constant 0 : i32
      %dma_start3A_434 = arith.constant 0 : i32
      %dma_start3A_435 = arith.constant 0 : i32
      %dma_start3A_436 = tpu.memref_slice %arg8[%dma_start3A_433, %dma_start3A_434, %dma_start3A_435] : memref<2x512x64xf32, #tpu.memory_space<vmem>> -> memref<1x512x64xf32, #tpu.memory_space<vmem>>
      %dma_start3A_437 = tpu.memref_squeeze %dma_start3A_436 : memref<1x512x64xf32, #tpu.memory_space<vmem>> -> memref<512x64xf32, #tpu.memory_space<vmem>>
      %dma_start3A_438 = arith.constant 0 : i32
      %dma_start3A_439 = tpu.memref_slice %arg6[%add3A_432, %dma_start3A_438] : memref<819200x128xf32, #tpu.memory_space<hbm>> -> memref<512x64xf32, #tpu.memory_space<hbm>>
      %dma_start3A_440 = arith.constant 0 : i32
      %dma_start3A_441 = tpu.memref_slice %arg6[%add3A_432, %dma_start3A_440] : memref<819200x128xf32, #tpu.memory_space<hbm>> -> memref<512x64xf32, #tpu.memory_space<hbm>>
      %dma_start3A_442 = arith.constant 0 : i32
      %dma_start3A_443 = arith.constant 0 : i32
      %dma_start3A_444 = tpu.memref_slice %arg8[%dma_start3A_433, %dma_start3A_442, %dma_start3A_443] : memref<2x512x64xf32, #tpu.memory_space<vmem>> -> memref<1x512x64xf32, #tpu.memory_space<vmem>>
      %dma_start3A_445 = tpu.memref_squeeze %dma_start3A_444 : memref<1x512x64xf32, #tpu.memory_space<vmem>> -> memref<512x64xf32, #tpu.memory_space<vmem>>
      tpu.enqueue_dma source(%dma_start3A_445 : memref<512x64xf32, #tpu.memory_space<vmem>>) target(%dma_start3A_441 : memref<512x64xf32, #tpu.memory_space<hbm>>) target_semaphore(%arg14 : memref<!tpu.dma_semaphore, #tpu.memory_space<semaphore_mem>>)
      %mul3A_446 = arith.constant 2 : i32
      %mul3A_447 = arith.muli %scan3A_361, %mul3A_446 : i32
      %add3A_448 = arith.constant 1 : i32
      %add3A_449 = arith.addi %mul3A_447, %add3A_448 : i32
      %dma_wait3A_450 = arith.constant 1 : i32
      %dma_wait3A_451 = arith.constant 0 : i32
      %dma_wait3A_452 = arith.constant 0 : i32
      %dma_wait3A_453 = tpu.memref_slice %arg8[%dma_wait3A_450, %dma_wait3A_451, %dma_wait3A_452] : memref<2x512x64xf32, #tpu.memory_space<vmem>> -> memref<1x512x64xf32, #tpu.memory_space<vmem>>
      %dma_wait3A_454 = tpu.memref_squeeze %dma_wait3A_453 : memref<1x512x64xf32, #tpu.memory_space<vmem>> -> memref<512x64xf32, #tpu.memory_space<vmem>>
      %dma_wait3A_455 = arith.constant 0 : i32
      %dma_wait3A_456 = arith.constant 0 : i32
      %dma_wait3A_457 = tpu.memref_slice %arg2[%dma_wait3A_455, %dma_wait3A_456] : memref<100000x64xf32, #tpu.memory_space<hbm>> -> memref<512x64xf32, #tpu.memory_space<hbm>>
      %dma_wait3A_458 = arith.constant 0 : i32
      %dma_wait3A_459 = arith.constant 0 : i32
      %dma_wait3A_460 = tpu.memref_slice %arg8[%dma_wait3A_450, %dma_wait3A_458, %dma_wait3A_459] : memref<2x512x64xf32, #tpu.memory_space<vmem>> -> memref<1x512x64xf32, #tpu.memory_space<vmem>>
      %dma_wait3A_461 = tpu.memref_squeeze %dma_wait3A_460 : memref<1x512x64xf32, #tpu.memory_space<vmem>> -> memref<512x64xf32, #tpu.memory_space<vmem>>
      %dma_wait3A_462 = arith.constant 0 : i32
      %dma_wait3A_463 = arith.constant 0 : i32
      %dma_wait3A_464 = tpu.memref_slice %arg2[%dma_wait3A_462, %dma_wait3A_463] : memref<100000x64xf32, #tpu.memory_space<hbm>> -> memref<512x64xf32, #tpu.memory_space<hbm>>
      tpu.wait_dma2 semaphore(%arg13 : memref<!tpu.dma_semaphore, #tpu.memory_space<semaphore_mem>>) src(%dma_wait3A_464 : memref<512x64xf32, #tpu.memory_space<hbm>>) dst(%dma_wait3A_461 : memref<512x64xf32, #tpu.memory_space<vmem>>)
      %add3A_465 = arith.constant 1 : i32
      %add3A_466 = arith.addi %add3A_449, %add3A_465 : i32
      %lt3A_467 = arith.constant 50 : i32
      %lt3A_468 = arith.cmpi slt, %add3A_466, %lt3A_467 : i32
      %convert_element_type3A_469 = arith.extui %lt3A_468 : i1 to i32
      %cond3A_470 = arith.constant 0 : i32
      %cond3A_471 = arith.cmpi ne, %convert_element_type3A_469, %cond3A_470 : i32
      scf.if %cond3A_471 {
        %dma_wait3A_536 = arith.constant 0 : i32
        %dma_wait3A_537 = arith.constant 0 : i32
        %dma_wait3A_538 = arith.constant 0 : i32
        %dma_wait3A_539 = arith.constant 0 : i32
        %dma_wait3A_540 = tpu.memref_slice %arg7[%dma_wait3A_536, %dma_wait3A_538, %dma_wait3A_539] : memref<2x4x128xi32, #tpu.memory_space<vmem>> -> memref<1x4x128xi32, #tpu.memory_space<vmem>>
        %dma_wait3A_541 = tpu.memref_squeeze %dma_wait3A_540 : memref<1x4x128xi32, #tpu.memory_space<vmem>> -> memref<4x128xi32, #tpu.memory_space<vmem>>
        %dma_wait3A_542 = arith.constant 0 : i32
        %dma_wait3A_543 = tpu.memref_slice %dma_wait3A_541[%dma_wait3A_537, %dma_wait3A_542] : memref<4x128xi32, #tpu.memory_space<vmem>> -> memref<1x128xi32, #tpu.memory_space<vmem>>
        %dma_wait3A_544 = tpu.memref_squeeze %dma_wait3A_543 : memref<1x128xi32, #tpu.memory_space<vmem>> -> memref<128xi32, #tpu.memory_space<vmem>>
        %dma_wait3A_545 = arith.constant 0 : i32
        %dma_wait3A_546 = tpu.memref_slice %arg3[%dma_wait3A_545] : memref<819200xi32, #tpu.memory_space<hbm>> -> memref<128xi32, #tpu.memory_space<hbm>>
        %dma_wait3A_547 = arith.constant 0 : i32
        %dma_wait3A_548 = arith.constant 0 : i32
        %dma_wait3A_549 = tpu.memref_slice %arg7[%dma_wait3A_536, %dma_wait3A_547, %dma_wait3A_548] : memref<2x4x128xi32, #tpu.memory_space<vmem>> -> memref<1x4x128xi32, #tpu.memory_space<vmem>>
        %dma_wait3A_550 = tpu.memref_squeeze %dma_wait3A_549 : memref<1x4x128xi32, #tpu.memory_space<vmem>> -> memref<4x128xi32, #tpu.memory_space<vmem>>
        %dma_wait3A_551 = arith.constant 0 : i32
        %dma_wait3A_552 = tpu.memref_slice %dma_wait3A_550[%dma_wait3A_537, %dma_wait3A_551] : memref<4x128xi32, #tpu.memory_space<vmem>> -> memref<1x128xi32, #tpu.memory_space<vmem>>
        %dma_wait3A_553 = tpu.memref_squeeze %dma_wait3A_552 : memref<1x128xi32, #tpu.memory_space<vmem>> -> memref<128xi32, #tpu.memory_space<vmem>>
        %dma_wait3A_554 = arith.constant 0 : i32
        %dma_wait3A_555 = tpu.memref_slice %arg3[%dma_wait3A_554] : memref<819200xi32, #tpu.memory_space<hbm>> -> memref<128xi32, #tpu.memory_space<hbm>>
        tpu.wait_dma2 semaphore(%arg10 : memref<!tpu.dma_semaphore, #tpu.memory_space<semaphore_mem>>) src(%dma_wait3A_555 : memref<128xi32, #tpu.memory_space<hbm>>) dst(%dma_wait3A_553 : memref<128xi32, #tpu.memory_space<vmem>>)
        %dma_wait3A_556 = arith.constant 0 : i32
        %dma_wait3A_557 = arith.constant 1 : i32
        %dma_wait3A_558 = arith.constant 0 : i32
        %dma_wait3A_559 = arith.constant 0 : i32
        %dma_wait3A_560 = tpu.memref_slice %arg7[%dma_wait3A_556, %dma_wait3A_558, %dma_wait3A_559] : memref<2x4x128xi32, #tpu.memory_space<vmem>> -> memref<1x4x128xi32, #tpu.memory_space<vmem>>
        %dma_wait3A_561 = tpu.memref_squeeze %dma_wait3A_560 : memref<1x4x128xi32, #tpu.memory_space<vmem>> -> memref<4x128xi32, #tpu.memory_space<vmem>>
        %dma_wait3A_562 = arith.constant 0 : i32
        %dma_wait3A_563 = tpu.memref_slice %dma_wait3A_561[%dma_wait3A_557, %dma_wait3A_562] : memref<4x128xi32, #tpu.memory_space<vmem>> -> memref<1x128xi32, #tpu.memory_space<vmem>>
        %dma_wait3A_564 = tpu.memref_squeeze %dma_wait3A_563 : memref<1x128xi32, #tpu.memory_space<vmem>> -> memref<128xi32, #tpu.memory_space<vmem>>
        %dma_wait3A_565 = arith.constant 0 : i32
        %dma_wait3A_566 = tpu.memref_slice %arg3[%dma_wait3A_565] : memref<819200xi32, #tpu.memory_space<hbm>> -> memref<128xi32, #tpu.memory_space<hbm>>
        %dma_wait3A_567 = arith.constant 0 : i32
        %dma_wait3A_568 = arith.constant 0 : i32
        %dma_wait3A_569 = tpu.memref_slice %arg7[%dma_wait3A_556, %dma_wait3A_567, %dma_wait3A_568] : memref<2x4x128xi32, #tpu.memory_space<vmem>> -> memref<1x4x128xi32, #tpu.memory_space<vmem>>
        %dma_wait3A_570 = tpu.memref_squeeze %dma_wait3A_569 : memref<1x4x128xi32, #tpu.memory_space<vmem>> -> memref<4x128xi32, #tpu.memory_space<vmem>>
        %dma_wait3A_571 = arith.constant 0 : i32
        %dma_wait3A_572 = tpu.memref_slice %dma_wait3A_570[%dma_wait3A_557, %dma_wait3A_571] : memref<4x128xi32, #tpu.memory_space<vmem>> -> memref<1x128xi32, #tpu.memory_space<vmem>>
        %dma_wait3A_573 = tpu.memref_squeeze %dma_wait3A_572 : memref<1x128xi32, #tpu.memory_space<vmem>> -> memref<128xi32, #tpu.memory_space<vmem>>
        %dma_wait3A_574 = arith.constant 0 : i32
        %dma_wait3A_575 = tpu.memref_slice %arg3[%dma_wait3A_574] : memref<819200xi32, #tpu.memory_space<hbm>> -> memref<128xi32, #tpu.memory_space<hbm>>
        tpu.wait_dma2 semaphore(%arg10 : memref<!tpu.dma_semaphore, #tpu.memory_space<semaphore_mem>>) src(%dma_wait3A_575 : memref<128xi32, #tpu.memory_space<hbm>>) dst(%dma_wait3A_573 : memref<128xi32, #tpu.memory_space<vmem>>)
        %dma_wait3A_576 = arith.constant 0 : i32
        %dma_wait3A_577 = arith.constant 2 : i32
        %dma_wait3A_578 = arith.constant 0 : i32
        %dma_wait3A_579 = arith.constant 0 : i32
        %dma_wait3A_580 = tpu.memref_slice %arg7[%dma_wait3A_576, %dma_wait3A_578, %dma_wait3A_579] : memref<2x4x128xi32, #tpu.memory_space<vmem>> -> memref<1x4x128xi32, #tpu.memory_space<vmem>>
        %dma_wait3A_581 = tpu.memref_squeeze %dma_wait3A_580 : memref<1x4x128xi32, #tpu.memory_space<vmem>> -> memref<4x128xi32, #tpu.memory_space<vmem>>
        %dma_wait3A_582 = arith.constant 0 : i32
        %dma_wait3A_583 = tpu.memref_slice %dma_wait3A_581[%dma_wait3A_577, %dma_wait3A_582] : memref<4x128xi32, #tpu.memory_space<vmem>> -> memref<1x128xi32, #tpu.memory_space<vmem>>
        %dma_wait3A_584 = tpu.memref_squeeze %dma_wait3A_583 : memref<1x128xi32, #tpu.memory_space<vmem>> -> memref<128xi32, #tpu.memory_space<vmem>>
        %dma_wait3A_585 = arith.constant 0 : i32
        %dma_wait3A_586 = tpu.memref_slice %arg3[%dma_wait3A_585] : memref<819200xi32, #tpu.memory_space<hbm>> -> memref<128xi32, #tpu.memory_space<hbm>>
        %dma_wait3A_587 = arith.constant 0 : i32
        %dma_wait3A_588 = arith.constant 0 : i32
        %dma_wait3A_589 = tpu.memref_slice %arg7[%dma_wait3A_576, %dma_wait3A_587, %dma_wait3A_588] : memref<2x4x128xi32, #tpu.memory_space<vmem>> -> memref<1x4x128xi32, #tpu.memory_space<vmem>>
        %dma_wait3A_590 = tpu.memref_squeeze %dma_wait3A_589 : memref<1x4x128xi32, #tpu.memory_space<vmem>> -> memref<4x128xi32, #tpu.memory_space<vmem>>
        %dma_wait3A_591 = arith.constant 0 : i32
        %dma_wait3A_592 = tpu.memref_slice %dma_wait3A_590[%dma_wait3A_577, %dma_wait3A_591] : memref<4x128xi32, #tpu.memory_space<vmem>> -> memref<1x128xi32, #tpu.memory_space<vmem>>
        %dma_wait3A_593 = tpu.memref_squeeze %dma_wait3A_592 : memref<1x128xi32, #tpu.memory_space<vmem>> -> memref<128xi32, #tpu.memory_space<vmem>>
        %dma_wait3A_594 = arith.constant 0 : i32
        %dma_wait3A_595 = tpu.memref_slice %arg3[%dma_wait3A_594] : memref<819200xi32, #tpu.memory_space<hbm>> -> memref<128xi32, #tpu.memory_space<hbm>>
        tpu.wait_dma2 semaphore(%arg10 : memref<!tpu.dma_semaphore, #tpu.memory_space<semaphore_mem>>) src(%dma_wait3A_595 : memref<128xi32, #tpu.memory_space<hbm>>) dst(%dma_wait3A_593 : memref<128xi32, #tpu.memory_space<vmem>>)
        %dma_wait3A_596 = arith.constant 0 : i32
        %dma_wait3A_597 = arith.constant 3 : i32
        %dma_wait3A_598 = arith.constant 0 : i32
        %dma_wait3A_599 = arith.constant 0 : i32
        %dma_wait3A_600 = tpu.memref_slice %arg7[%dma_wait3A_596, %dma_wait3A_598, %dma_wait3A_599] : memref<2x4x128xi32, #tpu.memory_space<vmem>> -> memref<1x4x128xi32, #tpu.memory_space<vmem>>
        %dma_wait3A_601 = tpu.memref_squeeze %dma_wait3A_600 : memref<1x4x128xi32, #tpu.memory_space<vmem>> -> memref<4x128xi32, #tpu.memory_space<vmem>>
        %dma_wait3A_602 = arith.constant 0 : i32
        %dma_wait3A_603 = tpu.memref_slice %dma_wait3A_601[%dma_wait3A_597, %dma_wait3A_602] : memref<4x128xi32, #tpu.memory_space<vmem>> -> memref<1x128xi32, #tpu.memory_space<vmem>>
        %dma_wait3A_604 = tpu.memref_squeeze %dma_wait3A_603 : memref<1x128xi32, #tpu.memory_space<vmem>> -> memref<128xi32, #tpu.memory_space<vmem>>
        %dma_wait3A_605 = arith.constant 0 : i32
        %dma_wait3A_606 = tpu.memref_slice %arg3[%dma_wait3A_605] : memref<819200xi32, #tpu.memory_space<hbm>> -> memref<128xi32, #tpu.memory_space<hbm>>
        %dma_wait3A_607 = arith.constant 0 : i32
        %dma_wait3A_608 = arith.constant 0 : i32
        %dma_wait3A_609 = tpu.memref_slice %arg7[%dma_wait3A_596, %dma_wait3A_607, %dma_wait3A_608] : memref<2x4x128xi32, #tpu.memory_space<vmem>> -> memref<1x4x128xi32, #tpu.memory_space<vmem>>
        %dma_wait3A_610 = tpu.memref_squeeze %dma_wait3A_609 : memref<1x4x128xi32, #tpu.memory_space<vmem>> -> memref<4x128xi32, #tpu.memory_space<vmem>>
        %dma_wait3A_611 = arith.constant 0 : i32
        %dma_wait3A_612 = tpu.memref_slice %dma_wait3A_610[%dma_wait3A_597, %dma_wait3A_611] : memref<4x128xi32, #tpu.memory_space<vmem>> -> memref<1x128xi32, #tpu.memory_space<vmem>>
        %dma_wait3A_613 = tpu.memref_squeeze %dma_wait3A_612 : memref<1x128xi32, #tpu.memory_space<vmem>> -> memref<128xi32, #tpu.memory_space<vmem>>
        %dma_wait3A_614 = arith.constant 0 : i32
        %dma_wait3A_615 = tpu.memref_slice %arg3[%dma_wait3A_614] : memref<819200xi32, #tpu.memory_space<hbm>> -> memref<128xi32, #tpu.memory_space<hbm>>
        tpu.wait_dma2 semaphore(%arg10 : memref<!tpu.dma_semaphore, #tpu.memory_space<semaphore_mem>>) src(%dma_wait3A_615 : memref<128xi32, #tpu.memory_space<hbm>>) dst(%dma_wait3A_613 : memref<128xi32, #tpu.memory_space<vmem>>)
        %dma_start3A_616 = arith.constant 0 : i32
        %dma_start3A_617 = arith.constant 0 : i32
        %dma_start3A_618 = arith.constant 0 : i32
        %dma_start3A_619 = arith.constant 0 : i32
        %dma_start3A_620 = arith.constant 0 : i32
        %dma_start3A_621 = tpu.memref_slice %arg8[%dma_start3A_618, %dma_start3A_619, %dma_start3A_620] : memref<2x512x64xf32, #tpu.memory_space<vmem>> -> memref<1x512x64xf32, #tpu.memory_space<vmem>>
        %dma_start3A_622 = tpu.memref_squeeze %dma_start3A_621 : memref<1x512x64xf32, #tpu.memory_space<vmem>> -> memref<512x64xf32, #tpu.memory_space<vmem>>
        %dma_start3A_623 = arith.constant 0 : i32
        %dma_start3A_624 = arith.constant 0 : i32
        %dma_start3A_625 = tpu.memref_slice %dma_start3A_622[%dma_start3A_623, %dma_start3A_624] : memref<512x64xf32, #tpu.memory_space<vmem>> -> memref<128x64xf32, #tpu.memory_space<vmem>>
        %dma_start3A_626 = arith.constant 0 : i32
        %dma_start3A_627 = arith.constant 0 : i32
        %dma_start3A_628 = tpu.memref_slice %arg7[%dma_start3A_616, %dma_start3A_626, %dma_start3A_627] : memref<2x4x128xi32, #tpu.memory_space<vmem>> -> memref<1x4x128xi32, #tpu.memory_space<vmem>>
        %dma_start3A_629 = tpu.memref_squeeze %dma_start3A_628 : memref<1x4x128xi32, #tpu.memory_space<vmem>> -> memref<4x128xi32, #tpu.memory_space<vmem>>
        %dma_start3A_630 = arith.constant 0 : i32
        %dma_start3A_631 = tpu.memref_slice %dma_start3A_629[%dma_start3A_617, %dma_start3A_630] : memref<4x128xi32, #tpu.memory_space<vmem>> -> memref<1x128xi32, #tpu.memory_space<vmem>>
        %dma_start3A_632 = tpu.memref_squeeze %dma_start3A_631 : memref<1x128xi32, #tpu.memory_space<vmem>> -> memref<128xi32, #tpu.memory_space<vmem>>
        %dma_start3A_633 = arith.constant 0 : i32
        %dma_start3A_634 = arith.constant 0 : i32
        %dma_start3A_635 = tpu.memref_slice %arg2[%dma_start3A_633, %dma_start3A_634] : memref<100000x64xf32, #tpu.memory_space<hbm>> -> memref<100000x64xf32, #tpu.memory_space<hbm>>
        tpu.enqueue_indirect_dma source(%dma_start3A_635 : memref<100000x64xf32, #tpu.memory_space<hbm>>) target(%dma_start3A_625 : memref<128x64xf32, #tpu.memory_space<vmem>>) offsets(%dma_start3A_632 : memref<128xi32, #tpu.memory_space<vmem>>) semaphore(%arg12 : memref<!tpu.dma_semaphore, #tpu.memory_space<semaphore_mem>>)
        %dma_start3A_636 = arith.constant 0 : i32
        %dma_start3A_637 = arith.constant 1 : i32
        %dma_start3A_638 = arith.constant 0 : i32
        %dma_start3A_639 = arith.constant 0 : i32
        %dma_start3A_640 = arith.constant 0 : i32
        %dma_start3A_641 = tpu.memref_slice %arg8[%dma_start3A_638, %dma_start3A_639, %dma_start3A_640] : memref<2x512x64xf32, #tpu.memory_space<vmem>> -> memref<1x512x64xf32, #tpu.memory_space<vmem>>
        %dma_start3A_642 = tpu.memref_squeeze %dma_start3A_641 : memref<1x512x64xf32, #tpu.memory_space<vmem>> -> memref<512x64xf32, #tpu.memory_space<vmem>>
        %dma_start3A_643 = arith.constant 128 : i32
        %dma_start3A_644 = arith.constant 0 : i32
        %dma_start3A_645 = tpu.memref_slice %dma_start3A_642[%dma_start3A_643, %dma_start3A_644] : memref<512x64xf32, #tpu.memory_space<vmem>> -> memref<128x64xf32, #tpu.memory_space<vmem>>
        %dma_start3A_646 = arith.constant 0 : i32
        %dma_start3A_647 = arith.constant 0 : i32
        %dma_start3A_648 = tpu.memref_slice %arg7[%dma_start3A_636, %dma_start3A_646, %dma_start3A_647] : memref<2x4x128xi32, #tpu.memory_space<vmem>> -> memref<1x4x128xi32, #tpu.memory_space<vmem>>
        %dma_start3A_649 = tpu.memref_squeeze %dma_start3A_648 : memref<1x4x128xi32, #tpu.memory_space<vmem>> -> memref<4x128xi32, #tpu.memory_space<vmem>>
        %dma_start3A_650 = arith.constant 0 : i32
        %dma_start3A_651 = tpu.memref_slice %dma_start3A_649[%dma_start3A_637, %dma_start3A_650] : memref<4x128xi32, #tpu.memory_space<vmem>> -> memref<1x128xi32, #tpu.memory_space<vmem>>
        %dma_start3A_652 = tpu.memref_squeeze %dma_start3A_651 : memref<1x128xi32, #tpu.memory_space<vmem>> -> memref<128xi32, #tpu.memory_space<vmem>>
        %dma_start3A_653 = arith.constant 0 : i32
        %dma_start3A_654 = arith.constant 0 : i32
        %dma_start3A_655 = tpu.memref_slice %arg2[%dma_start3A_653, %dma_start3A_654] : memref<100000x64xf32, #tpu.memory_space<hbm>> -> memref<100000x64xf32, #tpu.memory_space<hbm>>
        tpu.enqueue_indirect_dma source(%dma_start3A_655 : memref<100000x64xf32, #tpu.memory_space<hbm>>) target(%dma_start3A_645 : memref<128x64xf32, #tpu.memory_space<vmem>>) offsets(%dma_start3A_652 : memref<128xi32, #tpu.memory_space<vmem>>) semaphore(%arg12 : memref<!tpu.dma_semaphore, #tpu.memory_space<semaphore_mem>>)
        %dma_start3A_656 = arith.constant 0 : i32
        %dma_start3A_657 = arith.constant 2 : i32
        %dma_start3A_658 = arith.constant 0 : i32
        %dma_start3A_659 = arith.constant 0 : i32
        %dma_start3A_660 = arith.constant 0 : i32
        %dma_start3A_661 = tpu.memref_slice %arg8[%dma_start3A_658, %dma_start3A_659, %dma_start3A_660] : memref<2x512x64xf32, #tpu.memory_space<vmem>> -> memref<1x512x64xf32, #tpu.memory_space<vmem>>
        %dma_start3A_662 = tpu.memref_squeeze %dma_start3A_661 : memref<1x512x64xf32, #tpu.memory_space<vmem>> -> memref<512x64xf32, #tpu.memory_space<vmem>>
        %dma_start3A_663 = arith.constant 256 : i32
        %dma_start3A_664 = arith.constant 0 : i32
        %dma_start3A_665 = tpu.memref_slice %dma_start3A_662[%dma_start3A_663, %dma_start3A_664] : memref<512x64xf32, #tpu.memory_space<vmem>> -> memref<128x64xf32, #tpu.memory_space<vmem>>
        %dma_start3A_666 = arith.constant 0 : i32
        %dma_start3A_667 = arith.constant 0 : i32
        %dma_start3A_668 = tpu.memref_slice %arg7[%dma_start3A_656, %dma_start3A_666, %dma_start3A_667] : memref<2x4x128xi32, #tpu.memory_space<vmem>> -> memref<1x4x128xi32, #tpu.memory_space<vmem>>
        %dma_start3A_669 = tpu.memref_squeeze %dma_start3A_668 : memref<1x4x128xi32, #tpu.memory_space<vmem>> -> memref<4x128xi32, #tpu.memory_space<vmem>>
        %dma_start3A_670 = arith.constant 0 : i32
        %dma_start3A_671 = tpu.memref_slice %dma_start3A_669[%dma_start3A_657, %dma_start3A_670] : memref<4x128xi32, #tpu.memory_space<vmem>> -> memref<1x128xi32, #tpu.memory_space<vmem>>
        %dma_start3A_672 = tpu.memref_squeeze %dma_start3A_671 : memref<1x128xi32, #tpu.memory_space<vmem>> -> memref<128xi32, #tpu.memory_space<vmem>>
        %dma_start3A_673 = arith.constant 0 : i32
        %dma_start3A_674 = arith.constant 0 : i32
        %dma_start3A_675 = tpu.memref_slice %arg2[%dma_start3A_673, %dma_start3A_674] : memref<100000x64xf32, #tpu.memory_space<hbm>> -> memref<100000x64xf32, #tpu.memory_space<hbm>>
        tpu.enqueue_indirect_dma source(%dma_start3A_675 : memref<100000x64xf32, #tpu.memory_space<hbm>>) target(%dma_start3A_665 : memref<128x64xf32, #tpu.memory_space<vmem>>) offsets(%dma_start3A_672 : memref<128xi32, #tpu.memory_space<vmem>>) semaphore(%arg12 : memref<!tpu.dma_semaphore, #tpu.memory_space<semaphore_mem>>)
        %dma_start3A_676 = arith.constant 0 : i32
        %dma_start3A_677 = arith.constant 3 : i32
        %dma_start3A_678 = arith.constant 0 : i32
        %dma_start3A_679 = arith.constant 0 : i32
        %dma_start3A_680 = arith.constant 0 : i32
        %dma_start3A_681 = tpu.memref_slice %arg8[%dma_start3A_678, %dma_start3A_679, %dma_start3A_680] : memref<2x512x64xf32, #tpu.memory_space<vmem>> -> memref<1x512x64xf32, #tpu.memory_space<vmem>>
        %dma_start3A_682 = tpu.memref_squeeze %dma_start3A_681 : memref<1x512x64xf32, #tpu.memory_space<vmem>> -> memref<512x64xf32, #tpu.memory_space<vmem>>
        %dma_start3A_683 = arith.constant 384 : i32
        %dma_start3A_684 = arith.constant 0 : i32
        %dma_start3A_685 = tpu.memref_slice %dma_start3A_682[%dma_start3A_683, %dma_start3A_684] : memref<512x64xf32, #tpu.memory_space<vmem>> -> memref<128x64xf32, #tpu.memory_space<vmem>>
        %dma_start3A_686 = arith.constant 0 : i32
        %dma_start3A_687 = arith.constant 0 : i32
        %dma_start3A_688 = tpu.memref_slice %arg7[%dma_start3A_676, %dma_start3A_686, %dma_start3A_687] : memref<2x4x128xi32, #tpu.memory_space<vmem>> -> memref<1x4x128xi32, #tpu.memory_space<vmem>>
        %dma_start3A_689 = tpu.memref_squeeze %dma_start3A_688 : memref<1x4x128xi32, #tpu.memory_space<vmem>> -> memref<4x128xi32, #tpu.memory_space<vmem>>
        %dma_start3A_690 = arith.constant 0 : i32
        %dma_start3A_691 = tpu.memref_slice %dma_start3A_689[%dma_start3A_677, %dma_start3A_690] : memref<4x128xi32, #tpu.memory_space<vmem>> -> memref<1x128xi32, #tpu.memory_space<vmem>>
        %dma_start3A_692 = tpu.memref_squeeze %dma_start3A_691 : memref<1x128xi32, #tpu.memory_space<vmem>> -> memref<128xi32, #tpu.memory_space<vmem>>
        %dma_start3A_693 = arith.constant 0 : i32
        %dma_start3A_694 = arith.constant 0 : i32
        %dma_start3A_695 = tpu.memref_slice %arg2[%dma_start3A_693, %dma_start3A_694] : memref<100000x64xf32, #tpu.memory_space<hbm>> -> memref<100000x64xf32, #tpu.memory_space<hbm>>
        tpu.enqueue_indirect_dma source(%dma_start3A_695 : memref<100000x64xf32, #tpu.memory_space<hbm>>) target(%dma_start3A_685 : memref<128x64xf32, #tpu.memory_space<vmem>>) offsets(%dma_start3A_692 : memref<128xi32, #tpu.memory_space<vmem>>) semaphore(%arg12 : memref<!tpu.dma_semaphore, #tpu.memory_space<semaphore_mem>>)
      } else {
      }
      %add3A_472 = arith.constant 2 : i32
      %add3A_473 = arith.addi %add3A_449, %add3A_472 : i32
      %lt3A_474 = arith.constant 50 : i32
      %lt3A_475 = arith.cmpi slt, %add3A_473, %lt3A_474 : i32
      %convert_element_type3A_476 = arith.extui %lt3A_475 : i1 to i32
      %cond3A_477 = arith.constant 0 : i32
      %cond3A_478 = arith.cmpi ne, %convert_element_type3A_476, %cond3A_477 : i32
      scf.if %cond3A_478 {
        %add3A_536 = arith.constant 2 : i32
        %add3A_537 = arith.addi %add3A_449, %add3A_536 : i32
        %mul3A_538 = arith.constant 512 : i32
        %mul3A_539 = arith.muli %add3A_537, %mul3A_538 : i32
        %add3A_540 = arith.addi %mul3A_2, %mul3A_539 : i32
        %add3A_541 = arith.constant 0 : i32
        %add3A_542 = arith.addi %add3A_540, %add3A_541 : i32
        %dma_start3A_543 = arith.constant 1 : i32
        %dma_start3A_544 = arith.constant 0 : i32
        %dma_start3A_545 = arith.constant 0 : i32
        %dma_start3A_546 = arith.constant 0 : i32
        %dma_start3A_547 = tpu.memref_slice %arg7[%dma_start3A_543, %dma_start3A_545, %dma_start3A_546] : memref<2x4x128xi32, #tpu.memory_space<vmem>> -> memref<1x4x128xi32, #tpu.memory_space<vmem>>
        %dma_start3A_548 = tpu.memref_squeeze %dma_start3A_547 : memref<1x4x128xi32, #tpu.memory_space<vmem>> -> memref<4x128xi32, #tpu.memory_space<vmem>>
        %dma_start3A_549 = arith.constant 0 : i32
        %dma_start3A_550 = tpu.memref_slice %dma_start3A_548[%dma_start3A_544, %dma_start3A_549] : memref<4x128xi32, #tpu.memory_space<vmem>> -> memref<1x128xi32, #tpu.memory_space<vmem>>
        %dma_start3A_551 = tpu.memref_squeeze %dma_start3A_550 : memref<1x128xi32, #tpu.memory_space<vmem>> -> memref<128xi32, #tpu.memory_space<vmem>>
        %dma_start3A_552 = tpu.memref_slice %arg3[%add3A_542] : memref<819200xi32, #tpu.memory_space<hbm>> -> memref<128xi32, #tpu.memory_space<hbm>>
        %dma_start3A_553 = arith.constant 0 : i32
        %dma_start3A_554 = arith.constant 0 : i32
        %dma_start3A_555 = tpu.memref_slice %arg7[%dma_start3A_543, %dma_start3A_553, %dma_start3A_554] : memref<2x4x128xi32, #tpu.memory_space<vmem>> -> memref<1x4x128xi32, #tpu.memory_space<vmem>>
        %dma_start3A_556 = tpu.memref_squeeze %dma_start3A_555 : memref<1x4x128xi32, #tpu.memory_space<vmem>> -> memref<4x128xi32, #tpu.memory_space<vmem>>
        %dma_start3A_557 = arith.constant 0 : i32
        %dma_start3A_558 = tpu.memref_slice %dma_start3A_556[%dma_start3A_544, %dma_start3A_557] : memref<4x128xi32, #tpu.memory_space<vmem>> -> memref<1x128xi32, #tpu.memory_space<vmem>>
        %dma_start3A_559 = tpu.memref_squeeze %dma_start3A_558 : memref<1x128xi32, #tpu.memory_space<vmem>> -> memref<128xi32, #tpu.memory_space<vmem>>
        %dma_start3A_560 = tpu.memref_slice %arg3[%add3A_542] : memref<819200xi32, #tpu.memory_space<hbm>> -> memref<128xi32, #tpu.memory_space<hbm>>
        tpu.enqueue_dma source(%dma_start3A_560 : memref<128xi32, #tpu.memory_space<hbm>>) target(%dma_start3A_559 : memref<128xi32, #tpu.memory_space<vmem>>) target_semaphore(%arg11 : memref<!tpu.dma_semaphore, #tpu.memory_space<semaphore_mem>>)
        %add3A_561 = arith.constant 128 : i32
        %add3A_562 = arith.addi %add3A_540, %add3A_561 : i32
        %dma_start3A_563 = arith.constant 1 : i32
        %dma_start3A_564 = arith.constant 1 : i32
        %dma_start3A_565 = arith.constant 0 : i32
        %dma_start3A_566 = arith.constant 0 : i32
        %dma_start3A_567 = tpu.memref_slice %arg7[%dma_start3A_563, %dma_start3A_565, %dma_start3A_566] : memref<2x4x128xi32, #tpu.memory_space<vmem>> -> memref<1x4x128xi32, #tpu.memory_space<vmem>>
        %dma_start3A_568 = tpu.memref_squeeze %dma_start3A_567 : memref<1x4x128xi32, #tpu.memory_space<vmem>> -> memref<4x128xi32, #tpu.memory_space<vmem>>
        %dma_start3A_569 = arith.constant 0 : i32
        %dma_start3A_570 = tpu.memref_slice %dma_start3A_568[%dma_start3A_564, %dma_start3A_569] : memref<4x128xi32, #tpu.memory_space<vmem>> -> memref<1x128xi32, #tpu.memory_space<vmem>>
        %dma_start3A_571 = tpu.memref_squeeze %dma_start3A_570 : memref<1x128xi32, #tpu.memory_space<vmem>> -> memref<128xi32, #tpu.memory_space<vmem>>
        %dma_start3A_572 = tpu.memref_slice %arg3[%add3A_562] : memref<819200xi32, #tpu.memory_space<hbm>> -> memref<128xi32, #tpu.memory_space<hbm>>
        %dma_start3A_573 = arith.constant 0 : i32
        %dma_start3A_574 = arith.constant 0 : i32
        %dma_start3A_575 = tpu.memref_slice %arg7[%dma_start3A_563, %dma_start3A_573, %dma_start3A_574] : memref<2x4x128xi32, #tpu.memory_space<vmem>> -> memref<1x4x128xi32, #tpu.memory_space<vmem>>
        %dma_start3A_576 = tpu.memref_squeeze %dma_start3A_575 : memref<1x4x128xi32, #tpu.memory_space<vmem>> -> memref<4x128xi32, #tpu.memory_space<vmem>>
        %dma_start3A_577 = arith.constant 0 : i32
        %dma_start3A_578 = tpu.memref_slice %dma_start3A_576[%dma_start3A_564, %dma_start3A_577] : memref<4x128xi32, #tpu.memory_space<vmem>> -> memref<1x128xi32, #tpu.memory_space<vmem>>
        %dma_start3A_579 = tpu.memref_squeeze %dma_start3A_578 : memref<1x128xi32, #tpu.memory_space<vmem>> -> memref<128xi32, #tpu.memory_space<vmem>>
        %dma_start3A_580 = tpu.memref_slice %arg3[%add3A_562] : memref<819200xi32, #tpu.memory_space<hbm>> -> memref<128xi32, #tpu.memory_space<hbm>>
        tpu.enqueue_dma source(%dma_start3A_580 : memref<128xi32, #tpu.memory_space<hbm>>) target(%dma_start3A_579 : memref<128xi32, #tpu.memory_space<vmem>>) target_semaphore(%arg11 : memref<!tpu.dma_semaphore, #tpu.memory_space<semaphore_mem>>)
        %add3A_581 = arith.constant 256 : i32
        %add3A_582 = arith.addi %add3A_540, %add3A_581 : i32
        %dma_start3A_583 = arith.constant 1 : i32
        %dma_start3A_584 = arith.constant 2 : i32
        %dma_start3A_585 = arith.constant 0 : i32
        %dma_start3A_586 = arith.constant 0 : i32
        %dma_start3A_587 = tpu.memref_slice %arg7[%dma_start3A_583, %dma_start3A_585, %dma_start3A_586] : memref<2x4x128xi32, #tpu.memory_space<vmem>> -> memref<1x4x128xi32, #tpu.memory_space<vmem>>
        %dma_start3A_588 = tpu.memref_squeeze %dma_start3A_587 : memref<1x4x128xi32, #tpu.memory_space<vmem>> -> memref<4x128xi32, #tpu.memory_space<vmem>>
        %dma_start3A_589 = arith.constant 0 : i32
        %dma_start3A_590 = tpu.memref_slice %dma_start3A_588[%dma_start3A_584, %dma_start3A_589] : memref<4x128xi32, #tpu.memory_space<vmem>> -> memref<1x128xi32, #tpu.memory_space<vmem>>
        %dma_start3A_591 = tpu.memref_squeeze %dma_start3A_590 : memref<1x128xi32, #tpu.memory_space<vmem>> -> memref<128xi32, #tpu.memory_space<vmem>>
        %dma_start3A_592 = tpu.memref_slice %arg3[%add3A_582] : memref<819200xi32, #tpu.memory_space<hbm>> -> memref<128xi32, #tpu.memory_space<hbm>>
        %dma_start3A_593 = arith.constant 0 : i32
        %dma_start3A_594 = arith.constant 0 : i32
        %dma_start3A_595 = tpu.memref_slice %arg7[%dma_start3A_583, %dma_start3A_593, %dma_start3A_594] : memref<2x4x128xi32, #tpu.memory_space<vmem>> -> memref<1x4x128xi32, #tpu.memory_space<vmem>>
        %dma_start3A_596 = tpu.memref_squeeze %dma_start3A_595 : memref<1x4x128xi32, #tpu.memory_space<vmem>> -> memref<4x128xi32, #tpu.memory_space<vmem>>
        %dma_start3A_597 = arith.constant 0 : i32
        %dma_start3A_598 = tpu.memref_slice %dma_start3A_596[%dma_start3A_584, %dma_start3A_597] : memref<4x128xi32, #tpu.memory_space<vmem>> -> memref<1x128xi32, #tpu.memory_space<vmem>>
        %dma_start3A_599 = tpu.memref_squeeze %dma_start3A_598 : memref<1x128xi32, #tpu.memory_space<vmem>> -> memref<128xi32, #tpu.memory_space<vmem>>
        %dma_start3A_600 = tpu.memref_slice %arg3[%add3A_582] : memref<819200xi32, #tpu.memory_space<hbm>> -> memref<128xi32, #tpu.memory_space<hbm>>
        tpu.enqueue_dma source(%dma_start3A_600 : memref<128xi32, #tpu.memory_space<hbm>>) target(%dma_start3A_599 : memref<128xi32, #tpu.memory_space<vmem>>) target_semaphore(%arg11 : memref<!tpu.dma_semaphore, #tpu.memory_space<semaphore_mem>>)
        %add3A_601 = arith.constant 384 : i32
        %add3A_602 = arith.addi %add3A_540, %add3A_601 : i32
        %dma_start3A_603 = arith.constant 1 : i32
        %dma_start3A_604 = arith.constant 3 : i32
        %dma_start3A_605 = arith.constant 0 : i32
        %dma_start3A_606 = arith.constant 0 : i32
        %dma_start3A_607 = tpu.memref_slice %arg7[%dma_start3A_603, %dma_start3A_605, %dma_start3A_606] : memref<2x4x128xi32, #tpu.memory_space<vmem>> -> memref<1x4x128xi32, #tpu.memory_space<vmem>>
        %dma_start3A_608 = tpu.memref_squeeze %dma_start3A_607 : memref<1x4x128xi32, #tpu.memory_space<vmem>> -> memref<4x128xi32, #tpu.memory_space<vmem>>
        %dma_start3A_609 = arith.constant 0 : i32
        %dma_start3A_610 = tpu.memref_slice %dma_start3A_608[%dma_start3A_604, %dma_start3A_609] : memref<4x128xi32, #tpu.memory_space<vmem>> -> memref<1x128xi32, #tpu.memory_space<vmem>>
        %dma_start3A_611 = tpu.memref_squeeze %dma_start3A_610 : memref<1x128xi32, #tpu.memory_space<vmem>> -> memref<128xi32, #tpu.memory_space<vmem>>
        %dma_start3A_612 = tpu.memref_slice %arg3[%add3A_602] : memref<819200xi32, #tpu.memory_space<hbm>> -> memref<128xi32, #tpu.memory_space<hbm>>
        %dma_start3A_613 = arith.constant 0 : i32
        %dma_start3A_614 = arith.constant 0 : i32
        %dma_start3A_615 = tpu.memref_slice %arg7[%dma_start3A_603, %dma_start3A_613, %dma_start3A_614] : memref<2x4x128xi32, #tpu.memory_space<vmem>> -> memref<1x4x128xi32, #tpu.memory_space<vmem>>
        %dma_start3A_616 = tpu.memref_squeeze %dma_start3A_615 : memref<1x4x128xi32, #tpu.memory_space<vmem>> -> memref<4x128xi32, #tpu.memory_space<vmem>>
        %dma_start3A_617 = arith.constant 0 : i32
        %dma_start3A_618 = tpu.memref_slice %dma_start3A_616[%dma_start3A_604, %dma_start3A_617] : memref<4x128xi32, #tpu.memory_space<vmem>> -> memref<1x128xi32, #tpu.memory_space<vmem>>
        %dma_start3A_619 = tpu.memref_squeeze %dma_start3A_618 : memref<1x128xi32, #tpu.memory_space<vmem>> -> memref<128xi32, #tpu.memory_space<vmem>>
        %dma_start3A_620 = tpu.memref_slice %arg3[%add3A_602] : memref<819200xi32, #tpu.memory_space<hbm>> -> memref<128xi32, #tpu.memory_space<hbm>>
        tpu.enqueue_dma source(%dma_start3A_620 : memref<128xi32, #tpu.memory_space<hbm>>) target(%dma_start3A_619 : memref<128xi32, #tpu.memory_space<vmem>>) target_semaphore(%arg11 : memref<!tpu.dma_semaphore, #tpu.memory_space<semaphore_mem>>)
      } else {
      }
      %ge3A_479 = arith.constant 2 : i32
      %ge3A_480 = arith.cmpi sge, %add3A_449, %ge3A_479 : i32
      %convert_element_type3A_481 = arith.extui %ge3A_480 : i1 to i32
      %cond3A_482 = arith.constant 0 : i32
      %cond3A_483 = arith.cmpi ne, %convert_element_type3A_481, %cond3A_482 : i32
      scf.if %cond3A_483 {
        %dma_wait3A_536 = arith.constant 1 : i32
        %dma_wait3A_537 = arith.constant 0 : i32
        %dma_wait3A_538 = arith.constant 0 : i32
        %dma_wait3A_539 = tpu.memref_slice %arg8[%dma_wait3A_536, %dma_wait3A_537, %dma_wait3A_538] : memref<2x512x64xf32, #tpu.memory_space<vmem>> -> memref<1x512x64xf32, #tpu.memory_space<vmem>>
        %dma_wait3A_540 = tpu.memref_squeeze %dma_wait3A_539 : memref<1x512x64xf32, #tpu.memory_space<vmem>> -> memref<512x64xf32, #tpu.memory_space<vmem>>
        %dma_wait3A_541 = arith.constant 0 : i32
        %dma_wait3A_542 = arith.constant 0 : i32
        %dma_wait3A_543 = tpu.memref_slice %arg6[%dma_wait3A_541, %dma_wait3A_542] : memref<819200x128xf32, #tpu.memory_space<hbm>> -> memref<512x64xf32, #tpu.memory_space<hbm>>
        %dma_wait3A_544 = arith.constant 0 : i32
        %dma_wait3A_545 = arith.constant 0 : i32
        %dma_wait3A_546 = tpu.memref_slice %arg6[%dma_wait3A_544, %dma_wait3A_545] : memref<819200x128xf32, #tpu.memory_space<hbm>> -> memref<512x64xf32, #tpu.memory_space<hbm>>
        %dma_wait3A_547 = arith.constant 0 : i32
        %dma_wait3A_548 = arith.constant 0 : i32
        %dma_wait3A_549 = tpu.memref_slice %arg8[%dma_wait3A_536, %dma_wait3A_547, %dma_wait3A_548] : memref<2x512x64xf32, #tpu.memory_space<vmem>> -> memref<1x512x64xf32, #tpu.memory_space<vmem>>
        %dma_wait3A_550 = tpu.memref_squeeze %dma_wait3A_549 : memref<1x512x64xf32, #tpu.memory_space<vmem>> -> memref<512x64xf32, #tpu.memory_space<vmem>>
        tpu.wait_dma2 semaphore(%arg15 : memref<!tpu.dma_semaphore, #tpu.memory_space<semaphore_mem>>) src(%dma_wait3A_550 : memref<512x64xf32, #tpu.memory_space<vmem>>) dst(%dma_wait3A_546 : memref<512x64xf32, #tpu.memory_space<hbm>>)
      } else {
      }
      %get3A_484 = arith.constant 0 : i32
      %get3A_485 = arith.index_cast %get3A_484 : i32 to index
      %get3A_486 = arith.constant 0 : index
      %get3A_487 = tpu.vector_load %arg9[%get3A_485, %get3A_486] {strides = array<i32>} : memref<2x64xf32, #tpu.memory_space<vmem>>, vector<16xf32>,
      %get3A_488 = arith.constant 0 : i32
      %get3A_489 = arith.index_cast %get3A_488 : i32 to index
      %get3A_490 = arith.constant 16 : index
      %get3A_491 = tpu.vector_load %arg9[%get3A_489, %get3A_490] {strides = array<i32>} : memref<2x64xf32, #tpu.memory_space<vmem>>, vector<16xf32>,
      %get3A_492 = arith.constant 0 : i32
      %get3A_493 = arith.index_cast %get3A_492 : i32 to index
      %get3A_494 = arith.constant 32 : index
      %get3A_495 = tpu.vector_load %arg9[%get3A_493, %get3A_494] {strides = array<i32>} : memref<2x64xf32, #tpu.memory_space<vmem>>, vector<16xf32>,
      %get3A_496 = arith.constant 0 : i32
      %get3A_497 = arith.index_cast %get3A_496 : i32 to index
      %get3A_498 = arith.constant 48 : index
      %get3A_499 = tpu.vector_load %arg9[%get3A_497, %get3A_498] {strides = array<i32>} : memref<2x64xf32, #tpu.memory_space<vmem>>, vector<16xf32>,
      %get3A_500 = arith.constant 1 : i32
      %get3A_501 = arith.index_cast %get3A_500 : i32 to index
      %get3A_502 = arith.constant 0 : index
      %get3A_503 = tpu.vector_load %arg9[%get3A_501, %get3A_502] {strides = array<i32>} : memref<2x64xf32, #tpu.memory_space<vmem>>, vector<16xf32>,
      %get3A_504 = arith.constant 1 : i32
      %get3A_505 = arith.index_cast %get3A_504 : i32 to index
      %get3A_506 = arith.constant 16 : index
      %get3A_507 = tpu.vector_load %arg9[%get3A_505, %get3A_506] {strides = array<i32>} : memref<2x64xf32, #tpu.memory_space<vmem>>, vector<16xf32>,
      %get3A_508 = arith.constant 1 : i32
      %get3A_509 = arith.index_cast %get3A_508 : i32 to index
      %get3A_510 = arith.constant 32 : index
      %get3A_511 = tpu.vector_load %arg9[%get3A_509, %get3A_510] {strides = array<i32>} : memref<2x64xf32, #tpu.memory_space<vmem>>, vector<16xf32>,
      %get3A_512 = arith.constant 1 : i32
      %get3A_513 = arith.index_cast %get3A_512 : i32 to index
      %get3A_514 = arith.constant 48 : index
      %get3A_515 = tpu.vector_load %arg9[%get3A_513, %get3A_514] {strides = array<i32>} : memref<2x64xf32, #tpu.memory_space<vmem>>, vector<16xf32>,
      %parallel_loop3A_516 = arith.constant 0 : i32
      %parallel_loop3A_517 = arith.constant 512 : i32
      %parallel_loop3A_518 = arith.constant 1 : i32
      %parallel_loop3A_519 = arith.constant 1 : i32
      scf.for %parallel_loop3A_536 = %parallel_loop3A_516 to %parallel_loop3A_517 step %parallel_loop3A_518  : i32 {
        %parallel_loop3A_537 = arith.constant 0 : i32
        %parallel_loop3A_538 = arith.constant 0 : i32
        %parallel_loop3A_539 = tpu.memref_slice %arg8[%parallel_loop3A_519, %parallel_loop3A_537, %parallel_loop3A_538] : memref<2x512x64xf32, #tpu.memory_space<vmem>> -> memref<1x512x64xf32, #tpu.memory_space<vmem>>
        %parallel_loop3A_540 = tpu.memref_squeeze %parallel_loop3A_539 : memref<1x512x64xf32, #tpu.memory_space<vmem>> -> memref<512x64xf32, #tpu.memory_space<vmem>>
        %parallel_loop3A_541 = arith.index_cast %parallel_loop3A_536 : i32 to index
        %parallel_loop3A_542 = arith.constant 0 : index
        %parallel_loop3A_543 = tpu.vector_load %parallel_loop3A_540[%parallel_loop3A_541, %parallel_loop3A_542] {strides = array<i32>} : memref<512x64xf32, #tpu.memory_space<vmem>>, vector<16xf32>,
        %parallel_loop3A_544 = arith.constant 0 : i32
        %parallel_loop3A_545 = arith.constant 0 : i32
        %parallel_loop3A_546 = tpu.memref_slice %arg8[%parallel_loop3A_519, %parallel_loop3A_544, %parallel_loop3A_545] : memref<2x512x64xf32, #tpu.memory_space<vmem>> -> memref<1x512x64xf32, #tpu.memory_space<vmem>>
        %parallel_loop3A_547 = tpu.memref_squeeze %parallel_loop3A_546 : memref<1x512x64xf32, #tpu.memory_space<vmem>> -> memref<512x64xf32, #tpu.memory_space<vmem>>
        %parallel_loop3A_548 = arith.index_cast %parallel_loop3A_536 : i32 to index
        %parallel_loop3A_549 = arith.constant 16 : index
        %parallel_loop3A_550 = tpu.vector_load %parallel_loop3A_547[%parallel_loop3A_548, %parallel_loop3A_549] {strides = array<i32>} : memref<512x64xf32, #tpu.memory_space<vmem>>, vector<16xf32>,
        %parallel_loop3A_551 = arith.constant 0 : i32
        %parallel_loop3A_552 = arith.constant 0 : i32
        %parallel_loop3A_553 = tpu.memref_slice %arg8[%parallel_loop3A_519, %parallel_loop3A_551, %parallel_loop3A_552] : memref<2x512x64xf32, #tpu.memory_space<vmem>> -> memref<1x512x64xf32, #tpu.memory_space<vmem>>
        %parallel_loop3A_554 = tpu.memref_squeeze %parallel_loop3A_553 : memref<1x512x64xf32, #tpu.memory_space<vmem>> -> memref<512x64xf32, #tpu.memory_space<vmem>>
        %parallel_loop3A_555 = arith.index_cast %parallel_loop3A_536 : i32 to index
        %parallel_loop3A_556 = arith.constant 32 : index
        %parallel_loop3A_557 = tpu.vector_load %parallel_loop3A_554[%parallel_loop3A_555, %parallel_loop3A_556] {strides = array<i32>} : memref<512x64xf32, #tpu.memory_space<vmem>>, vector<16xf32>,
        %parallel_loop3A_558 = arith.constant 0 : i32
        %parallel_loop3A_559 = arith.constant 0 : i32
        %parallel_loop3A_560 = tpu.memref_slice %arg8[%parallel_loop3A_519, %parallel_loop3A_558, %parallel_loop3A_559] : memref<2x512x64xf32, #tpu.memory_space<vmem>> -> memref<1x512x64xf32, #tpu.memory_space<vmem>>
        %parallel_loop3A_561 = tpu.memref_squeeze %parallel_loop3A_560 : memref<1x512x64xf32, #tpu.memory_space<vmem>> -> memref<512x64xf32, #tpu.memory_space<vmem>>
        %parallel_loop3A_562 = arith.index_cast %parallel_loop3A_536 : i32 to index
        %parallel_loop3A_563 = arith.constant 48 : index
        %parallel_loop3A_564 = tpu.vector_load %parallel_loop3A_561[%parallel_loop3A_562, %parallel_loop3A_563] {strides = array<i32>} : memref<512x64xf32, #tpu.memory_space<vmem>>, vector<16xf32>,
        %parallel_loop3A_565 = arith.addf %parallel_loop3A_543, %parallel_loop3A_550 : vector<16xf32>
        %parallel_loop3A_566 = arith.addf %parallel_loop3A_557, %parallel_loop3A_564 : vector<16xf32>
        %parallel_loop3A_567 = arith.addf %parallel_loop3A_565, %parallel_loop3A_566 : vector<16xf32>
        %parallel_loop3A_568 = arith.mulf %parallel_loop3A_543, %parallel_loop3A_543 : vector<16xf32>
        %parallel_loop3A_569 = arith.mulf %parallel_loop3A_550, %parallel_loop3A_550 : vector<16xf32>
        %parallel_loop3A_570 = arith.addf %parallel_loop3A_568, %parallel_loop3A_569 : vector<16xf32>
        %parallel_loop3A_571 = arith.mulf %parallel_loop3A_557, %parallel_loop3A_557 : vector<16xf32>
        %parallel_loop3A_572 = arith.mulf %parallel_loop3A_564, %parallel_loop3A_564 : vector<16xf32>
        %parallel_loop3A_573 = arith.addf %parallel_loop3A_571, %parallel_loop3A_572 : vector<16xf32>
        %parallel_loop3A_574 = arith.addf %parallel_loop3A_570, %parallel_loop3A_573 : vector<16xf32>
        %parallel_loop3A_575 = arith.constant true
        %parallel_loop3A_576 = vector.broadcast %parallel_loop3A_575 : i1 to vector<16xi1>
        %parallel_loop3A_577 = tpu.scan <sum>, %parallel_loop3A_567 masked %parallel_loop3A_576 : vector<16xf32>, vector<16xi1> -> vector<16xf32>
        %parallel_loop3A_578 = vector.extract %parallel_loop3A_577[15] : f32 from vector<16xf32>
        %parallel_loop3A_579 = arith.constant 1.562500e-02 : f32
        %parallel_loop3A_580 = arith.mulf %parallel_loop3A_578, %parallel_loop3A_579 : f32
        %parallel_loop3A_581 = arith.constant true
        %parallel_loop3A_582 = vector.broadcast %parallel_loop3A_581 : i1 to vector<16xi1>
        %parallel_loop3A_583 = tpu.scan <sum>, %parallel_loop3A_574 masked %parallel_loop3A_582 : vector<16xf32>, vector<16xi1> -> vector<16xf32>
        %parallel_loop3A_584 = vector.extract %parallel_loop3A_583[15] : f32 from vector<16xf32>
        %parallel_loop3A_585 = arith.constant 1.562500e-02 : f32
        %parallel_loop3A_586 = arith.mulf %parallel_loop3A_584, %parallel_loop3A_585 : f32
        %parallel_loop3A_587 = arith.mulf %parallel_loop3A_580, %parallel_loop3A_580 : f32
        %parallel_loop3A_588 = arith.subf %parallel_loop3A_586, %parallel_loop3A_587 : f32
        %parallel_loop3A_589 = arith.constant 9.99999974E-6 : f32
        %parallel_loop3A_590 = arith.addf %parallel_loop3A_588, %parallel_loop3A_589 : f32
        %parallel_loop3A_591 = arith.bitcast %parallel_loop3A_590 : f32 to i32
        %parallel_loop3A_592 = arith.constant 1 : i32
        %parallel_loop3A_593 = arith.shrsi %parallel_loop3A_591, %parallel_loop3A_592 : i32
        %parallel_loop3A_594 = arith.constant 1597463007 : i32
        %parallel_loop3A_595 = arith.subi %parallel_loop3A_594, %parallel_loop3A_593 : i32
        %parallel_loop3A_596 = arith.bitcast %parallel_loop3A_595 : i32 to f32
        %parallel_loop3A_597 = arith.constant 5.000000e-01 : f32
        %parallel_loop3A_598 = arith.mulf %parallel_loop3A_597, %parallel_loop3A_590 : f32
        %parallel_loop3A_599 = arith.mulf %parallel_loop3A_598, %parallel_loop3A_596 : f32
        %parallel_loop3A_600 = arith.mulf %parallel_loop3A_599, %parallel_loop3A_596 : f32
        %parallel_loop3A_601 = arith.constant 1.500000e+00 : f32
        %parallel_loop3A_602 = arith.subf %parallel_loop3A_601, %parallel_loop3A_600 : f32
        %parallel_loop3A_603 = arith.mulf %parallel_loop3A_596, %parallel_loop3A_602 : f32
        %parallel_loop3A_604 = arith.constant 5.000000e-01 : f32
        %parallel_loop3A_605 = arith.mulf %parallel_loop3A_604, %parallel_loop3A_590 : f32
        %parallel_loop3A_606 = arith.mulf %parallel_loop3A_605, %parallel_loop3A_603 : f32
        %parallel_loop3A_607 = arith.mulf %parallel_loop3A_606, %parallel_loop3A_603 : f32
        %parallel_loop3A_608 = arith.constant 1.500000e+00 : f32
        %parallel_loop3A_609 = arith.subf %parallel_loop3A_608, %parallel_loop3A_607 : f32
        %parallel_loop3A_610 = arith.mulf %parallel_loop3A_603, %parallel_loop3A_609 : f32
        %parallel_loop3A_611 = arith.constant 5.000000e-01 : f32
        %parallel_loop3A_612 = arith.mulf %parallel_loop3A_611, %parallel_loop3A_590 : f32
        %parallel_loop3A_613 = arith.mulf %parallel_loop3A_612, %parallel_loop3A_610 : f32
        %parallel_loop3A_614 = arith.mulf %parallel_loop3A_613, %parallel_loop3A_610 : f32
        %parallel_loop3A_615 = arith.constant 1.500000e+00 : f32
        %parallel_loop3A_616 = arith.subf %parallel_loop3A_615, %parallel_loop3A_614 : f32
        %parallel_loop3A_617 = arith.mulf %parallel_loop3A_610, %parallel_loop3A_616 : f32
        %parallel_loop3A_618 = vector.broadcast %parallel_loop3A_580 : f32 to vector<16xf32>
        %parallel_loop3A_619 = vector.broadcast %parallel_loop3A_617 : f32 to vector<16xf32>
        %parallel_loop3A_620 = arith.subf %parallel_loop3A_543, %parallel_loop3A_618 : vector<16xf32>
        %parallel_loop3A_621 = arith.mulf %parallel_loop3A_620, %parallel_loop3A_619 : vector<16xf32>
        %parallel_loop3A_622 = arith.mulf %parallel_loop3A_621, %get3A_487 : vector<16xf32>
        %parallel_loop3A_623 = arith.addf %parallel_loop3A_622, %get3A_503 : vector<16xf32>
        %parallel_loop3A_624 = arith.constant 0 : i32
        %parallel_loop3A_625 = arith.constant 0 : i32
        %parallel_loop3A_626 = tpu.memref_slice %arg8[%parallel_loop3A_519, %parallel_loop3A_624, %parallel_loop3A_625] : memref<2x512x64xf32, #tpu.memory_space<vmem>> -> memref<1x512x64xf32, #tpu.memory_space<vmem>>
        %parallel_loop3A_627 = tpu.memref_squeeze %parallel_loop3A_626 : memref<1x512x64xf32, #tpu.memory_space<vmem>> -> memref<512x64xf32, #tpu.memory_space<vmem>>
        %parallel_loop3A_628 = arith.index_cast %parallel_loop3A_536 : i32 to index
        %parallel_loop3A_629 = arith.constant 0 : index
        %parallel_loop3A_630 = tpu.vector_load %parallel_loop3A_627[%parallel_loop3A_628, %parallel_loop3A_629] {strides = array<i32>} : memref<512x64xf32, #tpu.memory_space<vmem>>, vector<16xf32>,
        tpu.vector_store %parallel_loop3A_627[%parallel_loop3A_628, %parallel_loop3A_629], %parallel_loop3A_623 {strides = array<i32>} : memref<512x64xf32, #tpu.memory_space<vmem>>, vector<16xf32>,
        %parallel_loop3A_631 = arith.subf %parallel_loop3A_550, %parallel_loop3A_618 : vector<16xf32>
        %parallel_loop3A_632 = arith.mulf %parallel_loop3A_631, %parallel_loop3A_619 : vector<16xf32>
        %parallel_loop3A_633 = arith.mulf %parallel_loop3A_632, %get3A_491 : vector<16xf32>
        %parallel_loop3A_634 = arith.addf %parallel_loop3A_633, %get3A_507 : vector<16xf32>
        %parallel_loop3A_635 = arith.constant 0 : i32
        %parallel_loop3A_636 = arith.constant 0 : i32
        %parallel_loop3A_637 = tpu.memref_slice %arg8[%parallel_loop3A_519, %parallel_loop3A_635, %parallel_loop3A_636] : memref<2x512x64xf32, #tpu.memory_space<vmem>> -> memref<1x512x64xf32, #tpu.memory_space<vmem>>
        %parallel_loop3A_638 = tpu.memref_squeeze %parallel_loop3A_637 : memref<1x512x64xf32, #tpu.memory_space<vmem>> -> memref<512x64xf32, #tpu.memory_space<vmem>>
        %parallel_loop3A_639 = arith.index_cast %parallel_loop3A_536 : i32 to index
        %parallel_loop3A_640 = arith.constant 16 : index
        %parallel_loop3A_641 = tpu.vector_load %parallel_loop3A_638[%parallel_loop3A_639, %parallel_loop3A_640] {strides = array<i32>} : memref<512x64xf32, #tpu.memory_space<vmem>>, vector<16xf32>,
        tpu.vector_store %parallel_loop3A_638[%parallel_loop3A_639, %parallel_loop3A_640], %parallel_loop3A_634 {strides = array<i32>} : memref<512x64xf32, #tpu.memory_space<vmem>>, vector<16xf32>,
        %parallel_loop3A_642 = arith.subf %parallel_loop3A_557, %parallel_loop3A_618 : vector<16xf32>
        %parallel_loop3A_643 = arith.mulf %parallel_loop3A_642, %parallel_loop3A_619 : vector<16xf32>
        %parallel_loop3A_644 = arith.mulf %parallel_loop3A_643, %get3A_495 : vector<16xf32>
        %parallel_loop3A_645 = arith.addf %parallel_loop3A_644, %get3A_511 : vector<16xf32>
        %parallel_loop3A_646 = arith.constant 0 : i32
        %parallel_loop3A_647 = arith.constant 0 : i32
        %parallel_loop3A_648 = tpu.memref_slice %arg8[%parallel_loop3A_519, %parallel_loop3A_646, %parallel_loop3A_647] : memref<2x512x64xf32, #tpu.memory_space<vmem>> -> memref<1x512x64xf32, #tpu.memory_space<vmem>>
        %parallel_loop3A_649 = tpu.memref_squeeze %parallel_loop3A_648 : memref<1x512x64xf32, #tpu.memory_space<vmem>> -> memref<512x64xf32, #tpu.memory_space<vmem>>
        %parallel_loop3A_650 = arith.index_cast %parallel_loop3A_536 : i32 to index
        %parallel_loop3A_651 = arith.constant 32 : index
        %parallel_loop3A_652 = tpu.vector_load %parallel_loop3A_649[%parallel_loop3A_650, %parallel_loop3A_651] {strides = array<i32>} : memref<512x64xf32, #tpu.memory_space<vmem>>, vector<16xf32>,
        tpu.vector_store %parallel_loop3A_649[%parallel_loop3A_650, %parallel_loop3A_651], %parallel_loop3A_645 {strides = array<i32>} : memref<512x64xf32, #tpu.memory_space<vmem>>, vector<16xf32>,
        %parallel_loop3A_653 = arith.subf %parallel_loop3A_564, %parallel_loop3A_618 : vector<16xf32>
        %parallel_loop3A_654 = arith.mulf %parallel_loop3A_653, %parallel_loop3A_619 : vector<16xf32>
        %parallel_loop3A_655 = arith.mulf %parallel_loop3A_654, %get3A_499 : vector<16xf32>
        %parallel_loop3A_656 = arith.addf %parallel_loop3A_655, %get3A_515 : vector<16xf32>
        %parallel_loop3A_657 = arith.constant 0 : i32
        %parallel_loop3A_658 = arith.constant 0 : i32
        %parallel_loop3A_659 = tpu.memref_slice %arg8[%parallel_loop3A_519, %parallel_loop3A_657, %parallel_loop3A_658] : memref<2x512x64xf32, #tpu.memory_space<vmem>> -> memref<1x512x64xf32, #tpu.memory_space<vmem>>
        %parallel_loop3A_660 = tpu.memref_squeeze %parallel_loop3A_659 : memref<1x512x64xf32, #tpu.memory_space<vmem>> -> memref<512x64xf32, #tpu.memory_space<vmem>>
        %parallel_loop3A_661 = arith.index_cast %parallel_loop3A_536 : i32 to index
        %parallel_loop3A_662 = arith.constant 48 : index
        %parallel_loop3A_663 = tpu.vector_load %parallel_loop3A_660[%parallel_loop3A_661, %parallel_loop3A_662] {strides = array<i32>} : memref<512x64xf32, #tpu.memory_space<vmem>>, vector<16xf32>,
        tpu.vector_store %parallel_loop3A_660[%parallel_loop3A_661, %parallel_loop3A_662], %parallel_loop3A_656 {strides = array<i32>} : memref<512x64xf32, #tpu.memory_space<vmem>>, vector<16xf32>,
      } {sc.loop_unroll_factor = 8 : i64, sc.parallel_access}
      %mul3A_520 = arith.constant 512 : i32
      %mul3A_521 = arith.muli %add3A_449, %mul3A_520 : i32
      %add3A_522 = arith.addi %mul3A_2, %mul3A_521 : i32
      %dma_start3A_523 = arith.constant 1 : i32
      %dma_start3A_524 = arith.constant 0 : i32
      %dma_start3A_525 = arith.constant 0 : i32
      %dma_start3A_526 = tpu.memref_slice %arg8[%dma_start3A_523, %dma_start3A_524, %dma_start3A_525] : memref<2x512x64xf32, #tpu.memory_space<vmem>> -> memref<1x512x64xf32, #tpu.memory_space<vmem>>
      %dma_start3A_527 = tpu.memref_squeeze %dma_start3A_526 : memref<1x512x64xf32, #tpu.memory_space<vmem>> -> memref<512x64xf32, #tpu.memory_space<vmem>>
      %dma_start3A_528 = arith.constant 0 : i32
      %dma_start3A_529 = tpu.memref_slice %arg6[%add3A_522, %dma_start3A_528] : memref<819200x128xf32, #tpu.memory_space<hbm>> -> memref<512x64xf32, #tpu.memory_space<hbm>>
      %dma_start3A_530 = arith.constant 0 : i32
      %dma_start3A_531 = tpu.memref_slice %arg6[%add3A_522, %dma_start3A_530] : memref<819200x128xf32, #tpu.memory_space<hbm>> -> memref<512x64xf32, #tpu.memory_space<hbm>>
      %dma_start3A_532 = arith.constant 0 : i32
      %dma_start3A_533 = arith.constant 0 : i32
      %dma_start3A_534 = tpu.memref_slice %arg8[%dma_start3A_523, %dma_start3A_532, %dma_start3A_533] : memref<2x512x64xf32, #tpu.memory_space<vmem>> -> memref<1x512x64xf32, #tpu.memory_space<vmem>>
      %dma_start3A_535 = tpu.memref_squeeze %dma_start3A_534 : memref<1x512x64xf32, #tpu.memory_space<vmem>> -> memref<512x64xf32, #tpu.memory_space<vmem>>
      tpu.enqueue_dma source(%dma_start3A_535 : memref<512x64xf32, #tpu.memory_space<vmem>>) target(%dma_start3A_531 : memref<512x64xf32, #tpu.memory_space<hbm>>) target_semaphore(%arg15 : memref<!tpu.dma_semaphore, #tpu.memory_space<semaphore_mem>>)
    }
    %scan3A_330 = arith.constant 25 : i32
    %dma_wait3A_331 = arith.constant 0 : i32
    %dma_wait3A_332 = arith.constant 0 : i32
    %dma_wait3A_333 = arith.constant 0 : i32
    %dma_wait3A_334 = tpu.memref_slice %arg8[%dma_wait3A_331, %dma_wait3A_332, %dma_wait3A_333] : memref<2x512x64xf32, #tpu.memory_space<vmem>> -> memref<1x512x64xf32, #tpu.memory_space<vmem>>
    %dma_wait3A_335 = tpu.memref_squeeze %dma_wait3A_334 : memref<1x512x64xf32, #tpu.memory_space<vmem>> -> memref<512x64xf32, #tpu.memory_space<vmem>>
    %dma_wait3A_336 = arith.constant 0 : i32
    %dma_wait3A_337 = arith.constant 0 : i32
    %dma_wait3A_338 = tpu.memref_slice %arg6[%dma_wait3A_336, %dma_wait3A_337] : memref<819200x128xf32, #tpu.memory_space<hbm>> -> memref<512x64xf32, #tpu.memory_space<hbm>>
    %dma_wait3A_339 = arith.constant 0 : i32
    %dma_wait3A_340 = arith.constant 0 : i32
    %dma_wait3A_341 = tpu.memref_slice %arg6[%dma_wait3A_339, %dma_wait3A_340] : memref<819200x128xf32, #tpu.memory_space<hbm>> -> memref<512x64xf32, #tpu.memory_space<hbm>>
    %dma_wait3A_342 = arith.constant 0 : i32
    %dma_wait3A_343 = arith.constant 0 : i32
    %dma_wait3A_344 = tpu.memref_slice %arg8[%dma_wait3A_331, %dma_wait3A_342, %dma_wait3A_343] : memref<2x512x64xf32, #tpu.memory_space<vmem>> -> memref<1x512x64xf32, #tpu.memory_space<vmem>>
    %dma_wait3A_345 = tpu.memref_squeeze %dma_wait3A_344 : memref<1x512x64xf32, #tpu.memory_space<vmem>> -> memref<512x64xf32, #tpu.memory_space<vmem>>
    tpu.wait_dma2 semaphore(%arg14 : memref<!tpu.dma_semaphore, #tpu.memory_space<semaphore_mem>>) src(%dma_wait3A_345 : memref<512x64xf32, #tpu.memory_space<vmem>>) dst(%dma_wait3A_341 : memref<512x64xf32, #tpu.memory_space<hbm>>)
    %dma_wait3A_346 = arith.constant 1 : i32
    %dma_wait3A_347 = arith.constant 0 : i32
    %dma_wait3A_348 = arith.constant 0 : i32
    %dma_wait3A_349 = tpu.memref_slice %arg8[%dma_wait3A_346, %dma_wait3A_347, %dma_wait3A_348] : memref<2x512x64xf32, #tpu.memory_space<vmem>> -> memref<1x512x64xf32, #tpu.memory_space<vmem>>
    %dma_wait3A_350 = tpu.memref_squeeze %dma_wait3A_349 : memref<1x512x64xf32, #tpu.memory_space<vmem>> -> memref<512x64xf32, #tpu.memory_space<vmem>>
    %dma_wait3A_351 = arith.constant 0 : i32
    %dma_wait3A_352 = arith.constant 0 : i32
    %dma_wait3A_353 = tpu.memref_slice %arg6[%dma_wait3A_351, %dma_wait3A_352] : memref<819200x128xf32, #tpu.memory_space<hbm>> -> memref<512x64xf32, #tpu.memory_space<hbm>>
    %dma_wait3A_354 = arith.constant 0 : i32
    %dma_wait3A_355 = arith.constant 0 : i32
    %dma_wait3A_356 = tpu.memref_slice %arg6[%dma_wait3A_354, %dma_wait3A_355] : memref<819200x128xf32, #tpu.memory_space<hbm>> -> memref<512x64xf32, #tpu.memory_space<hbm>>
    %dma_wait3A_357 = arith.constant 0 : i32
    %dma_wait3A_358 = arith.constant 0 : i32
    %dma_wait3A_359 = tpu.memref_slice %arg8[%dma_wait3A_346, %dma_wait3A_357, %dma_wait3A_358] : memref<2x512x64xf32, #tpu.memory_space<vmem>> -> memref<1x512x64xf32, #tpu.memory_space<vmem>>
    %dma_wait3A_360 = tpu.memref_squeeze %dma_wait3A_359 : memref<1x512x64xf32, #tpu.memory_space<vmem>> -> memref<512x64xf32, #tpu.memory_space<vmem>>
    tpu.wait_dma2 semaphore(%arg15 : memref<!tpu.dma_semaphore, #tpu.memory_space<semaphore_mem>>) src(%dma_wait3A_360 : memref<512x64xf32, #tpu.memory_space<vmem>>) dst(%dma_wait3A_356 : memref<512x64xf32, #tpu.memory_space<hbm>>)
    return
  }
}

module attributes {stable_mosaic.version = 14 : i64} {
  func.func @_mask_body(%arg0: memref<4096x200xi32, #tpu.memory_space<vmem>>, %arg1: memref<4096x200xi32, #tpu.memory_space<vmem>>) attributes {dimension_semantics = [], scalar_prefetch = 0 : i64, scratch_operands = 0 : i64, tpu.core_type = #tpu.core_type<tc>} {
    %get3A = arith.constant 0 : index
    %get3A_0 = arith.constant 0 : index
    %get3A_1 = vector.load %arg0[%get3A, %get3A_0] : memref<4096x200xi32, #tpu.memory_space<vmem>>, vector<4096x200xi32>
    %gt3A = arith.constant 0 : i32
    %gt3A_2 = vector.broadcast %gt3A : i32 to vector<4096x200xi32>
    %gt3A_3 = arith.cmpi sgt, %get3A_1, %gt3A_2 : vector<4096x200xi32>
    %swap3A = arith.constant 0 : index
    %swap3A_4 = arith.constant 0 : index
    %swap3A_5 = vector.load %arg1[%swap3A, %swap3A_4] : memref<4096x200xi32, #tpu.memory_space<vmem>>, vector<4096x200xi32>
    %swap3A_6 = arith.extui %gt3A_3 : vector<4096x200xi1> to vector<4096x200xi32>
    %swap3A_7 = arith.constant dense<0> : vector<4096x200xi32>
    %swap3A_8 = arith.cmpi ne, %swap3A_5, %swap3A_7 : vector<4096x200xi32>
    tpu.vector_store %arg1[%swap3A, %swap3A_4], %swap3A_6 {strides = array<i32>} : memref<4096x200xi32, #tpu.memory_space<vmem>>, vector<4096x200xi32>,
    return
  }
}

</mosaic_0001>

<sc_bundles>
// kernel: kernel.4.cloned.1.call-start
scs
__scs_entry_jumppad:
0x0: {  	(pc) =	sbr.rel $0x88, $3  }
0x1: {  	(tag) =	ssettag $0x0;
	lr =	simm.s32 $0x1  }
0x2: {  	[smem:$0x3F9D] =	sst lr;
	_ =	strace $0xD0000000  }
0x3: {  	_ = 	snop  }
0x4: {  	_ = 	snop  }
0x5: {  	_ = 	snop  }
0x6: {  	_ = 	snop  }
0x7: {  	_ = 	snop  }
__scs_overlays_trampoline_lowered:
0x8: {  	[smem:$0x3FAC] =	sst s0  }
0x9: {  	[smem:$0x3FAD] =	sst s1  }
0xa: {  	[smem:$0x3FAE] =	sst s2  }
0xb: {  	[smem:$0x3FAF] =	sst s3  }
0xc: {  	[smem:$0x3FB0] =	sst s4  }
0xd: {  	[smem:$0x3FB1] =	sst s5  }
0xe: {  	[smem:$0x3FB2] =	sst s6  }
0xf: {  	[smem:$0x3FB3] =	sst s7  }
0x10: {  	[smem:$0x3FB4] =	sst s8  }
0x11: {  	[smem:$0x3FB5] =	sst s9;
	s0 =	simm.s32 @!p0 $0x0  }
0x12: {  	s1 =	sld [smem:$0x3F9B];
	s0 =	simm.s32 @p0 $0x1  }
0x13: {  	[smem:$0x3FB6] =	sst s0;
	s0 =	simm.s32 @!p1 $0x0  }
0x14: {  	s2 =	sld [smem:$0x3F9A];
	s0 =	simm.s32 @p1 $0x1  }
0x15: {  	[smem:$0x3FB7] =	sst s0;
	s0 =	simm.s32 @!p2 $0x0  }
0x16: {  	s3 =	sld [smem:$0x3FDB];
	s0 =	simm.s32 @p2 $0x1  }
0x17: {  	s4 =	simm.s32 $0x1BF5;
	[smem:$0x3FB9] =	sst s0  }
0x18: {  	s0 =	sld [smem:$0x3F9C];
	_ =	swait.ge [sflag:s4], $0x0  }
0x19: {  	s7 =	sld [smem:$0x3F9D]  }
0x1a: {  	s8 =	sadd.s32 $0xFFFFE003, lr  }
0x1b: {  	s9 =	sadd.s32 $0xFFFFFEF7, lr;
	s5 =	simm.s32 $0xFFFFFFFF;
	p2 =	slt.u32 s8, $0xFFFFF086  }
0x1c: {  	p1 =	slt.u32 s9, $0xF7A;
	s5 =	simm.s32 @!p2 $0x0  }
0x1d: {  	s5 =	simm.s32 @p1 $0x1;
	p0 =	seq.s32 s7, s2  }
0x1e: {  	s7 =	smul.u32 @!p0 $0xF7A, s2;
	p2 =	seq.s32 @!p0 s5, $0x0  }
0x1f: {  	s9 =	smul.u32 $0xF7A, s1;
	s8 =	simm.s32 @!p0 $0x1BF5;
	p2 =	por !p2, p0  }
0x20: {  	[sflag:s8] =	ssyncset.s32 @!p0 $0xFFFFF086;
	s6 =	sadd.s32 @!p0 s3, s7;
	s7 =	simm.s32 @!p0 $0x108  }
0x21: {  	s3 =	sadd.s32 s3, s9;
	s6 =	sadd.s32 @!p0 $0x88, s6;
	s7 =	simm.s32 @p2 $0x1082  }
0x22: {  	[simem:s7], [sflag:s8] =	dma.local @!p0 [hbm:s6], $0xF7A  }
0x23: {  	s9 =	sor.u32 $0xD0000000, s2;
	s6 =	simm.s32 $0x108;
	_ =	swait.ge @!p0 [sflag:s8], $0x0  }
0x24: {  	s3 =	sadd.s32 $0x88, s3;
	s6 =	simm.s32 @!p1 $0x1082;
	[sflag:s4] =	ssyncset.s32 $0xFFFFF086  }
0x25: {  	[simem:s6], [sflag:s4] =	dma.local [hbm:s3], $0xF7A  }
0x26: {  	[smem:$0x3F9D] =	sst s1;
	(tag) =	ssettag s2;
	_ =	strace s9  }
0x27: {  	s1 =	sld [smem:$0x3FAD]  }
0x28: {  	s2 =	sld [smem:$0x3FAE]  }
0x29: {  	s4 =	sld [smem:$0x3FB0]  }
0x2a: {  	p0 =	seq.s32 s5, $0x0;
	s5 =	sld [smem:$0x3FB1]  }
0x2b: {  	s6 =	sld [smem:$0x3FB2]  }
0x2c: {  	s7 =	sld [smem:$0x3FB3]  }
0x2d: {  	s3 =	simm.s32 $0x108;
	s8 =	sld [smem:$0x3FB4]  }
0x2e: {  	s3 =	simm.s32 @!p0 $0x1082;
	s9 =	sld [smem:$0x3FB5]  }
0x2f: {  	lr =	sadd.s32 s0, s3;
	s0 =	sld [smem:$0x3FAC]  }
0x30: {  	s3 =	sld [smem:$0x3FAF]  }
0x31: {  	[smem:$0x3FB8] =	sst s10  }
0x32: {  	s10 =	sld [smem:$0x3FB6];
	_ =	sdelay $0x3  }
0x33: {  	p0 =	seq.s32 s10, $0x1;
	s10 =	sld [smem:$0x3FB8];
	_ =	sdelay $0x3  }
0x34: {  	[smem:$0x3FB8] =	sst s10  }
0x35: {  	s10 =	sld [smem:$0x3FB7];
	_ =	sdelay $0x3  }
0x36: {  	p1 =	seq.s32 s10, $0x1;
	s10 =	sld [smem:$0x3FB8];
	_ =	sdelay $0x3  }
0x37: {  	[smem:$0x3FB8] =	sst s10  }
0x38: {  	s10 =	sld [smem:$0x3FB9]  }
0x39: {  	_ = 	snop;
	(pc) =	sbr.ind lr, $3  }
0x3a: {  	_ = 	snop  }
0x3b: {  	_ = 	snop  }
0x3c: {  	p2 =	seq.s32 s10, $0x1;
	s10 =	sld [smem:$0x3FB8]  }
0x3d: {  	_ =	shalt  }
0x3e: {  	_ =	shalt  }
0x3f: {  	_ =	shalt  }
0x40: {  	_ =	shalt  }
0x41: {  	_ =	shalt  }
0x42: {  	_ =	shalt  }
0x43: {  	_ =	shalt  }
0x44: {  	_ =	shalt  }
0x45: {  	_ =	shalt  }
0x46: {  	_ =	shalt  }
0x47: {  	_ =	shalt  }
0x48: {  	_ =	shalt  }
0x49: {  	_ =	shalt  }
0x4a: {  	_ =	shalt  }
0x4b: {  	_ =	shalt  }
0x4c: {  	_ =	shalt  }
0x4d: {  	_ =	shalt  }
0x4e: {  	_ =	shalt  }
0x4f: {  	_ =	shalt  }
0x50: {  	_ =	shalt  }
0x51: {  	_ =	shalt  }
0x52: {  	_ =	shalt  }
0x53: {  	_ =	shalt  }
0x54: {  	_ =	shalt  }
0x55: {  	_ =	shalt  }
0x56: {  	_ =	shalt  }
0x57: {  	_ =	shalt  }
0x58: {  	_ =	shalt  }
0x59: {  	_ =	shalt  }
0x5a: {  	_ =	shalt  }
0x5b: {  	_ =	shalt  }
0x5c: {  	_ =	shalt  }
0x5d: {  	_ =	shalt  }
0x5e: {  	_ =	shalt  }
0x5f: {  	_ =	shalt  }
0x60: {  	_ =	shalt  }
0x61: {  	_ =	shalt  }
0x62: {  	_ =	shalt  }
0x63: {  	_ =	shalt  }
0x64: {  	_ =	shalt  }
0x65: {  	_ =	shalt  }
0x66: {  	_ =	shalt  }
0x67: {  	_ =	shalt  }
0x68: {  	_ =	shalt  }
0x69: {  	_ =	shalt  }
0x6a: {  	_ =	shalt  }
0x6b: {  	_ =	shalt  }
0x6c: {  	_ =	shalt  }
0x6d: {  	_ =	shalt  }
0x6e: {  	_ =	shalt  }
0x6f: {  	_ =	shalt  }
0x70: {  	_ =	shalt  }
0x71: {  	_ =	shalt  }
0x72: {  	_ =	shalt  }
0x73: {  	_ =	shalt  }
0x74: {  	_ =	shalt  }
0x75: {  	_ =	shalt  }
0x76: {  	_ =	shalt  }
0x77: {  	_ =	shalt  }
0x78: {  	_ =	shalt  }
0x79: {  	_ =	shalt  }
0x7a: {  	_ =	shalt  }
0x7b: {  	_ =	shalt  }
0x7c: {  	_ =	shalt  }
0x7d: {  	_ =	shalt  }
0x7e: {  	_ =	shalt  }
0x7f: {  	_ =	shalt  }
0x80: {  	_ =	shalt  }
0x81: {  	_ =	shalt  }
0x82: {  	_ =	shalt  }
0x83: {  	_ =	shalt  }
0x84: {  	_ =	shalt  }
0x85: {  	_ =	shalt  }
0x86: {  	_ =	shalt  }
0x87: {  	_ =	shalt  }
.Lfunc_end0:
.L_simem_size_0:
called_computation.1_lowered:
.L_overlay_start_0:
0x88: {  	s2 =	sld [smem:$0x3FD9]  }
0x89: {  	s3 =	sld [smem:$0x3FFE];
	_ =	sdelay $0x1  }
0x8a: {  	s1 =	srdreg.scid  }
0x8b: {  	s0 =	sand.u32 $0x1, s1  }
0x8c: {  	s17 =	sshll.u32 s0, $0xA;
	s2 =	sadd.s32 s3, s2  }
0x8d: {  	s2 =	sadd.s32 s2, s17  }
0x8e: {  	[smem:$0x3FC4] =	sst s2  }
0x8f: {  	_ = 	snop  }
0x90: {  	s2 =	sld [smem:$0x3FC7]  }
0x91: {  	s18 =	sld [smem:$0x3FC6];
	(tm) =	ssettm $0x1  }
0x92: {  	s4 =	sld [smem:$0x3FFB];
	_ =	sdelay $0x3  }
0x93: {  	_ =	strace s4  }
0x94: {  	s4 =	sld [smem:$0x3FFC];
	_ =	sdelay $0x3  }
0x95: {  	_ =	strace s4  }
0x96: {  	s4 =	sld [smem:$0x3FFD];
	_ =	sdelay $0x3  }
0x97: {  	_ =	strace s4  }
0x98: {  	_ =	strace $0x8FFFFFFF  }
0x99: {  	s19 =	sld [smem:$0x3FDB];
	_ =	sdelay $0x1  }
0x9a: {  	s5 =	simm.s32 $_scs_section_size  }
0x9b: {  	s6 =	simm.s32 $_size__tile_overlayer_lowered;
	s7 =	simm.s32 $_tile_overlayer_lowered  }
0x9c: {  	s22 =	simm.s32 $0x1BFF;
	s21 =	sshll.u32 s7, $0x1;
	s4 =	sadd.s32 s5, s19  }
0x9d: {  	s8 =	simm.s32 $0x0;
	s20 =	sshll.u32 s6, $0x1;
	s6 =	sadd.s32 s21, s4  }
0x9e: {  	[timem:s8], [sflag:s22] =	dma.local [hbm:s6], s20  }
0x9f: {  	_ =	swait.ge [sflag:s22], s20  }
0xa0: {  	s5 =	ssub.s32 $0x0, s20;
	[sflag:s22] =	ssyncset.done $0x0  }
0xa1: {  	[sflag:s22] =	ssyncadd.s32 s5;
	_ =	sdelay $0x1  }
0xa2: {  	s23 =	simm.s32 $0x1B8B  }
0xa3: {  	_ =	swait.ge [sflag:s23], $0x1  }
0xa4: {  	[sflag:s23] =	ssyncset.done $0x0  }
0xa5: {  	s25 =	simm.s32 $0x1B8E;
	s24 =	sld [smem:$0x3FFE];
	[sflag:s23] =	ssyncadd.s32 $0xFFFFFFFF  }
0xa6: {  	s26 =	simm.s32 $execute0_lowered;
	[smem:$0x3FD2] =	sst s25  }
0xa7: {  	s6 =	sshll.u32 s26, $0x1;
	_ =	strace $0x80000046;
	[dreg:$0x1] =	wrdreg $0xFFFFFFFF  }
0xa8: {  	s28 =	simm.s32 $_size_execute0_lowered;
	s4 =	sadd.s32 s4, s6;
	[dreg:$0x0] =	wrdreg $0x0  }
0xa9: {  	s6 =	sshll.u32 s28, $0x1;
	[dreg:$0x2] =	wrdreg s4  }
0xaa: {  	[dreg:$0x3] =	wrdreg s6  }
0xab: {  	[dreg:$0x4] =	wrdreg $0xC0  }
0xac: {  	_ =	task [dreg:s8], $0x5FFFF  }
0xad: {  	[dreg:$0x1] =	wrdreg $0xFFFFFFFF  }
0xae: {  	[dreg:$0x0] =	wrdreg $0x60  }
0xaf: {  	[dreg:$0x2] =	wrdreg s24  }
0xb0: {  	[dreg:$0x3] =	wrdreg s2  }
0xb1: {  	[dreg:$0x4] =	wrdreg s18  }
0xb2: {  	[dreg:$0x5] =	wrdreg $0x9  }
0xb3: {  	_ =	task.clear_ibuf [dreg:s8], $0x6FFFF;
	_ =	strace $0x90000046  }
0xb4: {  	s29 =	simm.s32 $0x9;
	_ =	strace $0x80000048  }
0xb5: {  	_ =	swait.ge [sflag:s29], $0x1  }
0xb6: {  	[sflag:s29] =	ssyncadd.s32 $0xFFFFFFFF  }
0xb7: {  	_ =	strace $0x90000048  }
0xb8: {  	_ =	sfence  }
0xb9: {  	s30 =	sld [smem:$0x0];
	_ =	sdelay $0x2  }
0xba: {  	s31 =	sshll.u32 s1, $0xD;
	s1 =	sshrl.u32 s1, $0x2  }
0xbb: {  	s3 =	sand.u32 $0x4000, s31;
	s1 =	sadd.s32 s1, s30  }
0xbc: {  	s0 =	sor.u32 s3, s0;
	s1 =	sshll.u32 s1, $0x11  }
0xbd: {  	s0 =	sor.u32 s1, s0  }
0xbe: {  	s0 =	sadd.s32 $0x8F2B, s0  }
0xbf: {  	[sflag:s0] =	ssyncadd.remote.s32 $0x1  }
0xc0: {  	_ =	sfence.sel $0xFFFF  }
0xc1: {  	[dreg:$0x0] =	wrdreg $0xFFFFFFFF;
	(pc) =	sbr.abs _section_cstart, $3  }
0xc2: {  	[dreg:$0x1] =	wrdreg $0xFFFFFFFF  }
0xc3: {  	_ =	task.clear_ibuf [dreg:s8], $0x2FFFF;
	_ =	strace $0x9FFFFFFF  }
0xc4: {  	(tm) =	ssettm $0x7FFFFFFF  }
0xc5: {  	_ =	shalt  }
tec
execute0_lowered:
.L_overlay_start_1:
0x0: {  	(tag) =	ssettag $0x1  }
0x1: {  	s0 =	rddreg [dreg:$0x0]  }
0x2: {  	s1 =	srdreg.scid;
	s2 =	stileid.u32  }
0x3: {  	s3 =	simm.s32 $0x0;
	s1 =	sand.u32 $0x1, s1;
	s2 =	sshll.u32 s2, $0x1  }
0x4: {  	[smem:$0x7FF] =	sst s3;
	s5 =	sadd.s32 $0x39C00, s0;
	s7 =	sadd.s32 $0xFD200, s0  }
0x5: {  	s6 =	sadd.s32 $0x20C00, s0;
	_ =	strace $0x80000047;
	[dreg:$0x5] =	wrdreg s7  }
0x6: {  	s20 =	sadd.s32 $0x20C10, s0;
	s2 =	sor.u32 s1, s2;
	[dreg:$0x4] =	wrdreg s6  }
0x7: {  	s8 =	sadd.s32 $0x20C20, s0;
	[dreg:$0x7] =	wrdreg s20;
	s18 =	smul.u32 $0x6400, s2  }
0x8: {  	s0 =	sadd.s32 $0x20C30, s0;
	[dreg:$0x8] =	wrdreg s8;
	s23 =	smul.u32 $0x320000, s2  }
0x9: {  	s1 =	ssub.s32 $0x2, s1;
	[dreg:$0xb] =	wrdreg s0  }
0xa: {  	s4 =	sshrl.u32 s1, $0x1;
	s28 =	sadd.s32 $0x400, s18;
	[dreg:$0xe] =	wrdreg s23  }
0xb: {  	s1 =	ssub.s32 s1, s4;
	s30 =	sadd.s32 $0x600, s18;
	[dreg:$0x12] =	wrdreg s28  }
0xc: {  	s19 =	sshrl.u32 s18, $0x3;
	s31 =	smax.u32 s1, $0x1;
	[dreg:$0x13] =	wrdreg s30  }
0xd: {  	s7 =	sadd.s32 s19, s20;
	[dreg:$0x15] =	wrdreg s31  }
0xe: {  	s21 =	sadd.s32 s19, s8;
	[dreg:$0x9] =	wrdreg s7  }
0xf: {  	s0 =	sadd.s32 s19, s0;
	[dreg:$0xa] =	wrdreg s21  }
0x10: {  	s6 =	sadd.s32 s6, s19;
	[dreg:$0xc] =	wrdreg s0  }
0x11: {  	s22 =	sadd.s32 $0x40, s6;
	[dreg:$0x6] =	wrdreg s6  }
0x12: {  	s24 =	sadd.s32 $0x50, s6;
	[dreg:$0xd] =	wrdreg s22  }
0x13: {  	s25 =	sadd.s32 $0x60, s6;
	[dreg:$0xf] =	wrdreg s24  }
0x14: {  	s29 =	simm.s32 $0x2;
	s26 =	sadd.s32 $0x70, s6;
	[dreg:$0x10] =	wrdreg s25  }
0x15: {  	s2 =	simm.s32 $0x0;
	s0 =	sor.u32 $0x10000, s23;
	[dreg:$0x11] =	wrdreg s26  }
0x16: {  	s4 =	simm.s32 $0x80;
	s6 =	simm.s32 $0x8400;
	[dreg:$0x14] =	wrdreg s0  }
.LBB2_1:
0x17: {  	[dreg:$0x16] =	wrdreg s2  }
0x18: {  	s0 =	rddreg [dreg:$0x1]  }
0x19: {  	s1 =	simm.s32 $0x0;
	s8 =	simm.s32 $0x10400;
	s9 =	simm.s32 $0x7  }
0x1a: {  	[tilespmem:s8], [sflag:$0x7] =	stream.linear.gather [hbm4b:s0+s1], $0x40, $0x38;
	[tilespmem:$0x10480] =	vst v63  }
0x1b: {  	_ =	swait.ge [sflag:s9], $0x40  }
0x1c: {  	[sflag:s9] =	ssyncset.done $0x0  }
0x1d: {  	[sflag:s9] =	ssyncadd.s32 $0xFFFFFFC0  }
0x1e: {  	s3 =	simm.s32 $0x10440;
	s10 =	rddreg [dreg:$0x2]  }
0x1f: {  	[tilespmem:s3], [sflag:$0x7] =	stream.linear.gather [hbm4b:s10+s1], $0x40, $0x38;
	[tilespmem:$0x10480] =	vst v63  }
0x20: {  	_ =	swait.ge [sflag:s9], $0x40  }
0x21: {  	[sflag:s9] =	ssyncset.done $0x0  }
0x22: {  	s11 =	rddreg [dreg:$0x6];
	[sflag:s9] =	ssyncadd.s32 $0xFFFFFFC0  }
0x23: {  	[tilespmem:s1], [sflag:$0x1] =	stream.linear.gather [hbm4b:s11+s1], $0x80, $0x38;
	[tilespmem:$0x10480] =	vst v63  }
0x24: {  	s12 =	rddreg [dreg:$0x9]  }
0x25: {  	[tilespmem:s4], [sflag:$0x1] =	stream.linear.gather [hbm4b:s12+s1], $0x80, $0x38;
	[tilespmem:$0x10480] =	vst v63  }
0x26: {  	s14 =	simm.s32 $0x100;
	s13 =	rddreg [dreg:$0xa]  }
0x27: {  	[tilespmem:s14], [sflag:$0x1] =	stream.linear.gather [hbm4b:s13+s1], $0x80, $0x38;
	[tilespmem:$0x10480] =	vst v63  }
0x28: {  	s16 =	simm.s32 $0x180;
	s17 =	simm.s32 $0x1;
	s15 =	rddreg [dreg:$0xc]  }
0x29: {  	[tilespmem:s16], [sflag:$0x1] =	stream.linear.gather [hbm4b:s15+s1], $0x80, $0x38;
	[tilespmem:$0x10480] =	vst v63  }
0x2a: {  	_ =	swait.ge [sflag:s17], $0x80  }
0x2b: {  	[sflag:s17] =	ssyncset.done $0x0  }
0x2c: {  	[sflag:s17] =	ssyncadd.s32 $0xFFFFFF80  }
0x2d: {  	_ =	swait.ge [sflag:s17], $0x80  }
0x2e: {  	[sflag:s17] =	ssyncset.done $0x0  }
0x2f: {  	[sflag:s17] =	ssyncadd.s32 $0xFFFFFF80  }
0x30: {  	_ =	swait.ge [sflag:s17], $0x80  }
0x31: {  	[sflag:s17] =	ssyncset.done $0x0  }
0x32: {  	[sflag:s17] =	ssyncadd.s32 $0xFFFFFF80  }
0x33: {  	_ =	swait.ge [sflag:s17], $0x80  }
0x34: {  	[sflag:s17] =	ssyncset.done $0x0  }
0x35: {  	s18 =	simm.s32 $0x400;
	[sflag:s17] =	ssyncadd.s32 $0xFFFFFF80  }
0x36: {  	[tilespmem:s18], [sflag:$0x3] =	stream.indirect.gather [hbm4b:s5+s4], $0x40, s1, s4, $0xb8;
	[tilespmem:$0x10480] =	vst v63  }
0x37: {  	s19 =	simm.s32 $0x2400  }
0x38: {  	[tilespmem:s19], [sflag:$0x3] =	stream.indirect.gather [hbm4b:s5+s4], $0x40, s4, s4, $0xb8;
	[tilespmem:$0x10480] =	vst v63  }
0x39: {  	s20 =	simm.s32 $0x4400  }
0x3a: {  	[tilespmem:s20], [sflag:$0x3] =	stream.indirect.gather [hbm4b:s5+s4], $0x40, s14, s4, $0xb8;
	[tilespmem:$0x10480] =	vst v63  }
0x3b: {  	s21 =	simm.s32 $0x6400  }
0x3c: {  	[tilespmem:s21], [sflag:$0x3] =	stream.indirect.gather [hbm4b:s5+s4], $0x40, s16, s4, $0xb8;
	[tilespmem:$0x10480] =	vst v63  }
0x3d: {  	s23 =	simm.s32 $0x200;
	s22 =	rddreg [dreg:$0xd]  }
0x3e: {  	[tilespmem:s23], [sflag:$0x2] =	stream.linear.gather [hbm4b:s22+s1], $0x80, $0x38;
	[tilespmem:$0x10480] =	vst v63  }
0x3f: {  	s25 =	simm.s32 $0x280;
	s24 =	rddreg [dreg:$0xf]  }
0x40: {  	[tilespmem:s25], [sflag:$0x2] =	stream.linear.gather [hbm4b:s24+s1], $0x80, $0x38;
	[tilespmem:$0x10480] =	vst v63  }
0x41: {  	s28 =	simm.s32 $0x300;
	s26 =	rddreg [dreg:$0x10]  }
0x42: {  	[tilespmem:s28], [sflag:$0x2] =	stream.linear.gather [hbm4b:s26+s1], $0x80, $0x38;
	[tilespmem:$0x10480] =	vst v63  }
0x43: {  	s31 =	simm.s32 $0x380;
	s8 =	simm.s32 $0x0;
	s30 =	rddreg [dreg:$0x11]  }
0x44: {  	[tilespmem:s31], [sflag:$0x2] =	stream.linear.gather [hbm4b:s30+s1], $0x80, $0x38;
	[tilespmem:$0x10480] =	vst v63  }
.LBB2_2:
0x45: {  	s0 =	simm.s32 $0x3  }
0x46: {  	_ =	swait.ge [sflag:s0], $0x8000  }
0x47: {  	[sflag:s0] =	ssyncset.done $0x0  }
0x48: {  	[sflag:s0] =	ssyncadd.s32 $0xFFFF8000  }
0x49: {  	_ =	swait.ge [sflag:s29], $0x80  }
0x4a: {  	[sflag:s29] =	ssyncset.done $0x0  }
0x4b: {  	[sflag:s29] =	ssyncadd.s32 $0xFFFFFF80  }
0x4c: {  	_ =	swait.ge [sflag:s29], $0x80  }
0x4d: {  	[sflag:s29] =	ssyncset.done $0x0  }
0x4e: {  	[sflag:s29] =	ssyncadd.s32 $0xFFFFFF80  }
0x4f: {  	_ =	swait.ge [sflag:s29], $0x80  }
0x50: {  	[sflag:s29] =	ssyncset.done $0x0  }
0x51: {  	[sflag:s29] =	ssyncadd.s32 $0xFFFFFF80  }
0x52: {  	_ =	swait.ge [sflag:s29], $0x80  }
0x53: {  	[sflag:s29] =	ssyncset.done $0x0  }
0x54: {  	s24 =	simm.s32 $0x200;
	[sflag:s29] =	ssyncadd.s32 $0xFFFFFF80  }
0x55: {  	[tilespmem:s6], [sflag:$0x4] =	stream.indirect.gather [hbm4b:s5+s4], $0x40, s24, s4, $0xb8;
	[tilespmem:$0x10480] =	vst v63  }
0x56: {  	s25 =	simm.s32 $0x280;
	s1 =	simm.s32 $0xA400  }
0x57: {  	[tilespmem:s1], [sflag:$0x4] =	stream.indirect.gather [hbm4b:s5+s4], $0x40, s25, s4, $0xb8;
	[tilespmem:$0x10480] =	vst v63  }
0x58: {  	s26 =	simm.s32 $0x300;
	s28 =	simm.s32 $0xC400  }
0x59: {  	[tilespmem:s28], [sflag:$0x4] =	stream.indirect.gather [hbm4b:s5+s4], $0x40, s26, s4, $0xb8;
	[tilespmem:$0x10480] =	vst v63  }
0x5a: {  	s30 =	simm.s32 $0x380;
	s31 =	simm.s32 $0xE400;
	p0 =	seq.s32 s8, $0x18  }
0x5b: {  	[tilespmem:s31], [sflag:$0x4] =	stream.indirect.gather [hbm4b:s5+s4], $0x40, s30, s4, $0xb8;
	[tilespmem:$0x10480] =	vst v63  }
0x5c: {  	s0 =	rddreg [dreg:$0x12];
	s4 =	sshll.u32 @!p0 s8, $0xA  }
0x5d: {  	s0 =	sadd.s32 @!p0 s4, s0  }
0x5e: {  	s1 =	rddreg [dreg:$0x4];
	s0 =	sshrl.u32 @!p0 s0, $0x3  }
0x5f: {  	s2 =	simm.s32 @!p0 $0x0;
	s1 =	sadd.s32 @!p0 s1, s0  }
0x60: {  	[tilespmem:s2], [sflag:$0x1] =	stream.linear.gather @!p0 [hbm4b:s1+s2], $0x80, $0x38;
	[tilespmem:$0x10480] =	vst v63  }
0x61: {  	s1 =	rddreg [dreg:$0x7]  }
0x62: {  	s3 =	simm.s32 @!p0 $0x80;
	p1 =	seq.s32 @!p0 s8, $0x0;
	s1 =	sadd.s32 @!p0 s0, s1  }
0x63: {  	[tilespmem:s3], [sflag:$0x1] =	stream.linear.gather @!p0 [hbm4b:s1+s2], $0x80, $0x38;
	[tilespmem:$0x10480] =	vst v63  }
0x64: {  	p1 =	por p0, !p1;
	s1 =	rddreg [dreg:$0x8]  }
.Ltmp0:
0x65: {  	s3 =	simm.s32 @!p0 $0x100;
	s1 =	sadd.s32 @!p0 s0, s1;
	(pc) =	sbr.rel @!p1 .LBB2_3-.Ltmp0, $4  }
0x66: {  	[tilespmem:s3], [sflag:$0x1] =	stream.linear.gather @!p0 [hbm4b:s1+s2], $0x80, $0x38;
	[tilespmem:$0x10480] =	vst v63  }
0x67: {  	s1 =	rddreg [dreg:$0xb]  }
0x68: {  	s0 =	sadd.s32 @!p0 s0, s1;
	s1 =	simm.s32 @!p0 $0x180  }
0x69: {  	[tilespmem:s1], [sflag:$0x1] =	stream.linear.gather @!p0 [hbm4b:s0+s2], $0x80, $0x38;
	[tilespmem:$0x10480] =	vst v63  }
.Ltmp1:
0x6a: {  	(pc) =	sbr.rel .LBB2_5-.Ltmp1, $4  }
0x6b: {  	s0 =	simm.s32 $0x5  }
0x6c: {  	_ =	swait.ge [sflag:s0], $0x8000  }
0x6d: {  	[sflag:s0] =	ssyncset.done $0x0  }
0x6e: {  	p1 =	por $0x0, $0x0;
	[sflag:s0] =	ssyncadd.s32 $0xFFFF8000  }
.LBB2_3:
0x6f: {  	p1 =	por @!p0 $0x1, $0x1  }
.LBB2_5:
0x70: {  	s31 =	simm.s32 $0x500  }
0x71: {  	v5 =	vld [tilespmem:s31+$0xC0]  }
0x72: {  	v6 =	vld [tilespmem:s31+$0xD0]  }
0x73: {  	v7 =	vld [tilespmem:s31+$0xE0]  }
0x74: {  	v3 =	vld [tilespmem:s31+$0xF0];
	_ =	sdelay $0x2  }
0x75: {  	v24 =	vld [tilespmem:s31+$0xFFFFFF10]  }
0x76: {  	v0 =	vld [tilespmem:s31+$0xFFFFFF40];
	v1 =	vmul.f32 v5, v5;
	v2 =	vmul.f32 v6, v6  }
0x77: {  	v16 =	vld [tilespmem:s31+$0xFFFFFF50];
	v4 =	vmul.f32 v7, v7;
	v8 =	vmul.f32 v3, v3  }
0x78: {  	v21 =	vld [tilespmem:s31+$0xFFFFFF60];
	v9 =	vadd.f32 v6, v5;
	v10 =	vadd.f32 v3, v7  }
0x79: {  	v17 =	vld [tilespmem:s31+$0xFFFFFF70];
	v1 =	vadd.f32 v2, v1;
	v2 =	vadd.f32 v8, v4  }
0x7a: {  	v22 =	vld [tilespmem:s31+$0xFFFFFF80];
	v4 =	vadd.f32 v10, v9  }
0x7b: {  	v20 =	vld [tilespmem:s31+$0xFFFFFF90];
	v1 =	vadd.f32 v2, v1  }
0x7c: {  	v33 =	vld [tilespmem:s31+$0xFFFFFFA0];
	(xrf2) =	vadd.scan.msk.f32 $0xffff, v4  }
0x7d: {  	v18 =	vld [tilespmem:s31+$0xFFFFFFB0];
	(xrf2) =	vadd.scan.msk.f32 $0xffff, v1  }
0x7e: {  	v19 =	vld [tilespmem:s31+$0xFFFFFFC0]  }
0x7f: {  	v11 =	vld [tilespmem:s31+$0xFFFFFFE0]  }
0x80: {  	v10 =	vld [tilespmem:s31+$0x0]  }
0x81: {  	v2 =	vld [tilespmem:s31+$0xFFFFFFD0]  }
0x82: {  	v1 =	vld [tilespmem:s31+$0xFFFFFFF0]  }
0x83: {  	v53 =	vadd.f32 v17, v21;
	v8 =	vadd.f32 v16, v0;
	v9 =	vld [tilespmem:s31+$0x30]  }
0x84: {  	v14 =	vadd.f32 v20, v22;
	v15 =	vadd.f32 v18, v33;
	v4 =	vld [tilespmem:s31+$0x10]  }
0x85: {  	v13 =	vadd.f32 v53, v8;
	v8 =	vld [tilespmem:s31+$0x20]  }
0x86: {  	v12 =	vld [tilespmem:s31+$0x40];
	v15 =	vadd.f32 v15, v14;
	v55 =	vadd.f32 v2, v19;
	v23, _, _ =	vpop (xrf2)  }
0x87: {  	v14 =	vld [tilespmem:s31+$0x60];
	(xrf2) =	vadd.scan.msk.f32 $0xffff, v13;
	v25 =	vadd.f32 v1, v11;
	(v2sf) =	vpush v23, $0xF;
	v54, _, _ =	vpop (xrf2)  }
0x88: {  	v13 =	vld [tilespmem:s31+$0x50];
	(v2sf) =	vpush v54, $0xF  }
0x89: {  	v23 =	vadd.f32 v25, v55;
	(xrf2) =	vadd.scan.msk.f32 $0xffff, v15;
	v15 =	vld [tilespmem:s31+$0x70]  }
0x8a: {  	v27 =	vld [tilespmem:s31+$0xFFFFFF30];
	v28 =	vadd.f32 v4, v10;
	v29 =	vadd.f32 v9, v8  }
0x8b: {  	v34 =	vld [tilespmem:s31+$0xFFFFFF20];
	(xrf2) =	vadd.scan.msk.f32 $0xffff, v23  }
0x8c: {  	v32 =	vld [tilespmem:s31+$0xFFFFFF00];
	v56 =	vadd.f32 v29, v28  }
0x8d: {  	v36 =	vld [tilespmem:s31+$0xA0]  }
0x8e: {  	v37 =	vld [tilespmem:s31+$0xB0];
	v28 =	vadd.f32 v13, v12;
	(xrf2) =	vadd.scan.msk.f32 $0xffff, v56;
	v29 =	vadd.f32 v15, v14  }
0x8f: {  	v26 =	vld [tilespmem:s31+$0x90];
	v30 =	vmul.f32 v27, v27  }
0x90: {  	v25 =	vld [tilespmem:s31+$0x80];
	v28 =	vadd.f32 v29, v28  }
0x91: {  	v57 =	vmul.f32 v24, v24;
	v35 =	vadd.f32 v27, v34;
	v31, _, _ =	vpop (xrf2);
	v29 =	vmul.f32 v34, v34  }
0x92: {  	v38 =	vmul.f32 v0, v0;
	(v2sf) =	vpush v31, $0xF;
	v31 =	vadd.f32 v24, v32;
	(xrf2) =	vadd.scan.msk.f32 $0xffff, v28  }
0x93: {  	v39 =	vmul.f32 v21, v21;
	v41 =	vadd.f32 v37, v36;
	v29 =	vadd.f32 v30, v29;
	v30, _, _ =	vpop (xrf2)  }
0x94: {  	v60 =	vmul.f32 v32, v32;
	v31 =	vadd.f32 v35, v31;
	(v2sf) =	vpush v30, $0xF  }
0x95: {  	v58 =	vmul.f32 v22, v22;
	v59 =	vmul.f32 v20, v20;
	v40 =	vadd.f32 v26, v25;
	v61, _, _ =	vpop (xrf2)  }
0x96: {  	v23 =	vadd.f32 v57, v60;
	v28 =	vmul.f32 v16, v16;
	(xrf2) =	vadd.scan.msk.f32 $0xffff, v31;
	(v2sf) =	vpush v61, $0xF;
	s0 =	spop (v2sf)  }
0x97: {  	v42 =	vmul.f32 v18, v18;
	v40 =	vadd.f32 v41, v40;
	v30 =	vmul.f32 v17, v17;
	s11 =	smul.f32 $1.562500000e-02, s0;
	s16 =	spop (v2sf)  }
0x98: {  	v62 =	vmul.f32 v19, v19;
	v28 =	vadd.f32 v28, v38;
	v23 =	vadd.f32 v29, v23;
	v63, _, _ =	vpop (xrf2);
	s0 =	smul.f32 $1.562500000e-02, s16  }
0x99: {  	v44 =	vmul.f32 v2, v2;
	v30 =	vadd.f32 v30, v39;
	(v2sf) =	vpush v63, $0xF;
	s1 =	smul.f32 s11, s11  }
0x9a: {  	v45 =	vmul.f32 v1, v1;
	v31 =	vmul.f32 v33, v33;
	(xrf2) =	vadd.scan.msk.f32 $0xffff, v40  }
0x9b: {  	v35 =	vadd.f32 v59, v58;
	(xrf2) =	vadd.scan.msk.f32 $0xffff, v23;
	v28 =	vadd.f32 v30, v28;
	v30 =	vmul.f32 v11, v11;
	s0 =	ssub.f32 s0, s1  }
0x9c: {  	v51 =	vmul.f32 v12, v12;
	v29 =	vadd.f32 v44, v62;
	v31 =	vadd.f32 v42, v31;
	v46, _, _ =	vpop (xrf2)  }
0x9d: {  	v47 =	vmul.f32 v10, v10;
	v30 =	vadd.f32 v45, v30;
	(v2sf) =	vpush v46, $0xF;
	s0 =	sadd.f32 $9.999999740e-06, s0  }
0x9e: {  	v50 =	vmul.f32 v9, v9;
	v49 =	vmul.f32 v8, v8;
	v31 =	vadd.f32 v31, v35;
	(xrf2) =	vadd.scan.msk.f32 $0xffff, v28  }
0x9f: {  	v48 =	vmul.f32 v4, v4;
	v52 =	vmul.f32 v13, v13;
	v29 =	vadd.f32 v30, v29;
	s17 =	sshra.s32 s0, $0x1;
	s2 =	smul.f32 $5.000000000e-01, s0  }
0xa0: {  	v53 =	vmul.f32 v15, v15;
	v23 =	vadd.f32 v50, v49;
	(xrf2) =	vadd.scan.msk.f32 $0xffff, v31;
	v30 =	vmul.f32 v14, v14;
	v54, _, _ =	vpop (xrf2);
	s3 =	ssub.s32 $0x5F3759DF, s17  }
0xa1: {  	v28 =	vadd.f32 v48, v47;
	s18 =	spop (v2sf);
	(v2sf) =	vpush v54, $0xF;
	(xrf2) =	vadd.scan.msk.f32 $0xffff, v29;
	v29 =	vmul.f32 v26, v26;
	s1 =	smul.f32 s3, s2  }
0xa2: {  	v31 =	vadd.f32 v52, v51;
	v30 =	vadd.f32 v53, v30;
	s0 =	smul.f32 $1.562500000e-02, s18  }
0xa3: {  	v23 =	vadd.f32 v23, v28;
	v28 =	vmul.f32 v25, v25;
	s6 =	spop (v2sf);
	s7 =	smul.f32 s3, s1  }
0xa4: {  	v57 =	vmul.f32 v37, v37;
	v56 =	vmul.f32 v36, v36;
	v55, _, _ =	vpop (xrf2);
	v30 =	vadd.f32 v30, v31;
	s1 =	smul.f32 $1.562500000e-02, s6  }
0xa5: {  	(xrf2) =	vadd.scan.msk.f32 $0xffff, v23;
	v58 =	vadd.f32 v29, v28;
	v29, _, _ =	vpop (xrf2);
	(v2sf) =	vpush v55, $0xF;
	s6 =	smul.f32 s0, s0;
	s10 =	spop (v2sf)  }
0xa6: {  	v28 =	vadd.f32 v57, v56;
	(xrf2) =	vadd.scan.msk.f32 $0xffff, v30;
	(v2sf) =	vpush v29, $0xF;
	s16 =	smul.f32 $1.562500000e-02, s10;
	s7 =	ssub.f32 $1.500000000e+00, s7  }
0xa7: {  	s9 =	smul.f32 s1, s1  }
0xa8: {  	v30, _, _ =	vpop (xrf2);
	s19 =	spop (v2sf);
	s3 =	smul.f32 s3, s7  }
0xa9: {  	v23 =	vadd.f32 v28, v58;
	(v2sf) =	vpush v30, $0xF;
	s18 =	smul.f32 $1.562500000e-02, s19  }
0xaa: {  	v28, _, _ =	vpop (xrf2);
	s20 =	smul.f32 s3, s2  }
0xab: {  	(xrf2) =	vadd.scan.msk.f32 $0xffff, v23;
	(v2sf) =	vpush v28, $0xF;
	s10 =	smul.f32 s16, s16  }
0xac: {  	v59, _, _ =	vpop (xrf2);
	s21 =	smul.f32 s20, s3;
	s12 =	spop (v2sf)  }
0xad: {  	(v2sf) =	vpush v59, $0xF;
	s15 =	smul.f32 $1.562500000e-02, s12  }
0xae: {  	s13 =	smul.f32 s18, s18;
	s7 =	ssub.f32 $1.500000000e+00, s21  }
0xaf: {  	v60, _, _ =	vpop (xrf2);
	s19 =	smul.f32 s15, s15  }
0xb0: {  	v61, _, _ =	vpop (xrf2);
	(v2sf) =	vpush v60, $0xF;
	s22 =	spop (v2sf);
	s7 =	smul.f32 s7, s3  }
0xb1: {  	(v2sf) =	vpush v61, $0xF;
	s3 =	smul.f32 $1.562500000e-02, s22  }
0xb2: {  	s2 =	smul.f32 s7, s2  }
0xb3: {  	s24 =	smul.f32 s3, s3  }
0xb4: {  	s23 =	spop (v2sf);
	s2 =	smul.f32 s2, s7  }
0xb5: {  	v62, _, _ =	vpop (xrf2);
	s23 =	smul.f32 $1.562500000e-02, s23;
	s14 =	spop (v2sf)  }
0xb6: {  	(v2sf) =	vpush v62, $0xF;
	s25 =	smul.f32 $1.562500000e-02, s14;
	s2 =	ssub.f32 $1.500000000e+00, s2  }
0xb7: {  	s20 =	smul.f32 s23, s23  }
0xb8: {  	s26 =	spop (v2sf);
	s17 =	smul.f32 s2, s7  }
0xb9: {  	s7 =	smul.f32 $1.562500000e-02, s26  }
0xba: {  	s28 =	spop (v2sf);
	s2 =	ssub.f32 s25, s24  }
0xbb: {  	s12 =	smul.f32 $1.562500000e-02, s28;
	s6 =	ssub.f32 s7, s6  }
0xbc: {  	s21 =	sadd.f32 $9.999999740e-06, s2;
	s14 =	spop (v2sf)  }
0xbd: {  	s7 =	ssub.f32 s12, s9;
	s2 =	smul.f32 $1.562500000e-02, s14  }
0xbe: {  	s6 =	sadd.f32 $9.999999740e-06, s6;
	s12 =	smul.f32 $5.000000000e-01, s21  }
0xbf: {  	s7 =	sadd.f32 $9.999999740e-06, s7;
	s22 =	spop (v2sf)  }
0xc0: {  	s9 =	smul.f32 $1.562500000e-02, s22;
	s24 =	spop (v2sf)  }
0xc1: {  	v63 =	vmov s0;
	s2 =	ssub.f32 s2, s10;
	s14 =	smul.f32 $5.000000000e-01, s6  }
0xc2: {  	v0 =	vsub.f32 v0, v63;
	s25 =	smul.f32 $1.562500000e-02, s24;
	s26 =	ssub.f32 s9, s13  }
0xc3: {  	s24 =	smul.f32 $5.000000000e-01, s7;
	s6 =	sshra.s32 s6, $0x1;
	s22 =	sadd.f32 $9.999999740e-06, s2  }
0xc4: {  	[tilespmem:$0x1FFA0] =	vst v0;
	v0 =	vsub.f32 v16, v63;
	v39 =	vmov s18;
	s18 =	ssub.s32 $0x5F3759DF, s6;
	s28 =	ssub.f32 s25, s19;
	s25 =	sshra.s32 s21, $0x1  }
0xc5: {  	v35 =	vsub.f32 v17, v63;
	v38 =	vmov s16;
	s13 =	spop (v2sf);
	s16 =	ssub.s32 $0x5F3759DF, s25;
	s25 =	smul.f32 s18, s14  }
0xc6: {  	[tilespmem:$0x1FFB0] =	vst v0;
	v0 =	vsub.f32 v21, v63;
	v56 =	vsub.f32 v19, v38;
	s19 =	smul.f32 $1.562500000e-02, s13  }
0xc7: {  	v53 =	vsub.f32 v11, v38;
	v57 =	vsub.f32 v1, v38;
	s10 =	sadd.f32 $9.999999740e-06, s26;
	s2 =	smul.f32 $5.000000000e-01, s22  }
0xc8: {  	[tilespmem:$0x1FFC0] =	vst v0;
	v0 =	vmov s1;
	v30 =	vsub.f32 v10, v39;
	v44 =	vsub.f32 v8, v39;
	s9 =	sadd.f32 $9.999999740e-06, s28;
	s6 =	smul.f32 s16, s12  }
0xc9: {  	v29 =	vld [tilespmem:$0x10400];
	v51 =	vsub.f32 v9, v39;
	v63 =	vsub.f32 v22, v0;
	s1 =	smul.f32 $5.000000000e-01, s10  }
0xca: {  	v1 =	vld [tilespmem:$0x10430];
	v8 =	vmov s11;
	v54 =	vsub.f32 v33, v0;
	v55 =	vsub.f32 v18, v0;
	s0 =	smul.f32 $5.000000000e-01, s9  }
0xcb: {  	v41 =	vsub.f32 v3, v8;
	v3 =	vld [tilespmem:$0x10470];
	v42 =	vsub.f32 v5, v8;
	s7 =	sshra.s32 s7, $0x1;
	s21 =	sshra.s32 s10, $0x1;
	s6 =	smul.f32 s16, s6  }
0xcc: {  	v5 =	vld [tilespmem:$0x10440];
	v59 =	vsub.f32 v20, v0;
	v0 =	vsub.f32 v2, v38;
	s26 =	ssub.f32 s19, s20;
	s19 =	ssub.s32 $0x5F3759DF, s7;
	s7 =	smul.f32 s18, s25  }
0xcd: {  	v43 =	vsub.f32 v6, v8;
	v8 =	vsub.f32 v7, v8;
	v2 =	vld [tilespmem:$0x10410];
	v40 =	vmov s15;
	s20 =	sshra.s32 s22, $0x1;
	s21 =	ssub.s32 $0x5F3759DF, s21;
	s10 =	smul.f32 s19, s24  }
0xce: {  	[tilespmem:$0x1FFE0] =	vst v0;
	v0 =	vsub.f32 v4, v39;
	v4 =	vld [tilespmem:$0x10420];
	v50 =	vsub.f32 v12, v40;
	v10 =	vmul.f32 s17, v41;
	s22 =	sshra.s32 s9, $0x1;
	s20 =	ssub.s32 $0x5F3759DF, s20;
	s11 =	smul.f32 s21, s1  }
0xcf: {  	v6 =	vld [tilespmem:$0x10450];
	v45 =	vsub.f32 v13, v40;
	v46 =	vsub.f32 v14, v40;
	v11 =	vmul.f32 s17, v42;
	s22 =	ssub.s32 $0x5F3759DF, s22;
	s9 =	smul.f32 s20, s2  }
0xd0: {  	v7 =	vld [tilespmem:$0x10460];
	v31 =	vsub.f32 v15, v40;
	v48 =	vmul.f32 s17, v43;
	v47 =	vmul.f32 v10, v1;
	s13 =	smul.f32 s22, s0  }
0xd1: {  	v49 =	vmov s3;
	v8 =	vmul.f32 s17, v8;
	v11 =	vmul.f32 v11, v29;
	s28 =	sadd.f32 $9.999999740e-06, s26;
	s17 =	smul.f32 s19, s10  }
0xd2: {  	[tilespmem:$0x1FFD0] =	vst v35;
	v60 =	vsub.f32 v32, v49;
	v10 =	vmul.f32 v48, v2;
	v9 =	vadd.f32 v47, v3;
	s11 =	smul.f32 s21, s11  }
0xd3: {  	[tilespmem:$0x1FFF0] =	vst v0;
	v32 =	vsub.f32 v24, v49;
	v8 =	vmul.f32 v8, v4;
	v11 =	vadd.f32 v11, v5;
	s3 =	ssub.f32 $1.500000000e+00, s6;
	s26 =	smul.f32 $5.000000000e-01, s28;
	s28 =	sshra.s32 s28, $0x1  }
0xd4: {  	v0 =	vsub.f32 v34, v49;
	v52 =	vadd.f32 v10, v6;
	[tilespmem:s31+$0xF0] =	vst v9;
	s30 =	ssub.f32 $1.500000000e+00, s7;
	s9 =	smul.f32 s20, s9;
	s15 =	ssub.s32 $0x5F3759DF, s28  }
0xd5: {  	v61 =	vsub.f32 v27, v49;
	v58 =	vmov s23;
	s23 =	simm.s32 $0x0;
	v8 =	vadd.f32 v8, v7;
	[tilespmem:s31+$0xC0] =	vst v11;
	s6 =	ssub.f32 $1.500000000e+00, s17;
	s28 =	smul.f32 s15, s26  }
0xd6: {  	v28 =	vsub.f32 v25, v58;
	v34 =	vsub.f32 v26, v58;
	[tilespmem:s31+$0xD0] =	vst v52;
	s25 =	sshll.u32 s8, $0x11;
	s10 =	smul.f32 s22, s13;
	s7 =	ssub.f32 $1.500000000e+00, s9  }
0xd7: {  	v35 =	vsub.f32 v36, v58;
	v33 =	vsub.f32 v37, v58;
	[tilespmem:s31+$0xE0] =	vst v8;
	s9 =	ssub.f32 $1.500000000e+00, s11;
	s11 =	simm.s32 $0x700;
	s13 =	smul.f32 s15, s28  }
.LBB2_6:
0xd8: {  	v36 =	vld [tilespmem:s11+$0xC0]  }
0xd9: {  	v38 =	vld [tilespmem:s11+$0xD0];
	s17 =	smul.f32 s16, s3  }
0xda: {  	v37 =	vld [tilespmem:s11+$0xE0];
	s3 =	smul.f32 s18, s30  }
0xdb: {  	v39 =	vld [tilespmem:s11+$0xF0];
	s30 =	smul.f32 s19, s6  }
0xdc: {  	v41 =	vld [tilespmem:s11+$0xFFFFFF20];
	s10 =	ssub.f32 $1.500000000e+00, s10;
	s20 =	smul.f32 s20, s7  }
0xdd: {  	[tilespmem:$0x1FED0] =	vst v55;
	v40 =	vld [tilespmem:s11+$0xFFFFFF30];
	s13 =	ssub.f32 $1.500000000e+00, s13;
	s16 =	smul.f32 s21, s9  }
0xde: {  	[tilespmem:$0x1FEC0] =	vst v54;
	v48 =	vld [tilespmem:s11+$0xFFFFFF40];
	s18 =	smul.f32 s22, s10  }
0xdf: {  	[tilespmem:$0x1FEF0] =	vst v53;
	v47 =	vld [tilespmem:s11+$0xFFFFFF50];
	s19 =	smul.f32 s15, s13  }
0xe0: {  	[tilespmem:$0x1FEE0] =	vst v56;
	v49 =	vld [tilespmem:s11+$0xFFFFFF60];
	s7 =	smul.f32 s17, s12;
	v8 =	vadd.f32 v38, v36  }
0xe1: {  	[tilespmem:$0x1FF20] =	vst v51;
	v51 =	vld [tilespmem:s11+$0xFFFFFF70];
	s9 =	smul.f32 s3, s14;
	v9 =	vadd.f32 v39, v37;
	v10 =	vmul.f32 v36, v36;
	v11 =	vmul.f32 v38, v38  }
0xe2: {  	[tilespmem:$0x1FF00] =	vst v57;
	v54 =	vld [tilespmem:s11+$0xFFFFFF80];
	s10 =	smul.f32 s30, s24;
	v13 =	vmul.f32 v37, v37;
	v14 =	vmul.f32 v39, v39  }
0xe3: {  	[tilespmem:$0x1FF30] =	vst v50;
	v56 =	vld [tilespmem:s11+$0xFFFFFF90];
	s13 =	smul.f32 s20, s2;
	v8 =	vadd.f32 v9, v8  }
0xe4: {  	[tilespmem:$0x1FF80] =	vst v35;
	v58 =	vld [tilespmem:s11+$0xFFFFFFA0];
	s15 =	smul.f32 s16, s1;
	v10 =	vadd.f32 v11, v10;
	v52 =	vadd.f32 v14, v13  }
0xe5: {  	[tilespmem:$0x1FF90] =	vst v33;
	v33 =	vmov v63;
	v63 =	vld [tilespmem:s11+$0xFFFFFFB0];
	s21 =	smul.f32 s18, s0  }
0xe6: {  	[tilespmem:$0x1FF70] =	vst v28;
	v55 =	vld [tilespmem:s11+$0xFFFFFFE0];
	v35 =	vmovc v59;
	v15 =	vmul.f32 v41, v41;
	s22 =	smul.f32 s19, s26;
	(xrf2) =	vadd.scan.msk.f32 $0xffff, v8;
	v10 =	vadd.f32 v52, v10  }
0xe7: {  	v59 =	vld [tilespmem:s11+$0xFFFFFFF0];
	v28 =	vmovc v0;
	v0 =	vmovc v32;
	v32 =	vmov v60;
	v50 =	vmul.f32 v40, v40;
	v53 =	vmul.f32 v48, v48;
	s6 =	smul.f32 s7, s17  }
0xe8: {  	v60 =	vld [tilespmem:s11+$0x10];
	v16 =	vmul.f32 v47, v47;
	v57 =	vmul.f32 v49, v49;
	v20 =	vadd.f32 v51, v49;
	s7 =	smul.f32 s9, s3;
	(xrf2) =	vadd.scan.msk.f32 $0xffff, v10  }
0xe9: {  	v21 =	vmul.f32 v51, v51;
	v22 =	vmul.f32 v54, v54;
	s9 =	smul.f32 s10, s30;
	v15 =	vadd.f32 v50, v15;
	v50 =	vld [tilespmem:s11+$0xFFFFFFC0]  }
0xea: {  	v23 =	vadd.f32 v56, v54;
	v17 =	vmul.f32 v56, v56;
	s10 =	smul.f32 s13, s20;
	v18 =	vadd.f32 v63, v58;
	s6 =	ssub.f32 $1.500000000e+00, s6;
	v52 =	vld [tilespmem:s11+$0xFFFFFFD0]  }
0xeb: {  	[tilespmem:$0x1FF60] =	vst v31;
	v24 =	vmul.f32 v58, v58;
	s13 =	smul.f32 s15, s16;
	v13 =	vadd.f32 v16, v53;
	s7 =	ssub.f32 $1.500000000e+00, s7;
	v53 =	vld [tilespmem:s11+$0x0];
	v8 =	vadd.f32 v47, v48  }
0xec: {  	v31 =	vmovc v61;
	v61 =	vld [tilespmem:s11+$0x20];
	v25 =	vmul.f32 v63, v63;
	v43 =	vadd.f32 v59, v55;
	v9 =	vadd.f32 v21, v57;
	s9 =	ssub.f32 $1.500000000e+00, s9;
	s15 =	smul.f32 s21, s18  }
0xed: {  	[tilespmem:$0x1FF10] =	vst v44;
	v62 =	vld [tilespmem:s11+$0x50];
	v44 =	vmul.f32 v59, v59;
	s10 =	ssub.f32 $1.500000000e+00, s10;
	s21 =	smul.f32 s22, s19;
	v26 =	vadd.f32 v18, v23;
	v8 =	vadd.f32 v20, v8  }
0xee: {  	s13 =	ssub.f32 $1.500000000e+00, s13;
	v16 =	vadd.f32 v25, v24;
	v11 =	vld [tilespmem:s11+$0x30];
	s22 =	smul.f32 s6, s17;
	v10 =	vadd.f32 v17, v22;
	v17 =	vmul.f32 v55, v55  }
0xef: {  	v57 =	vld [tilespmem:s11+$0x40];
	v13 =	vadd.f32 v9, v13;
	s28 =	ssub.f32 $1.500000000e+00, s15;
	s15 =	smul.f32 s7, s3;
	(xrf2) =	vadd.scan.msk.f32 $0xffff, v8;
	v8 =	vmul.f32 v50, v50;
	v19 =	vmul.f32 v52, v52  }
0xf0: {  	[tilespmem:$0x1FF50] =	vst v46;
	s7 =	ssub.f32 $1.500000000e+00, s21;
	s21 =	smul.f32 s9, s30;
	v9 =	vld [tilespmem:s11+$0x70];
	v46 =	vadd.f32 v60, v53;
	v18 =	vadd.f32 v52, v50;
	v20, _, _ =	vpop (xrf2);
	(xrf2) =	vadd.scan.msk.f32 $0xffff, v26  }
0xf1: {  	v25 =	vmul.f32 v60, v60;
	s20 =	smul.f32 s10, s20;
	v17 =	vadd.f32 v44, v17;
	v19 =	vadd.f32 v19, v8;
	v8 =	vld [tilespmem:s11+$0x60]  }
0xf2: {  	s16 =	smul.f32 s13, s16;
	v24 =	vmul.f32 v53, v53;
	v18 =	vadd.f32 v43, v18;
	(v2sf) =	vpush v20, $0xF;
	v26, _, _ =	vpop (xrf2)  }
0xf3: {  	v42 =	vld [tilespmem:s11+$0xFFFFFF10];
	v21 =	vmul.f32 v61, v61;
	s18 =	smul.f32 s28, s18;
	v20 =	vadd.f32 v11, v61;
	(v2sf) =	vpush v26, $0xF  }
0xf4: {  	[tilespmem:$0x1FF40] =	vst v45;
	v45 =	vld [tilespmem:s11+$0x90];
	s19 =	smul.f32 s7, s19;
	v22 =	vmul.f32 v11, v11;
	v23 =	vadd.f32 v25, v24;
	v25 =	vadd.f32 v62, v57  }
0xf5: {  	s13 =	smul.f32 s22, s12;
	v43 =	vld [tilespmem:s11+$0x80];
	(xrf2) =	vadd.scan.msk.f32 $0xffff, v18;
	v18 =	vadd.f32 v20, v46;
	v20 =	vadd.f32 v17, v19  }
0xf6: {  	s14 =	smul.f32 s15, s14;
	v44 =	vld [tilespmem:s11+$0xA0];
	v26 =	vmul.f32 v62, v62;
	v17 =	vadd.f32 v22, v21;
	v21 =	vadd.f32 v9, v8  }
0xf7: {  	v14 =	vadd.f32 v40, v41;
	s17 =	smul.f32 s21, s24;
	v24 =	vmul.f32 v57, v57;
	v46 =	vld [tilespmem:s11+$0xB0]  }
0xf8: {  	v12 =	vmul.f32 v42, v42;
	s24 =	smul.f32 s20, s2;
	v16 =	vadd.f32 v16, v10;
	v10 =	vld [tilespmem:s11+$0xFFFFFF00];
	v21 =	vadd.f32 v21, v25  }
0xf9: {  	s28 =	smul.f32 s16, s1;
	v19 =	vmul.f32 v8, v8;
	v27, _, _ =	vpop (xrf2);
	v22 =	vadd.f32 v26, v24;
	v24 =	vmul.f32 v9, v9;
	(xrf2) =	vadd.scan.msk.f32 $0xffff, v18  }
0xfa: {  	s9 =	smul.f32 s18, s0;
	v18 =	vadd.f32 v17, v23;
	v17 =	vmul.f32 v43, v43;
	(v2sf) =	vpush v27, $0xF;
	v26, _, _ =	vpop (xrf2);
	(xrf2) =	vadd.scan.msk.f32 $0xffff, v21  }
0xfb: {  	s10 =	smul.f32 s19, s26;
	v23 =	vadd.f32 v45, v43;
	v25 =	vmul.f32 v45, v45;
	v19 =	vadd.f32 v24, v19  }
0xfc: {  	s3 =	smul.f32 s13, s22;
	v24 =	vmul.f32 v44, v44;
	(v2sf) =	vpush v26, $0xF;
	v26 =	vadd.f32 v46, v44  }
0xfd: {  	s6 =	smul.f32 s14, s15;
	v17 =	vadd.f32 v25, v17;
	v25 =	vmul.f32 v46, v46;
	v21 =	vadd.f32 v42, v10  }
0xfe: {  	s7 =	smul.f32 s17, s21;
	v27 =	vmul.f32 v10, v10;
	v19 =	vadd.f32 v19, v22;
	v22 =	vadd.f32 v26, v23  }
0xff: {  	s2 =	smul.f32 s24, s20;
	s3 =	ssub.f32 $1.500000000e+00, s3;
	v23 =	vadd.f32 v25, v24;
	v24 =	vadd.f32 v14, v21;
	v14, _, _ =	vpop (xrf2)  }
0x100: {  	s1 =	smul.f32 s28, s16;
	s6 =	ssub.f32 $1.500000000e+00, s6;
	v12 =	vadd.f32 v12, v27;
	(v2sf) =	vpush v14, $0xF  }
0x101: {  	s3 =	smul.f32 s3, s22;
	s12 =	spop (v2sf)  }
0x102: {  	v12 =	vadd.f32 v15, v12;
	(xrf2) =	vadd.scan.msk.f32 $0xffff, v24;
	s12 =	smul.f32 $1.562500000e-02, s12;
	s13 =	spop (v2sf)  }
0x103: {  	s17 =	ssub.f32 $1.500000000e+00, s7;
	v25 =	vld [tilespmem:$0x1FFA0];
	v17 =	vadd.f32 v23, v17;
	v23, _, _ =	vpop (xrf2);
	(xrf2) =	vadd.scan.msk.f32 $0xffff, v22;
	s7 =	smul.f32 $1.562500000e-02, s13  }
0x104: {  	s30 =	ssub.f32 $1.500000000e+00, s2;
	s14 =	smul.f32 s12, s12;
	v24, _, _ =	vpop (xrf2);
	(xrf2) =	vadd.scan.msk.f32 $0xffff, v12;
	v12 =	vmul.f32 s3, v32;
	v32 =	vld [tilespmem:$0x1FFC0]  }
0x105: {  	s0 =	smul.f32 s9, s18;
	s2 =	ssub.f32 $1.500000000e+00, s1  }
0x106: {  	s24 =	smul.f32 s10, s19;
	s7 =	ssub.f32 s7, s14  }
0x107: {  	s1 =	ssub.f32 $1.500000000e+00, s0;
	s6 =	smul.f32 s6, s15  }
0x108: {  	v15 =	vmul.f32 s3, v28;
	v26 =	vld [tilespmem:$0x1FFB0];
	s7 =	sadd.f32 $9.999999740e-06, s7  }
0x109: {  	s0 =	ssub.f32 $1.500000000e+00, s24;
	s24 =	smul.f32 s17, s21;
	(xrf2) =	vadd.scan.msk.f32 $0xffff, v13;
	v13 =	vmul.f32 s6, v25;
	v25 =	vmul.f32 s6, v32;
	v32 =	vld [tilespmem:$0x1FFD0]  }
0x10a: {  	v21 =	vmul.f32 s3, v31;
	v14 =	vmul.f32 s3, v0;
	s26 =	spop (v2sf);
	s28 =	sshra.s32 s7, $0x1;
	s3 =	smul.f32 $5.000000000e-01, s7  }
0x10b: {  	s9 =	smul.f32 $1.562500000e-02, s26;
	s10 =	ssub.s32 $0x5F3759DF, s28  }
0x10c: {  	s13 =	spop (v2sf);
	s14 =	smul.f32 s10, s3  }
0x10d: {  	(v2sf) =	vpush v23, $0xF;
	v22 =	vmul.f32 s6, v26;
	s7 =	smul.f32 $1.562500000e-02, s13  }
0x10e: {  	(v2sf) =	vpush v24, $0xF;
	v23 =	vmov s9;
	v26 =	vmul.f32 s6, v32;
	s6 =	smul.f32 s10, s14  }
0x10f: {  	v12 =	vmul.f32 v12, v29;
	v27 =	vsub.f32 v48, v23;
	v24, _, _ =	vpop (xrf2);
	(xrf2) =	vadd.scan.msk.f32 $0xffff, v16;
	s15 =	spop (v2sf);
	v32 =	vsub.f32 v47, v23;
	s14 =	smul.f32 s7, s7  }
0x110: {  	v48 =	vmov s7;
	v47 =	vsub.f32 v49, v23;
	v49 =	vsub.f32 v51, v23;
	v51, _, _ =	vpop (xrf2);
	s7 =	smul.f32 $1.562500000e-02, s15;
	(xrf2) =	vadd.scan.msk.f32 $0xffff, v20  }
0x111: {  	v16 =	vsub.f32 v54, v48;
	v54 =	vsub.f32 v56, v48;
	v56, _, _ =	vpop (xrf2);
	(xrf2) =	vadd.scan.msk.f32 $0xffff, v18;
	v18 =	vmul.f32 s24, v33  }
0x112: {  	[tilespmem:$0x1FFB0] =	vst v32;
	v32 =	vsub.f32 v58, v48;
	v58 =	vadd.f32 v12, v5;
	v0 =	vmov s7  }
0x113: {  	[tilespmem:$0x1FFC0] =	vst v47;
	v47 =	vmul.f32 v22, v2;
	v20 =	vsub.f32 v50, v0;
	v22 =	vsub.f32 v52, v0  }
0x114: {  	v12 =	vmul.f32 v25, v4;
	v25 =	vsub.f32 v55, v0;
	v33 =	vsub.f32 v59, v0;
	v0 =	vld [tilespmem:$0x1FEC0];
	_ =	sdelay $0x3  }
0x115: {  	(v2sf) =	vpush v24, $0xF  }
0x116: {  	v24 =	vsub.f32 v63, v48;
	v48 =	vmul.f32 v13, v29;
	v13 =	vmul.f32 s24, v0;
	v0 =	vld [tilespmem:$0x1FED0];
	_ =	sdelay $0x1  }
0x117: {  	(v2sf) =	vpush v51, $0xF  }
0x118: {  	s6 =	ssub.f32 $1.500000000e+00, s6;
	(v2sf) =	vpush v56, $0xF  }
0x119: {  	s20 =	smul.f32 s30, s20;
	v23 =	vmul.f32 v15, v4;
	v15 =	vmul.f32 v21, v1  }
0x11a: {  	v21 =	vmul.f32 s24, v35;
	s15 =	spop (v2sf);
	s6 =	smul.f32 s10, s6;
	v35 =	vmul.f32 s24, v0;
	v0 =	vld [tilespmem:$0x1FEE0]  }
0x11b: {  	v59, _, _ =	vpop (xrf2);
	s10 =	smul.f32 $1.562500000e-02, s15;
	s28 =	spop (v2sf)  }
0x11c: {  	(xrf2) =	vadd.scan.msk.f32 $0xffff, v19;
	(v2sf) =	vpush v59, $0xF;
	s15 =	smul.f32 $1.562500000e-02, s28  }
0x11d: {  	s2 =	smul.f32 s2, s16  }
0x11e: {  	s1 =	smul.f32 s1, s18;
	[tilespmem:$0x1FFA0] =	vst v27;
	v27 =	vmul.f32 v14, v2;
	v14 =	vmul.f32 v21, v2;
	v56 =	vmov s15  }
0x11f: {  	v63 =	vmovc v16;
	s17 =	smul.f32 s6, s3;
	v16 =	vmov s10;
	v21 =	vsub.f32 v62, v56;
	v62 =	vmul.f32 s20, v0;
	v0 =	vld [tilespmem:$0x1FFE0]  }
0x120: {  	s0 =	smul.f32 s0, s19;
	v50 =	vsub.f32 v53, v16;
	v53, _, _ =	vpop (xrf2);
	(xrf2) =	vadd.scan.msk.f32 $0xffff, v17  }
0x121: {  	s21 =	smul.f32 s17, s6  }
0x122: {  	s26 =	smul.f32 s7, s7;
	[tilespmem:s31+$0xFFFFFF00] =	vst v58;
	(v2sf) =	vpush v53, $0xF;
	v58, _, _ =	vpop (xrf2)  }
0x123: {  	[tilespmem:$0x1FFD0] =	vst v49;
	v49 =	vmul.f32 v26, v1;
	v51 =	vsub.f32 v60, v16;
	s7 =	ssub.f32 $1.500000000e+00, s21;
	s17 =	spop (v2sf);
	(v2sf) =	vpush v58, $0xF  }
0x124: {  	s22 =	smul.f32 s9, s9;
	v26 =	vsub.f32 v8, v56;
	v8 =	vadd.f32 v27, v6;
	v27 =	vmul.f32 s20, v0;
	v0 =	vld [tilespmem:$0x1FEF0]  }
0x125: {  	v28 =	vld [tilespmem:$0x1FFF0];
	v55 =	vmov v24;
	v24 =	vsub.f32 v61, v16;
	v52 =	vsub.f32 v11, v16;
	v60, _, _ =	vpop (xrf2);
	s6 =	smul.f32 s7, s6  }
0x126: {  	v19 =	vsub.f32 v57, v56;
	v57 =	vmov v33;
	s7 =	smul.f32 $1.562500000e-02, s17;
	(v2sf) =	vpush v60, $0xF;
	v33, _, _ =	vpop (xrf2);
	s28 =	spop (v2sf)  }
0x127: {  	v61 =	vadd.f32 v23, v7;
	s21 =	smul.f32 s15, s15;
	s13 =	spop (v2sf);
	(v2sf) =	vpush v33, $0xF  }
0x128: {  	v16 =	vmul.f32 v18, v29;
	v18 =	vsub.f32 v9, v56;
	v56 =	vmovc v20;
	s3 =	smul.f32 s6, s3;
	v20 =	vmov s7  }
0x129: {  	v15 =	vadd.f32 v15, v3;
	[tilespmem:s31+$0xFFFFFF20] =	vst v61;
	s24 =	smul.f32 s10, s10;
	v61 =	vsub.f32 v40, v20;
	v9 =	vmul.f32 s20, v0;
	v0 =	vld [tilespmem:$0x1FF00]  }
0x12a: {  	[tilespmem:s31+$0xFFFFFF10] =	vst v8;
	v40 =	vmul.f32 s2, v28;
	v28 =	vmov v51;
	s3 =	smul.f32 s3, s6;
	v8 =	vmul.f32 v27, v2;
	v27, _, _ =	vpop (xrf2)  }
0x12b: {  	v48 =	vadd.f32 v48, v5;
	s7 =	smul.f32 s7, s7;
	[tilespmem:$0x1FFF0] =	vst v28;
	v28 =	vld [tilespmem:$0x1FF10];
	s17 =	spop (v2sf);
	(v2sf) =	vpush v27, $0xF  }
0x12c: {  	v59 =	vmovc v54;
	v12 =	vadd.f32 v12, v7;
	v14 =	vadd.f32 v14, v6;
	v11 =	vmul.f32 v35, v1;
	s3 =	ssub.f32 $1.500000000e+00, s3;
	s15 =	smul.f32 $1.562500000e-02, s13  }
0x12d: {  	v54 =	vmovc v32;
	v60 =	vsub.f32 v10, v20;
	v32 =	vsub.f32 v42, v20;
	v42 =	vmov s12;
	v51 =	vmovc v52;
	v52 =	vld [tilespmem:$0x1FF50];
	s10 =	smul.f32 $1.562500000e-02, s28  }
0x12e: {  	[tilespmem:s31+$0xFFFFFF40] =	vst v48;
	v48 =	vld [tilespmem:$0x1FF80];
	v58 =	vsub.f32 v39, v42;
	v17 =	vmul.f32 v62, v29;
	s3 =	smul.f32 s3, s6;
	s6 =	ssub.f32 s15, s7;
	v35 =	vmul.f32 s20, v0;
	v0 =	vmovc v22  }
0x12f: {  	v62 =	vadd.f32 v47, v6;
	v47 =	vld [tilespmem:$0x1FF70];
	v22 =	vmov s10;
	s20 =	smul.f32 $1.562500000e-02, s17;
	[tilespmem:$0x1FFE0] =	vst v0;
	v0 =	vsub.f32 v41, v20  }
0x130: {  	s30 =	smul.f32 s10, s10;
	s6 =	sadd.f32 $9.999999740e-06, s6;
	v33 =	vsub.f32 v43, v22;
	v27 =	vsub.f32 v44, v22;
	v41 =	vmul.f32 s2, v28;
	v28 =	vld [tilespmem:$0x1FF20]  }
0x131: {  	v10 =	vmul.f32 v35, v1;
	v35 =	vsub.f32 v45, v22;
	v22 =	vsub.f32 v46, v22;
	s7 =	ssub.f32 s20, s22;
	s22 =	spop (v2sf);
	v46 =	vld [tilespmem:$0x1FF30]  }
0x132: {  	[tilespmem:s31+$0xFFFFFF30] =	vst v15;
	v13 =	vmul.f32 v13, v4;
	v36 =	vsub.f32 v36, v42;
	v45 =	vmovc v21;
	v21 =	vmul.f32 s1, v52;
	v52 =	vld [tilespmem:$0x1FF90];
	s9 =	smul.f32 $1.562500000e-02, s22;
	s13 =	spop (v2sf)  }
0x133: {  	[tilespmem:s31+$0xFFFFFF60] =	vst v12;
	v53 =	vmovc v25;
	v38 =	vsub.f32 v38, v42;
	v23 =	vsub.f32 v37, v42;
	v25 =	vmul.f32 s3, v58;
	s12 =	sshra.s32 s6, $0x1;
	s28 =	sadd.f32 $9.999999740e-06, s7;
	s15 =	smul.f32 $1.562500000e-02, s13  }
0x134: {  	v37 =	vmul.f32 s2, v30;
	v30 =	vmovc v50;
	v50 =	vmovc v19;
	v19 =	vmul.f32 s0, v48;
	v58 =	vld [tilespmem:$0x1FF60];
	[tilespmem:s31+$0xFFFFFF50] =	vst v62;
	v62 =	vadd.f32 v16, v5;
	s16 =	ssub.s32 $0x5F3759DF, s12;
	s12 =	smul.f32 $5.000000000e-01, s6;
	s9 =	ssub.f32 s9, s14  }
0x135: {  	[tilespmem:s31+$0xFFFFFF90] =	vst v14;
	v11 =	vadd.f32 v11, v3;
	v25 =	vmul.f32 v25, v1;
	s20 =	spop (v2sf);
	v42 =	vmul.f32 s2, v28;
	v28 =	vld [tilespmem:$0x1FF40];
	s14 =	sshra.s32 s28, $0x1;
	s19 =	ssub.f32 s15, s26  }
0x136: {  	v31 =	vmovc v18;
	[tilespmem:s31+$0xFFFFFF80] =	vst v62;
	v62 =	vadd.f32 v17, v5;
	v18 =	vmul.f32 s0, v47;
	v44 =	vmovc v24;
	s26 =	spop (v2sf);
	v24 =	vmul.f32 s1, v46;
	s18 =	ssub.s32 $0x5F3759DF, s14;
	s14 =	smul.f32 $5.000000000e-01, s28  }
0x137: {  	[tilespmem:s31+$0xFFFFFFB0] =	vst v11;
	v25 =	vadd.f32 v25, v3;
	v46 =	vmovc v26;
	v26 =	vmul.f32 s0, v34;
	v20 =	vmul.f32 s0, v52;
	s2 =	smul.f32 $1.562500000e-02, s26;
	s0 =	sadd.f32 $9.999999740e-06, s19  }
0x138: {  	v19 =	vmul.f32 v19, v4;
	[tilespmem:s31+$0xFFFFFFC0] =	vst v62;
	v8 =	vadd.f32 v8, v6;
	s17 =	sadd.f32 $9.999999740e-06, s9;
	s6 =	smul.f32 s18, s14  }
0x139: {  	[tilespmem:s11+$0xF0] =	vst v25;
	v25 =	vmul.f32 s1, v58;
	v58 =	vadd.f32 v49, v3;
	v49 =	vadd.f32 v13, v7;
	s7 =	ssub.f32 s2, s21;
	s2 =	smul.f32 $5.000000000e-01, s0  }
0x13a: {  	[tilespmem:s31+$0xFFFFFFD0] =	vst v8;
	v9 =	vmul.f32 v9, v4;
	s9 =	spop (v2sf);
	v43 =	vmul.f32 s1, v28;
	s1 =	smul.f32 $1.562500000e-02, s20  }
0x13b: {  	[tilespmem:s31+$0xFFFFFFA0] =	vst v49;
	v49 =	vadd.f32 v19, v7;
	s13 =	smul.f32 $1.562500000e-02, s9  }
0x13c: {  	v16 =	vmul.f32 v37, v29;
	[tilespmem:s31+$0xFFFFFF70] =	vst v58;
	v9 =	vadd.f32 v9, v7;
	s28 =	sshra.s32 s0, $0x1;
	s15 =	sadd.f32 $9.999999740e-06, s7;
	s7 =	smul.f32 s16, s12  }
0x13d: {  	[tilespmem:s31+$0xA0] =	vst v49;
	v48 =	vmul.f32 v41, v4;
	v8 =	vadd.f32 v10, v3;
	s20 =	ssub.s32 $0x5F3759DF, s28;
	s6 =	smul.f32 s18, s6  }
0x13e: {  	v37 =	vmul.f32 v25, v1;
	[tilespmem:s31+$0xFFFFFFE0] =	vst v9;
	v41 =	vadd.f32 v16, v5;
	s9 =	smul.f32 s20, s2  }
0x13f: {  	v47 =	vmul.f32 v40, v2;
	[tilespmem:s31+$0xFFFFFFF0] =	vst v8;
	v8 =	vadd.f32 v48, v7;
	s22 =	sshra.s32 s17, $0x1;
	s1 =	ssub.f32 s1, s24;
	s24 =	smul.f32 $5.000000000e-01, s17  }
0x140: {  	v18 =	vmul.f32 v18, v29;
	v21 =	vmul.f32 v21, v4;
	[tilespmem:s31+$0x0] =	vst v41;
	v48 =	vadd.f32 v37, v3;
	s19 =	ssub.s32 $0x5F3759DF, s22;
	s0 =	smul.f32 $5.000000000e-01, s15  }
0x141: {  	v23 =	vmul.f32 s3, v23;
	v34 =	vmovc v35;
	v52 =	vmul.f32 v42, v1;
	v42 =	vadd.f32 v47, v6;
	[tilespmem:s31+$0x20] =	vst v8;
	s17 =	ssub.f32 s13, s30;
	s26 =	sshra.s32 s15, $0x1;
	s7 =	smul.f32 s16, s7  }
0x142: {  	v35 =	vmovc v27;
	v27 =	vmul.f32 s3, v38;
	v47 =	vadd.f32 v21, v7;
	v8 =	vadd.f32 v18, v5;
	[tilespmem:s31+$0x70] =	vst v48;
	s22 =	ssub.s32 $0x5F3759DF, s26;
	s9 =	smul.f32 s20, s9;
	s1 =	sadd.f32 $9.999999740e-06, s1  }
0x143: {  	v38 =	vmul.f32 v26, v2;
	[tilespmem:s31+$0x10] =	vst v42;
	v28 =	vmovc v33;
	v33 =	vmov v22;
	v22 =	vmul.f32 s3, v36;
	s3 =	sadd.f32 $9.999999740e-06, s17;
	s17 =	smul.f32 s22, s0  }
0x144: {  	v39 =	vmul.f32 v20, v1;
	v13 =	vadd.f32 v52, v3;
	[tilespmem:s31+$0x60] =	vst v47;
	s10 =	sshra.s32 s1, $0x1;
	s1 =	smul.f32 $5.000000000e-01, s1  }
0x145: {  	v24 =	vmul.f32 v24, v29;
	[tilespmem:s31+$0x80] =	vst v8;
	v11 =	vadd.f32 v38, v6;
	s26 =	smul.f32 $5.000000000e-01, s3  }
0x146: {  	v12 =	vadd.f32 v39, v3;
	[tilespmem:s31+$0x30] =	vst v13;
	v58 =	vmul.f32 v43, v2;
	s28 =	sshra.s32 s3, $0x1;
	s21 =	ssub.s32 $0x5F3759DF, s10;
	s10 =	smul.f32 s19, s24  }
0x147: {  	s23 =	sadd.s32 $0x8, s23;
	v22 =	vmul.f32 v22, v29;
	v43 =	vadd.f32 v24, v5;
	[tilespmem:s31+$0x90] =	vst v11;
	s15 =	ssub.s32 $0x5F3759DF, s28;
	s13 =	smul.f32 s21, s1  }
0x148: {  	p2 =	slt.u32 s23, $0x1F8;
	v40 =	vmul.f32 v27, v2;
	[tilespmem:s31+$0xB0] =	vst v12;
	v14 =	vadd.f32 v58, v6;
	s28 =	smul.f32 s15, s26  }
.Ltmp2:
0x149: {  	v23 =	vmul.f32 v23, v4;
	s30 =	ssub.f32 $1.500000000e+00, s6;
	v52 =	vadd.f32 v22, v5;
	[tilespmem:s31+$0x40] =	vst v43;
	(pc) =	sbr.rel @p2 .LBB2_6-.Ltmp2, $4  }
0x14a: {  	v58 =	vadd.f32 v40, v6;
	[tilespmem:s31+$0x50] =	vst v14;
	s3 =	ssub.f32 $1.500000000e+00, s7;
	s10 =	smul.f32 s19, s10  }
0x14b: {  	v62 =	vadd.f32 v23, v7;
	[tilespmem:s11+$0xC0] =	vst v52;
	s7 =	ssub.f32 $1.500000000e+00, s9;
	s13 =	smul.f32 s21, s13  }
0x14c: {  	s31 =	smov.u32 s11;
	[tilespmem:s11+$0xD0] =	vst v58;
	s6 =	ssub.f32 $1.500000000e+00, s10;
	s10 =	smul.f32 s22, s17  }
0x14d: {  	s11 =	sadd.s32 $0x200, s11;
	[tilespmem:s31+$0xE0] =	vst v62;
	s9 =	ssub.f32 $1.500000000e+00, s13;
	s13 =	smul.f32 s15, s28  }
0x14e: {  	s11 =	smul.f32 s16, s3  }
0x14f: {  	s16 =	smul.f32 s18, s30  }
0x150: {  	s6 =	smul.f32 s19, s6  }
0x151: {  	s19 =	ssub.f32 $1.500000000e+00, s10;
	s7 =	smul.f32 s20, s7  }
0x152: {  	s9 =	smul.f32 s21, s9  }
0x153: {  	s20 =	ssub.f32 $1.500000000e+00, s13;
	s13 =	smul.f32 s22, s19  }
0x154: {  	s22 =	smul.f32 s11, s12  }
0x155: {  	s23 =	smul.f32 s16, s14  }
0x156: {  	s17 =	smul.f32 s6, s24  }
0x157: {  	s28 =	smul.f32 s7, s2  }
0x158: {  	s3 =	smul.f32 s15, s20  }
0x159: {  	s10 =	smul.f32 s22, s11  }
0x15a: {  	s15 =	smul.f32 s23, s16  }
0x15b: {  	s17 =	smul.f32 s17, s6  }
0x15c: {  	s20 =	smul.f32 s28, s7  }
0x15d: {  	s22 =	smul.f32 s9, s1  }
0x15e: {  	s23 =	smul.f32 s13, s0;
	s10 =	ssub.f32 $1.500000000e+00, s10  }
0x15f: {  	s19 =	ssub.f32 $1.500000000e+00, s15;
	s15 =	smul.f32 s22, s9  }
0x160: {  	s17 =	ssub.f32 $1.500000000e+00, s17;
	s10 =	smul.f32 s10, s11  }
0x161: {  	s21 =	ssub.f32 $1.500000000e+00, s20;
	s16 =	smul.f32 s19, s16  }
0x162: {  	s6 =	smul.f32 s17, s6  }
0x163: {  	s7 =	smul.f32 s21, s7  }
0x164: {  	s28 =	smul.f32 s10, s12  }
0x165: {  	s11 =	smul.f32 s23, s13  }
0x166: {  	s15 =	ssub.f32 $1.500000000e+00, s15;
	s12 =	smul.f32 s28, s10  }
0x167: {  	s18 =	smul.f32 s16, s14  }
0x168: {  	s19 =	smul.f32 s15, s9;
	s20 =	ssub.f32 $1.500000000e+00, s12  }
0x169: {  	s22 =	smul.f32 s6, s24  }
0x16a: {  	s9 =	smul.f32 s20, s10  }
0x16b: {  	s11 =	ssub.f32 $1.500000000e+00, s11;
	s14 =	smul.f32 s18, s16  }
0x16c: {  	v12 =	vld [tilespmem:$0x1FFA0];
	s23 =	smul.f32 s7, s2;
	v8 =	vmul.f32 s9, v60  }
0x16d: {  	v13 =	vld [tilespmem:$0x1FFB0];
	s11 =	smul.f32 s11, s13;
	s21 =	ssub.f32 $1.500000000e+00, s14  }
0x16e: {  	v14 =	vld [tilespmem:$0x1FFC0];
	s13 =	smul.f32 s22, s6;
	v9 =	vmul.f32 s9, v32;
	v8 =	vmul.f32 v8, v29  }
0x16f: {  	s10 =	smul.f32 s21, s16;
	v10 =	vmul.f32 s9, v0  }
0x170: {  	s2 =	smul.f32 s23, s7;
	s13 =	ssub.f32 $1.500000000e+00, s13;
	v11 =	vmul.f32 s9, v61;
	v9 =	vmul.f32 v9, v2;
	v8 =	vadd.f32 v8, v5  }
0x171: {  	s28 =	smul.f32 s19, s1;
	v12 =	vmul.f32 s10, v12;
	v10 =	vmul.f32 v10, v4  }
0x172: {  	s2 =	ssub.f32 $1.500000000e+00, s2;
	s6 =	smul.f32 s13, s6;
	v13 =	vmul.f32 s10, v13;
	v11 =	vmul.f32 v11, v1;
	v9 =	vadd.f32 v9, v6;
	[tilespmem:s31+$0xFFFFFF00] =	vst v8  }
0x173: {  	s1 =	smul.f32 s28, s19;
	v14 =	vmul.f32 s10, v14;
	v12 =	vmul.f32 v12, v29;
	v8 =	vadd.f32 v10, v7;
	v52 =	vld [tilespmem:$0x1FFD0]  }
0x174: {  	s2 =	smul.f32 s2, s7;
	v61 =	vmul.f32 s6, v63;
	v13 =	vmul.f32 v13, v2;
	v58 =	vadd.f32 v11, v3;
	[tilespmem:s31+$0xFFFFFF10] =	vst v9  }
0x175: {  	s13 =	smul.f32 s11, s0;
	v62 =	vmul.f32 s6, v59;
	v60 =	vmul.f32 v14, v4;
	[tilespmem:s31+$0xFFFFFF20] =	vst v8;
	v8 =	vadd.f32 v12, v5  }
0x176: {  	s24 =	smul.f32 s3, s26;
	v16 =	vmul.f32 s6, v54;
	v17 =	vmul.f32 s6, v55;
	v63 =	vadd.f32 v13, v6;
	[tilespmem:s31+$0xFFFFFF30] =	vst v58  }
0x177: {  	s1 =	ssub.f32 $1.500000000e+00, s1;
	v20 =	vmul.f32 s2, v56;
	s0 =	smul.f32 s13, s11;
	v14 =	vmul.f32 v61, v29;
	[tilespmem:s31+$0xFFFFFF40] =	vst v8;
	v8 =	vadd.f32 v60, v7  }
0x178: {  	s9 =	smul.f32 s24, s3;
	[tilespmem:s31+$0xFFFFFF50] =	vst v63;
	v12 =	vmul.f32 v62, v2;
	v10 =	vmul.f32 s10, v52  }
0x179: {  	s1 =	smul.f32 s1, s19;
	v23 =	vmul.f32 s2, v53;
	v19 =	vmul.f32 v16, v4;
	s0 =	ssub.f32 $1.500000000e+00, s0;
	[tilespmem:s31+$0xFFFFFF60] =	vst v8;
	v8 =	vadd.f32 v14, v5  }
0x17a: {  	v24 =	vmul.f32 s2, v57;
	v22 =	vadd.f32 v12, v6;
	s10 =	ssub.f32 $1.500000000e+00, s9;
	v0 =	vld [tilespmem:$0x1FFE0];
	v10 =	vmul.f32 v10, v1  }
0x17b: {  	v39 =	vmul.f32 s1, v51;
	v11 =	vmul.f32 v17, v1;
	s0 =	smul.f32 s0, s11;
	[tilespmem:s31+$0xFFFFFF80] =	vst v8;
	v8 =	vadd.f32 v19, v7  }
0x17c: {  	v26 =	vmul.f32 v23, v4;
	v13 =	vmul.f32 v20, v29;
	[tilespmem:s31+$0xFFFFFF90] =	vst v22;
	s3 =	smul.f32 s10, s3;
	v18 =	vadd.f32 v10, v3  }
0x17d: {  	v25 =	vadd.f32 v11, v3;
	v11 =	vmul.f32 v39, v1;
	v43 =	vmul.f32 s0, v46;
	[tilespmem:s31+$0xFFFFFFA0] =	vst v8  }
0x17e: {  	v32 =	vmul.f32 s1, v30;
	v41 =	vmul.f32 s0, v50;
	s14 =	smul.f32 s3, s26;
	v8 =	vadd.f32 v13, v5;
	[tilespmem:s31+$0xFFFFFF70] =	vst v18  }
0x17f: {  	v11 =	vadd.f32 v11, v3;
	v9 =	vmul.f32 v43, v4;
	v21 =	vmul.f32 s2, v0;
	v0 =	vld [tilespmem:$0x1FFF0];
	[tilespmem:s31+$0xFFFFFFB0] =	vst v25  }
0x180: {  	v12 =	vmul.f32 v32, v29;
	v10 =	vmul.f32 v24, v1;
	s2 =	smul.f32 s14, s3;
	[tilespmem:s31+$0xFFFFFFC0] =	vst v8;
	v8 =	vadd.f32 v26, v7  }
0x181: {  	v38 =	vmul.f32 s1, v44;
	v42 =	vmul.f32 s0, v45;
	v9 =	vadd.f32 v9, v7;
	[tilespmem:s31+$0x30] =	vst v11  }
0x182: {  	v40 =	vadd.f32 v10, v3;
	v10 =	vmul.f32 v41, v29;
	s15 =	ssub.f32 $1.500000000e+00, s2;
	[tilespmem:s31+$0xFFFFFFE0] =	vst v8;
	v8 =	vadd.f32 v12, v5  }
0x183: {  	[tilespmem:s31+$0x60] =	vst v9;
	v14 =	vmul.f32 v21, v2;
	v12 =	vmul.f32 v42, v2  }
0x184: {  	v10 =	vadd.f32 v10, v5;
	[tilespmem:s31+$0x0] =	vst v8;
	v8 =	vmul.f32 s0, v31;
	v36 =	vmul.f32 s1, v0;
	s1 =	smul.f32 s15, s3  }
0x185: {  	[tilespmem:s31+$0xFFFFFFF0] =	vst v40;
	v37 =	vadd.f32 v14, v6;
	v14 =	vmul.f32 v38, v4  }
0x186: {  	[tilespmem:s31+$0x40] =	vst v10;
	v12 =	vadd.f32 v12, v6;
	v8 =	vmul.f32 v8, v1;
	v44 =	vmul.f32 s1, v28  }
0x187: {  	[tilespmem:s31+$0xFFFFFFD0] =	vst v37;
	v14 =	vadd.f32 v14, v7;
	v13 =	vmul.f32 v36, v2;
	v45 =	vmul.f32 s1, v34  }
0x188: {  	[tilespmem:s31+$0x50] =	vst v12;
	v46 =	vmul.f32 s1, v35;
	v8 =	vadd.f32 v8, v3;
	v0 =	vmul.f32 v44, v29  }
0x189: {  	[tilespmem:s31+$0x20] =	vst v14;
	v47 =	vmul.f32 s1, v33;
	v13 =	vadd.f32 v13, v6;
	v2 =	vmul.f32 v45, v2  }
0x18a: {  	v4 =	vmul.f32 v46, v4;
	[tilespmem:s31+$0x70] =	vst v8;
	v0 =	vadd.f32 v0, v5  }
0x18b: {  	v1 =	vmul.f32 v47, v1;
	[tilespmem:s31+$0x10] =	vst v13;
	v2 =	vadd.f32 v2, v6  }
0x18c: {  	v4 =	vadd.f32 v4, v7;
	[tilespmem:s31+$0x80] =	vst v0  }
0x18d: {  	v0 =	vadd.f32 v1, v3;
	[tilespmem:s31+$0x90] =	vst v2  }
0x18e: {  	s16 =	rddreg [dreg:$0xe];
	[tilespmem:s31+$0xA0] =	vst v4  }
0x18f: {  	s18 =	simm.s32 $0x80;
	s0 =	sadd.s32 s16, s25;
	[tilespmem:s31+$0xB0] =	vst v0  }
0x190: {  	s20 =	simm.s32 $0x40;
	s0 =	sshrl.u32 s0, $0x3;
	s17 =	rddreg [dreg:$0x5]  }
0x191: {  	s21 =	simm.s32 $0x4;
	s19 =	simm.s32 $0x400;
	s0 =	sadd.s32 s17, s0  }
0x192: {  	[hbm4b:s0+s20] =	stream.strided.scatter [tilespmem:s19], [sflag:$0x5], $0x8000, s18, s20, $0x38;
	[tilespmem:$0x10480] =	vst v63  }
0x193: {  	_ =	swait.ge [sflag:s21], $0x8000  }
0x194: {  	[sflag:s21] =	ssyncset.done $0x0  }
0x195: {  	s0 =	simm.s32 @!p0 $0x1;
	[sflag:s21] =	ssyncadd.s32 $0xFFFF8000  }
0x196: {  	_ =	swait.ge @!p0 [sflag:s0], $0x80  }
0x197: {  	[sflag:s0] =	ssyncset.done @!p0 $0x0  }
0x198: {  	[sflag:s0] =	ssyncadd.s32 @!p0 $0xFFFFFF80  }
0x199: {  	_ =	swait.ge @!p0 [sflag:s0], $0x80  }
0x19a: {  	[sflag:s0] =	ssyncset.done @!p0 $0x0  }
0x19b: {  	[sflag:s0] =	ssyncadd.s32 @!p0 $0xFFFFFF80  }
0x19c: {  	_ =	swait.ge @!p0 [sflag:s0], $0x80  }
0x19d: {  	[sflag:s0] =	ssyncset.done @!p0 $0x0  }
0x19e: {  	[sflag:s0] =	ssyncadd.s32 @!p0 $0xFFFFFF80  }
0x19f: {  	_ =	swait.ge @!p0 [sflag:s0], $0x80  }
0x1a0: {  	s2 =	simm.s32 @!p0 $0x400;
	[sflag:s0] =	ssyncset.done @!p0 $0x0  }
0x1a1: {  	s1 =	simm.s32 @!p0 $0x0;
	[sflag:s0] =	ssyncadd.s32 @!p0 $0xFFFFFF80;
	s0 =	simm.s32 @!p0 $0x80  }
0x1a2: {  	[tilespmem:s2], [sflag:$0x3] =	stream.indirect.gather @!p0 [hbm4b:s5+s0], $0x40, s1, s0, $0xb8;
	[tilespmem:$0x10480] =	vst v63  }
0x1a3: {  	s2 =	simm.s32 @!p0 $0x2400  }
0x1a4: {  	[tilespmem:s2], [sflag:$0x3] =	stream.indirect.gather @!p0 [hbm4b:s5+s0], $0x40, s0, s0, $0xb8;
	[tilespmem:$0x10480] =	vst v63  }
0x1a5: {  	s3 =	simm.s32 @!p0 $0x4400;
	s2 =	simm.s32 @!p0 $0x100  }
0x1a6: {  	[tilespmem:s3], [sflag:$0x3] =	stream.indirect.gather @!p0 [hbm4b:s5+s0], $0x40, s2, s0, $0xb8;
	[tilespmem:$0x10480] =	vst v63  }
0x1a7: {  	s2 =	simm.s32 @!p0 $0x180;
	s3 =	simm.s32 @!p0 $0x6400  }
0x1a8: {  	[tilespmem:s3], [sflag:$0x3] =	stream.indirect.gather @!p0 [hbm4b:s5+s0], $0x40, s2, s0, $0xb8;
	[tilespmem:$0x10480] =	vst v63  }
0x1a9: {  	s0 =	rddreg [dreg:$0x13]  }
0x1aa: {  	s0 =	sadd.s32 @!p0 s4, s0  }
0x1ab: {  	s2 =	rddreg [dreg:$0x4];
	s0 =	sshrl.u32 @!p0 s0, $0x3  }
0x1ac: {  	s3 =	simm.s32 @!p0 $0x200;
	s2 =	sadd.s32 @!p0 s2, s0  }
0x1ad: {  	[tilespmem:s3], [sflag:$0x2] =	stream.linear.gather @!p0 [hbm4b:s2+s1], $0x80, $0x38;
	[tilespmem:$0x10480] =	vst v63  }
0x1ae: {  	s2 =	rddreg [dreg:$0x7]  }
0x1af: {  	s3 =	simm.s32 @!p0 $0x280;
	s2 =	sadd.s32 @!p0 s0, s2  }
0x1b0: {  	[tilespmem:s3], [sflag:$0x2] =	stream.linear.gather @!p0 [hbm4b:s2+s1], $0x80, $0x38;
	[tilespmem:$0x10480] =	vst v63  }
0x1b1: {  	s2 =	rddreg [dreg:$0x8]  }
0x1b2: {  	s3 =	simm.s32 @!p0 $0x300;
	s2 =	sadd.s32 @!p0 s0, s2  }
0x1b3: {  	[tilespmem:s3], [sflag:$0x2] =	stream.linear.gather @!p0 [hbm4b:s2+s1], $0x80, $0x38;
	[tilespmem:$0x10480] =	vst v63  }
0x1b4: {  	s2 =	rddreg [dreg:$0xb]  }
0x1b5: {  	s0 =	sadd.s32 @!p0 s0, s2;
	s2 =	simm.s32 @!p0 $0x380  }
0x1b6: {  	[tilespmem:s2], [sflag:$0x2] =	stream.linear.gather @!p0 [hbm4b:s0+s1], $0x80, $0x38;
	[tilespmem:$0x10480] =	vst v63  }
0x1b7: {  	p0 =	por p0, !p1  }
0x1b8: {  	s0 =	simm.s32 @p0 $0x6  }
0x1b9: {  	_ =	swait.ge @p0 [sflag:s0], $0x8000  }
0x1ba: {  	[sflag:s0] =	ssyncset.done @p0 $0x0  }
0x1bb: {  	s4 =	simm.s32 $0x8400;
	[sflag:s0] =	ssyncadd.s32 @p0 $0xFFFF8000  }
0x1bc: {  	v5 =	vld [tilespmem:s4+$0x1C0]  }
0x1bd: {  	v6 =	vld [tilespmem:s4+$0x1D0]  }
0x1be: {  	v7 =	vld [tilespmem:s4+$0x1E0]  }
0x1bf: {  	v3 =	vld [tilespmem:s4+$0x1F0];
	_ =	sdelay $0x1  }
0x1c0: {  	v24 =	vld [tilespmem:s4+$0x10]  }
0x1c1: {  	v0 =	vld [tilespmem:s4+$0x40]  }
0x1c2: {  	v16 =	vld [tilespmem:s4+$0x50];
	v1 =	vmul.f32 v5, v5;
	v2 =	vmul.f32 v6, v6  }
0x1c3: {  	v21 =	vld [tilespmem:s4+$0x60];
	v4 =	vmul.f32 v7, v7;
	v8 =	vmul.f32 v3, v3  }
0x1c4: {  	v17 =	vld [tilespmem:s4+$0x70];
	v48 =	vadd.f32 v6, v5;
	v49 =	vadd.f32 v3, v7  }
0x1c5: {  	v22 =	vld [tilespmem:s4+$0x80];
	v1 =	vadd.f32 v2, v1;
	v2 =	vadd.f32 v8, v4  }
0x1c6: {  	v20 =	vld [tilespmem:s4+$0x90];
	v4 =	vadd.f32 v49, v48  }
0x1c7: {  	v33 =	vld [tilespmem:s4+$0xA0];
	v1 =	vadd.f32 v2, v1  }
0x1c8: {  	v18 =	vld [tilespmem:s4+$0xB0];
	(xrf2) =	vadd.scan.msk.f32 $0xffff, v4  }
0x1c9: {  	v19 =	vld [tilespmem:s4+$0xC0];
	(xrf2) =	vadd.scan.msk.f32 $0xffff, v1  }
0x1ca: {  	v11 =	vld [tilespmem:s4+$0xE0]  }
0x1cb: {  	v10 =	vld [tilespmem:s4+$0x100]  }
0x1cc: {  	v2 =	vld [tilespmem:s4+$0xD0]  }
0x1cd: {  	v50 =	vadd.f32 v17, v21;
	v8 =	vadd.f32 v16, v0;
	v1 =	vld [tilespmem:s4+$0xF0]  }
0x1ce: {  	v9 =	vld [tilespmem:s4+$0x130];
	v52 =	vadd.f32 v20, v22  }
0x1cf: {  	v15 =	vadd.f32 v18, v33;
	v4 =	vld [tilespmem:s4+$0x110];
	v51 =	vadd.f32 v50, v8  }
0x1d0: {  	v8 =	vld [tilespmem:s4+$0x120]  }
0x1d1: {  	v12 =	vld [tilespmem:s4+$0x140];
	v15 =	vadd.f32 v15, v52;
	(xrf2) =	vadd.scan.msk.f32 $0xffff, v51  }
0x1d2: {  	v13 =	vld [tilespmem:s4+$0x150];
	v54 =	vadd.f32 v2, v19;
	v25 =	vadd.f32 v1, v11;
	v23, _, _ =	vpop (xrf2)  }
0x1d3: {  	v14 =	vld [tilespmem:s4+$0x160];
	(v2sf) =	vpush v23, $0xF;
	v53, _, _ =	vpop (xrf2)  }
0x1d4: {  	v23 =	vadd.f32 v25, v54;
	(xrf2) =	vadd.scan.msk.f32 $0xffff, v15;
	v15 =	vld [tilespmem:s4+$0x170];
	(v2sf) =	vpush v53, $0xF  }
0x1d5: {  	v34 =	vld [tilespmem:s4+$0x20];
	v28 =	vadd.f32 v4, v10;
	v29 =	vadd.f32 v9, v8  }
0x1d6: {  	v27 =	vld [tilespmem:s4+$0x30];
	(xrf2) =	vadd.scan.msk.f32 $0xffff, v23  }
0x1d7: {  	v32 =	vld [tilespmem:s4+$0x0];
	v55 =	vadd.f32 v29, v28  }
0x1d8: {  	v36 =	vld [tilespmem:s4+$0x1A0]  }
0x1d9: {  	v37 =	vld [tilespmem:s4+$0x1B0];
	v28 =	vadd.f32 v13, v12;
	(xrf2) =	vadd.scan.msk.f32 $0xffff, v55;
	v29 =	vadd.f32 v15, v14  }
0x1da: {  	v26 =	vld [tilespmem:s4+$0x190]  }
0x1db: {  	v30 =	vmul.f32 v27, v27;
	v25 =	vld [tilespmem:s4+$0x180];
	v31, _, _ =	vpop (xrf2);
	v28 =	vadd.f32 v29, v28  }
0x1dc: {  	v56 =	vmul.f32 v24, v24;
	(v2sf) =	vpush v31, $0xF  }
0x1dd: {  	v57 =	vadd.f32 v27, v34;
	v31 =	vadd.f32 v24, v32;
	v29 =	vmul.f32 v34, v34;
	(xrf2) =	vadd.scan.msk.f32 $0xffff, v28  }
0x1de: {  	v38 =	vmul.f32 v0, v0;
	v39 =	vmul.f32 v21, v21;
	v41 =	vadd.f32 v37, v36  }
0x1df: {  	v60 =	vmul.f32 v32, v32;
	v31 =	vadd.f32 v57, v31;
	v29 =	vadd.f32 v30, v29;
	v30, _, _ =	vpop (xrf2)  }
0x1e0: {  	v58 =	vmul.f32 v22, v22;
	v40 =	vadd.f32 v26, v25;
	(v2sf) =	vpush v30, $0xF;
	v61, _, _ =	vpop (xrf2)  }
0x1e1: {  	v23 =	vadd.f32 v56, v60;
	v28 =	vmul.f32 v16, v16;
	(xrf2) =	vadd.scan.msk.f32 $0xffff, v31;
	(v2sf) =	vpush v61, $0xF  }
0x1e2: {  	v59 =	vmul.f32 v20, v20;
	v40 =	vadd.f32 v41, v40;
	v30 =	vmul.f32 v17, v17;
	s22 =	spop (v2sf)  }
0x1e3: {  	v42 =	vmul.f32 v18, v18;
	v28 =	vadd.f32 v28, v38;
	v23 =	vadd.f32 v29, v23;
	v63, _, _ =	vpop (xrf2);
	s11 =	smul.f32 $1.562500000e-02, s22;
	s23 =	spop (v2sf)  }
0x1e4: {  	v62 =	vmul.f32 v19, v19;
	v30 =	vadd.f32 v30, v39;
	(v2sf) =	vpush v63, $0xF;
	s0 =	smul.f32 $1.562500000e-02, s23  }
0x1e5: {  	v35 =	vadd.f32 v59, v58;
	v44 =	vmul.f32 v2, v2;
	v31 =	vmul.f32 v33, v33;
	(xrf2) =	vadd.scan.msk.f32 $0xffff, v40;
	s24 =	smul.f32 s11, s11  }
0x1e6: {  	v45 =	vmul.f32 v1, v1;
	(xrf2) =	vadd.scan.msk.f32 $0xffff, v23;
	v28 =	vadd.f32 v30, v28;
	v30 =	vmul.f32 v11, v11  }
0x1e7: {  	v47 =	vmul.f32 v10, v10;
	v29 =	vadd.f32 v44, v62;
	v31 =	vadd.f32 v42, v31;
	s0 =	ssub.f32 s0, s24;
	v46, _, _ =	vpop (xrf2)  }
0x1e8: {  	v52 =	vmul.f32 v13, v13;
	v30 =	vadd.f32 v45, v30;
	(v2sf) =	vpush v46, $0xF  }
0x1e9: {  	v50 =	vmul.f32 v9, v9;
	v49 =	vmul.f32 v8, v8;
	v31 =	vadd.f32 v31, v35;
	(xrf2) =	vadd.scan.msk.f32 $0xffff, v28;
	s0 =	sadd.f32 $9.999999740e-06, s0  }
0x1ea: {  	v51 =	vmul.f32 v12, v12;
	v48 =	vmul.f32 v4, v4;
	v29 =	vadd.f32 v30, v29  }
0x1eb: {  	v53 =	vmul.f32 v15, v15;
	v23 =	vadd.f32 v50, v49;
	s9 =	spop (v2sf);
	(xrf2) =	vadd.scan.msk.f32 $0xffff, v31;
	v30 =	vmul.f32 v14, v14;
	v54, _, _ =	vpop (xrf2);
	s26 =	sshra.s32 s0, $0x1;
	s28 =	smul.f32 $5.000000000e-01, s0  }
0x1ec: {  	v28 =	vadd.f32 v48, v47;
	(v2sf) =	vpush v54, $0xF;
	(xrf2) =	vadd.scan.msk.f32 $0xffff, v29;
	v29 =	vmul.f32 v26, v26;
	s0 =	smul.f32 $1.562500000e-02, s9;
	s31 =	ssub.s32 $0x5F3759DF, s26  }
0x1ed: {  	v31 =	vadd.f32 v52, v51;
	v30 =	vadd.f32 v53, v30;
	s1 =	smul.f32 s31, s28  }
0x1ee: {  	v23 =	vadd.f32 v23, v28;
	v28 =	vmul.f32 v25, v25;
	s6 =	smul.f32 s0, s0  }
0x1ef: {  	v56 =	vmul.f32 v36, v36;
	v57 =	vmul.f32 v37, v37;
	v55, _, _ =	vpop (xrf2);
	v30 =	vadd.f32 v30, v31;
	s10 =	spop (v2sf);
	s12 =	smul.f32 s31, s1  }
0x1f0: {  	(xrf2) =	vadd.scan.msk.f32 $0xffff, v23;
	v58 =	vadd.f32 v29, v28;
	v29, _, _ =	vpop (xrf2);
	(v2sf) =	vpush v55, $0xF;
	s1 =	smul.f32 $1.562500000e-02, s10;
	s13 =	spop (v2sf)  }
0x1f1: {  	v28 =	vadd.f32 v57, v56;
	(xrf2) =	vadd.scan.msk.f32 $0xffff, v30;
	(v2sf) =	vpush v29, $0xF;
	s16 =	smul.f32 $1.562500000e-02, s13;
	s7 =	ssub.f32 $1.500000000e+00, s12  }
0x1f2: {  	s9 =	smul.f32 s1, s1  }
0x1f3: {  	v23 =	vadd.f32 v28, v58;
	v30, _, _ =	vpop (xrf2);
	s14 =	spop (v2sf);
	s3 =	smul.f32 s31, s7  }
0x1f4: {  	(v2sf) =	vpush v30, $0xF;
	s18 =	smul.f32 $1.562500000e-02, s14  }
0x1f5: {  	(xrf2) =	vadd.scan.msk.f32 $0xffff, v23;
	v28, _, _ =	vpop (xrf2);
	s15 =	smul.f32 s3, s28  }
0x1f6: {  	(v2sf) =	vpush v28, $0xF;
	s10 =	smul.f32 s16, s16  }
0x1f7: {  	v59, _, _ =	vpop (xrf2);
	s17 =	smul.f32 s15, s3;
	s19 =	spop (v2sf)  }
0x1f8: {  	(v2sf) =	vpush v59, $0xF;
	s15 =	smul.f32 $1.562500000e-02, s19  }
0x1f9: {  	s13 =	smul.f32 s18, s18;
	s7 =	ssub.f32 $1.500000000e+00, s17  }
0x1fa: {  	v60, _, _ =	vpop (xrf2);
	s19 =	smul.f32 s15, s15  }
0x1fb: {  	v61, _, _ =	vpop (xrf2);
	(v2sf) =	vpush v60, $0xF;
	s20 =	spop (v2sf);
	s7 =	smul.f32 s7, s3  }
0x1fc: {  	(v2sf) =	vpush v61, $0xF;
	s3 =	smul.f32 $1.562500000e-02, s20  }
0x1fd: {  	s2 =	smul.f32 s7, s28  }
0x1fe: {  	s22 =	smul.f32 s3, s3  }
0x1ff: {  	v62, _, _ =	vpop (xrf2);
	s21 =	spop (v2sf);
	s2 =	smul.f32 s2, s7  }
0x200: {  	(v2sf) =	vpush v62, $0xF;
	s23 =	smul.f32 $1.562500000e-02, s21;
	s24 =	spop (v2sf)  }
0x201: {  	s26 =	smul.f32 $1.562500000e-02, s24;
	s2 =	ssub.f32 $1.500000000e+00, s2  }
0x202: {  	s20 =	smul.f32 s23, s23  }
0x203: {  	s28 =	spop (v2sf);
	s17 =	smul.f32 s2, s7  }
0x204: {  	s7 =	smul.f32 $1.562500000e-02, s28  }
0x205: {  	s31 =	spop (v2sf);
	s2 =	ssub.f32 s26, s22  }
0x206: {  	s12 =	smul.f32 $1.562500000e-02, s31;
	s6 =	ssub.f32 s7, s6  }
0x207: {  	s21 =	sadd.f32 $9.999999740e-06, s2;
	s14 =	spop (v2sf)  }
0x208: {  	s7 =	ssub.f32 s12, s9;
	s2 =	smul.f32 $1.562500000e-02, s14  }
0x209: {  	s6 =	sadd.f32 $9.999999740e-06, s6;
	s12 =	smul.f32 $5.000000000e-01, s21  }
0x20a: {  	s7 =	sadd.f32 $9.999999740e-06, s7;
	s22 =	spop (v2sf)  }
0x20b: {  	s9 =	smul.f32 $1.562500000e-02, s22;
	s24 =	spop (v2sf)  }
0x20c: {  	v63 =	vmov s0;
	s2 =	ssub.f32 s2, s10;
	s14 =	smul.f32 $5.000000000e-01, s6  }
0x20d: {  	v0 =	vsub.f32 v0, v63;
	s26 =	smul.f32 $1.562500000e-02, s24;
	s28 =	ssub.f32 s9, s13  }
0x20e: {  	s24 =	smul.f32 $5.000000000e-01, s7;
	s22 =	sadd.f32 $9.999999740e-06, s2  }
0x20f: {  	[tilespmem:$0x1FE60] =	vst v0;
	v0 =	vsub.f32 v16, v63;
	s31 =	ssub.f32 s26, s19;
	s13 =	spop (v2sf)  }
0x210: {  	v35 =	vsub.f32 v17, v63;
	v38 =	vmov s16;
	s26 =	sshra.s32 s21, $0x1;
	s10 =	sadd.f32 $9.999999740e-06, s28;
	s19 =	smul.f32 $1.562500000e-02, s13  }
0x211: {  	[tilespmem:$0x1FE70] =	vst v0;
	v0 =	vsub.f32 v21, v63;
	v56 =	vsub.f32 v19, v38;
	s6 =	sshra.s32 s6, $0x1;
	s16 =	ssub.s32 $0x5F3759DF, s26;
	s2 =	smul.f32 $5.000000000e-01, s22  }
0x212: {  	v53 =	vsub.f32 v11, v38;
	v39 =	vmov s18;
	v57 =	vsub.f32 v1, v38;
	s18 =	ssub.s32 $0x5F3759DF, s6;
	s9 =	sadd.f32 $9.999999740e-06, s31;
	s6 =	smul.f32 s16, s12  }
0x213: {  	[tilespmem:$0x1FE80] =	vst v0;
	v0 =	vmov s1;
	v30 =	vsub.f32 v10, v39;
	v44 =	vsub.f32 v8, v39;
	s1 =	smul.f32 $5.000000000e-01, s10  }
0x214: {  	v29 =	vld [tilespmem:$0x10400];
	v51 =	vsub.f32 v9, v39;
	v63 =	vsub.f32 v22, v0;
	s7 =	sshra.s32 s7, $0x1;
	s21 =	sshra.s32 s10, $0x1;
	s0 =	smul.f32 $5.000000000e-01, s9  }
0x215: {  	v1 =	vld [tilespmem:$0x10430];
	v8 =	vmov s11;
	v54 =	vsub.f32 v33, v0;
	v55 =	vsub.f32 v18, v0;
	s28 =	ssub.f32 s19, s20;
	s19 =	ssub.s32 $0x5F3759DF, s7;
	s7 =	smul.f32 s16, s6  }
0x216: {  	v41 =	vsub.f32 v3, v8;
	v3 =	vld [tilespmem:$0x10470];
	v42 =	vsub.f32 v5, v8;
	s21 =	ssub.s32 $0x5F3759DF, s21;
	s10 =	smul.f32 s19, s24  }
0x217: {  	v5 =	vld [tilespmem:$0x10440];
	v59 =	vsub.f32 v20, v0;
	v0 =	vsub.f32 v2, v38;
	s20 =	sshra.s32 s22, $0x1;
	s22 =	sshra.s32 s9, $0x1;
	s11 =	smul.f32 s21, s1  }
0x218: {  	v43 =	vsub.f32 v6, v8;
	v8 =	vsub.f32 v7, v8;
	v2 =	vld [tilespmem:$0x10410];
	v40 =	vmov s15;
	s20 =	ssub.s32 $0x5F3759DF, s20;
	s31 =	sadd.f32 $9.999999740e-06, s28;
	s28 =	smul.f32 s18, s14  }
0x219: {  	[tilespmem:$0x1FEA0] =	vst v0;
	v0 =	vsub.f32 v4, v39;
	v4 =	vld [tilespmem:$0x10420];
	v50 =	vsub.f32 v12, v40;
	v10 =	vmul.f32 s17, v41;
	s22 =	ssub.s32 $0x5F3759DF, s22;
	s9 =	smul.f32 s20, s2  }
0x21a: {  	v6 =	vld [tilespmem:$0x10450];
	v45 =	vsub.f32 v13, v40;
	v46 =	vsub.f32 v14, v40;
	v11 =	vmul.f32 s17, v42;
	s13 =	smul.f32 s22, s0  }
0x21b: {  	v7 =	vld [tilespmem:$0x10460];
	v31 =	vsub.f32 v15, v40;
	v12 =	vmul.f32 s17, v43;
	v10 =	vmul.f32 v10, v1;
	s11 =	smul.f32 s21, s11  }
0x21c: {  	v47 =	vmov s3;
	v8 =	vmul.f32 s17, v8;
	v48 =	vmul.f32 v11, v29;
	s26 =	smul.f32 $5.000000000e-01, s31  }
0x21d: {  	[tilespmem:$0x1FE90] =	vst v35;
	v60 =	vsub.f32 v32, v47;
	v49 =	vmul.f32 v12, v2;
	v10 =	vadd.f32 v10, v3;
	s17 =	smul.f32 s18, s28  }
0x21e: {  	[tilespmem:$0x1FEB0] =	vst v0;
	v32 =	vsub.f32 v24, v47;
	v8 =	vmul.f32 v8, v4;
	v9 =	vadd.f32 v48, v5;
	s3 =	ssub.f32 $1.500000000e+00, s7;
	s31 =	sshra.s32 s31, $0x1;
	s28 =	smul.f32 s19, s10  }
0x21f: {  	v0 =	vsub.f32 v34, v47;
	v52 =	vadd.f32 v49, v6;
	[tilespmem:s4+$0x1F0] =	vst v10;
	s9 =	smul.f32 s20, s9;
	s15 =	ssub.s32 $0x5F3759DF, s31;
	s30 =	ssub.f32 $1.500000000e+00, s17  }
0x220: {  	v61 =	vsub.f32 v27, v47;
	v58 =	vmov s23;
	v8 =	vadd.f32 v8, v7;
	[tilespmem:s4+$0x1C0] =	vst v9;
	s31 =	smul.f32 s15, s26;
	s6 =	ssub.f32 $1.500000000e+00, s28  }
0x221: {  	s23 =	simm.s32 $0x0;
	v28 =	vsub.f32 v25, v58;
	v34 =	vsub.f32 v26, v58;
	[tilespmem:s4+$0x1D0] =	vst v52;
	s10 =	smul.f32 s22, s13;
	s7 =	ssub.f32 $1.500000000e+00, s9  }
0x222: {  	v35 =	vsub.f32 v36, v58;
	v33 =	vsub.f32 v37, v58;
	[tilespmem:s4+$0x1E0] =	vst v8;
	s9 =	ssub.f32 $1.500000000e+00, s11;
	s11 =	simm.s32 $0x8600;
	s13 =	smul.f32 s15, s31  }
.LBB2_8:
0x223: {  	v36 =	vld [tilespmem:s11+$0x1C0]  }
0x224: {  	v38 =	vld [tilespmem:s11+$0x1D0]  }
0x225: {  	v37 =	vld [tilespmem:s11+$0x1E0];
	s17 =	smul.f32 s16, s3  }
0x226: {  	v39 =	vld [tilespmem:s11+$0x1F0];
	s3 =	smul.f32 s18, s30  }
0x227: {  	v41 =	vld [tilespmem:s11+$0x20];
	s30 =	smul.f32 s19, s6  }
0x228: {  	[tilespmem:$0x1FD90] =	vst v55;
	v40 =	vld [tilespmem:s11+$0x30];
	s10 =	ssub.f32 $1.500000000e+00, s10;
	s20 =	smul.f32 s20, s7  }
0x229: {  	[tilespmem:$0x1FD80] =	vst v54;
	v48 =	vld [tilespmem:s11+$0x40];
	s13 =	ssub.f32 $1.500000000e+00, s13;
	s16 =	smul.f32 s21, s9  }
0x22a: {  	[tilespmem:$0x1FDB0] =	vst v53;
	v47 =	vld [tilespmem:s11+$0x50];
	s18 =	smul.f32 s22, s10  }
0x22b: {  	[tilespmem:$0x1FDA0] =	vst v56;
	v49 =	vld [tilespmem:s11+$0x60];
	s19 =	smul.f32 s15, s13;
	v8 =	vadd.f32 v38, v36  }
0x22c: {  	[tilespmem:$0x1FDE0] =	vst v51;
	v51 =	vld [tilespmem:s11+$0x70];
	s9 =	smul.f32 s17, s12;
	v9 =	vadd.f32 v39, v37;
	v10 =	vmul.f32 v36, v36;
	v11 =	vmul.f32 v38, v38  }
0x22d: {  	[tilespmem:$0x1FDC0] =	vst v57;
	v54 =	vld [tilespmem:s11+$0x80];
	s10 =	smul.f32 s3, s14;
	v13 =	vmul.f32 v37, v37;
	v14 =	vmul.f32 v39, v39  }
0x22e: {  	[tilespmem:$0x1FDF0] =	vst v50;
	v56 =	vld [tilespmem:s11+$0x90];
	s13 =	smul.f32 s30, s24;
	v8 =	vadd.f32 v9, v8  }
0x22f: {  	[tilespmem:$0x1FE40] =	vst v35;
	v58 =	vld [tilespmem:s11+$0xA0];
	s15 =	smul.f32 s20, s2;
	v10 =	vadd.f32 v11, v10;
	v52 =	vadd.f32 v14, v13  }
0x230: {  	[tilespmem:$0x1FE50] =	vst v33;
	v33 =	vmov v63;
	v63 =	vld [tilespmem:s11+$0xB0];
	s21 =	smul.f32 s16, s1  }
0x231: {  	[tilespmem:$0x1FE30] =	vst v28;
	v55 =	vld [tilespmem:s11+$0xE0];
	v35 =	vmovc v59;
	v15 =	vmul.f32 v41, v41;
	s22 =	smul.f32 s18, s0;
	(xrf2) =	vadd.scan.msk.f32 $0xffff, v8;
	v10 =	vadd.f32 v52, v10  }
0x232: {  	v59 =	vld [tilespmem:s11+$0xF0];
	v28 =	vmovc v0;
	v0 =	vmovc v32;
	v32 =	vmov v60;
	v50 =	vmul.f32 v40, v40;
	v53 =	vmul.f32 v48, v48;
	s28 =	smul.f32 s19, s26  }
0x233: {  	v60 =	vld [tilespmem:s11+$0x110];
	v16 =	vmul.f32 v47, v47;
	v57 =	vmul.f32 v49, v49;
	s6 =	smul.f32 s9, s17;
	v20 =	vadd.f32 v51, v49;
	(xrf2) =	vadd.scan.msk.f32 $0xffff, v10  }
0x234: {  	v21 =	vmul.f32 v51, v51;
	s7 =	smul.f32 s10, s3;
	v22 =	vmul.f32 v54, v54;
	v15 =	vadd.f32 v50, v15;
	v50 =	vld [tilespmem:s11+$0xC0]  }
0x235: {  	s9 =	smul.f32 s13, s30;
	v23 =	vadd.f32 v56, v54;
	v17 =	vmul.f32 v56, v56;
	v18 =	vadd.f32 v63, v58;
	v52 =	vld [tilespmem:s11+$0xD0]  }
0x236: {  	[tilespmem:$0x1FE20] =	vst v31;
	s10 =	smul.f32 s15, s20;
	v24 =	vmul.f32 v58, v58;
	v13 =	vadd.f32 v16, v53;
	s6 =	ssub.f32 $1.500000000e+00, s6;
	v53 =	vld [tilespmem:s11+$0x100];
	v8 =	vadd.f32 v47, v48  }
0x237: {  	v31 =	vmovc v61;
	v61 =	vld [tilespmem:s11+$0x120];
	s13 =	smul.f32 s21, s16;
	v25 =	vmul.f32 v63, v63;
	v43 =	vadd.f32 v59, v55;
	s7 =	ssub.f32 $1.500000000e+00, s7;
	v9 =	vadd.f32 v21, v57  }
0x238: {  	[tilespmem:$0x1FDD0] =	vst v44;
	v62 =	vld [tilespmem:s11+$0x150];
	v44 =	vmul.f32 v59, v59;
	s9 =	ssub.f32 $1.500000000e+00, s9;
	s15 =	smul.f32 s22, s18;
	v26 =	vadd.f32 v18, v23;
	v8 =	vadd.f32 v20, v8  }
0x239: {  	s10 =	ssub.f32 $1.500000000e+00, s10;
	s21 =	smul.f32 s28, s19;
	v16 =	vadd.f32 v25, v24;
	v11 =	vld [tilespmem:s11+$0x130];
	v10 =	vadd.f32 v17, v22;
	v17 =	vmul.f32 v55, v55  }
0x23a: {  	s13 =	ssub.f32 $1.500000000e+00, s13;
	v57 =	vld [tilespmem:s11+$0x140];
	v13 =	vadd.f32 v9, v13;
	s22 =	smul.f32 s6, s17;
	(xrf2) =	vadd.scan.msk.f32 $0xffff, v8;
	v8 =	vmul.f32 v50, v50;
	v19 =	vmul.f32 v52, v52  }
0x23b: {  	[tilespmem:$0x1FE10] =	vst v46;
	s31 =	ssub.f32 $1.500000000e+00, s15;
	s15 =	smul.f32 s7, s3;
	v9 =	vld [tilespmem:s11+$0x170];
	v46 =	vadd.f32 v60, v53;
	v18 =	vadd.f32 v52, v50;
	v20, _, _ =	vpop (xrf2);
	(xrf2) =	vadd.scan.msk.f32 $0xffff, v26  }
0x23c: {  	v25 =	vmul.f32 v60, v60;
	s7 =	ssub.f32 $1.500000000e+00, s21;
	s21 =	smul.f32 s9, s30;
	v17 =	vadd.f32 v44, v17;
	v19 =	vadd.f32 v19, v8;
	v8 =	vld [tilespmem:s11+$0x160]  }
0x23d: {  	s20 =	smul.f32 s10, s20;
	v24 =	vmul.f32 v53, v53;
	v18 =	vadd.f32 v43, v18;
	(v2sf) =	vpush v20, $0xF;
	v26, _, _ =	vpop (xrf2)  }
0x23e: {  	v42 =	vld [tilespmem:s11+$0x10];
	v21 =	vmul.f32 v61, v61;
	s16 =	smul.f32 s13, s16;
	v20 =	vadd.f32 v11, v61;
	(v2sf) =	vpush v26, $0xF  }
0x23f: {  	[tilespmem:$0x1FE00] =	vst v45;
	v45 =	vld [tilespmem:s11+$0x190];
	s18 =	smul.f32 s31, s18;
	v22 =	vmul.f32 v11, v11;
	v23 =	vadd.f32 v25, v24;
	v25 =	vadd.f32 v62, v57  }
0x240: {  	s19 =	smul.f32 s7, s19;
	v43 =	vld [tilespmem:s11+$0x180];
	(xrf2) =	vadd.scan.msk.f32 $0xffff, v18;
	v18 =	vadd.f32 v20, v46;
	v20 =	vadd.f32 v17, v19  }
0x241: {  	s13 =	smul.f32 s22, s12;
	v44 =	vld [tilespmem:s11+$0x1A0];
	v26 =	vmul.f32 v62, v62;
	v17 =	vadd.f32 v22, v21;
	v21 =	vadd.f32 v9, v8  }
0x242: {  	v14 =	vadd.f32 v40, v41;
	s17 =	smul.f32 s15, s14;
	v24 =	vmul.f32 v57, v57;
	v46 =	vld [tilespmem:s11+$0x1B0]  }
0x243: {  	v12 =	vmul.f32 v42, v42;
	s24 =	smul.f32 s21, s24;
	v16 =	vadd.f32 v16, v10;
	v10 =	vld [tilespmem:s11+$0x0];
	v21 =	vadd.f32 v21, v25  }
0x244: {  	s28 =	smul.f32 s20, s2;
	v19 =	vmul.f32 v8, v8;
	v27, _, _ =	vpop (xrf2);
	v22 =	vadd.f32 v26, v24;
	v24 =	vmul.f32 v9, v9;
	(xrf2) =	vadd.scan.msk.f32 $0xffff, v18  }
0x245: {  	s31 =	smul.f32 s16, s1;
	v18 =	vadd.f32 v17, v23;
	v17 =	vmul.f32 v43, v43;
	(v2sf) =	vpush v27, $0xF;
	v26, _, _ =	vpop (xrf2);
	(xrf2) =	vadd.scan.msk.f32 $0xffff, v21  }
0x246: {  	s9 =	smul.f32 s18, s0;
	v23 =	vadd.f32 v45, v43;
	v25 =	vmul.f32 v45, v45;
	v19 =	vadd.f32 v24, v19  }
0x247: {  	s10 =	smul.f32 s19, s26;
	v24 =	vmul.f32 v44, v44;
	(v2sf) =	vpush v26, $0xF;
	v26 =	vadd.f32 v46, v44  }
0x248: {  	s3 =	smul.f32 s13, s22;
	v17 =	vadd.f32 v25, v17;
	v25 =	vmul.f32 v46, v46;
	v21 =	vadd.f32 v42, v10  }
0x249: {  	s6 =	smul.f32 s17, s15;
	v27 =	vmul.f32 v10, v10;
	v19 =	vadd.f32 v19, v22;
	v22 =	vadd.f32 v26, v23  }
0x24a: {  	s7 =	smul.f32 s24, s21;
	s3 =	ssub.f32 $1.500000000e+00, s3;
	v23 =	vadd.f32 v25, v24;
	v24 =	vadd.f32 v14, v21;
	v14, _, _ =	vpop (xrf2)  }
0x24b: {  	s2 =	smul.f32 s28, s20;
	v12 =	vadd.f32 v12, v27;
	(v2sf) =	vpush v14, $0xF  }
0x24c: {  	s3 =	smul.f32 s3, s22;
	s13 =	spop (v2sf)  }
0x24d: {  	v12 =	vadd.f32 v15, v12;
	(xrf2) =	vadd.scan.msk.f32 $0xffff, v24;
	s12 =	smul.f32 $1.562500000e-02, s13;
	s14 =	spop (v2sf)  }
0x24e: {  	s17 =	ssub.f32 $1.500000000e+00, s7;
	v25 =	vld [tilespmem:$0x1FE60];
	v17 =	vadd.f32 v23, v17;
	v23, _, _ =	vpop (xrf2);
	(xrf2) =	vadd.scan.msk.f32 $0xffff, v22;
	s7 =	smul.f32 $1.562500000e-02, s14  }
0x24f: {  	s24 =	smul.f32 s12, s12;
	v24, _, _ =	vpop (xrf2);
	(xrf2) =	vadd.scan.msk.f32 $0xffff, v12;
	v12 =	vmul.f32 s3, v32;
	v32 =	vld [tilespmem:$0x1FE80]  }
0x250: {  	s1 =	smul.f32 s31, s16;
	s6 =	ssub.f32 $1.500000000e+00, s6  }
0x251: {  	s0 =	smul.f32 s9, s18;
	s7 =	ssub.f32 s7, s24  }
0x252: {  	s6 =	smul.f32 s6, s15  }
0x253: {  	s26 =	smul.f32 s10, s19;
	v15 =	vmul.f32 s3, v28;
	v26 =	vld [tilespmem:$0x1FE70];
	s7 =	sadd.f32 $9.999999740e-06, s7  }
0x254: {  	s17 =	smul.f32 s17, s21;
	(xrf2) =	vadd.scan.msk.f32 $0xffff, v13;
	v13 =	vmul.f32 s6, v25;
	v25 =	vmul.f32 s6, v32;
	v32 =	vld [tilespmem:$0x1FE90]  }
0x255: {  	v21 =	vmul.f32 s3, v31;
	v14 =	vmul.f32 s3, v0;
	s28 =	spop (v2sf);
	s31 =	sshra.s32 s7, $0x1;
	s3 =	smul.f32 $5.000000000e-01, s7  }
0x256: {  	s9 =	smul.f32 $1.562500000e-02, s28;
	s10 =	ssub.s32 $0x5F3759DF, s31  }
0x257: {  	s13 =	spop (v2sf);
	s14 =	smul.f32 s10, s3  }
0x258: {  	(v2sf) =	vpush v23, $0xF;
	v22 =	vmul.f32 s6, v26;
	s7 =	smul.f32 $1.562500000e-02, s13  }
0x259: {  	(v2sf) =	vpush v24, $0xF;
	v23 =	vmov s9;
	v26 =	vmul.f32 s6, v32;
	s6 =	smul.f32 s10, s14  }
0x25a: {  	v12 =	vmul.f32 v12, v29;
	v27 =	vsub.f32 v48, v23;
	v24, _, _ =	vpop (xrf2);
	(xrf2) =	vadd.scan.msk.f32 $0xffff, v16;
	s15 =	spop (v2sf);
	v32 =	vsub.f32 v47, v23;
	s14 =	smul.f32 s7, s7  }
0x25b: {  	v48 =	vmov s7;
	v47 =	vsub.f32 v49, v23;
	v49 =	vsub.f32 v51, v23;
	v51, _, _ =	vpop (xrf2);
	s7 =	smul.f32 $1.562500000e-02, s15;
	(xrf2) =	vadd.scan.msk.f32 $0xffff, v20  }
0x25c: {  	v16 =	vsub.f32 v54, v48;
	v54 =	vsub.f32 v56, v48;
	v56, _, _ =	vpop (xrf2);
	(xrf2) =	vadd.scan.msk.f32 $0xffff, v18;
	v18 =	vmul.f32 s17, v33  }
0x25d: {  	[tilespmem:$0x1FE70] =	vst v32;
	v32 =	vsub.f32 v58, v48;
	v58 =	vadd.f32 v12, v5;
	v0 =	vmov s7  }
0x25e: {  	[tilespmem:$0x1FE80] =	vst v47;
	v47 =	vmul.f32 v22, v2;
	v20 =	vsub.f32 v50, v0;
	v22 =	vsub.f32 v52, v0  }
0x25f: {  	v12 =	vmul.f32 v25, v4;
	v25 =	vsub.f32 v55, v0;
	v33 =	vsub.f32 v59, v0;
	v0 =	vld [tilespmem:$0x1FD80];
	_ =	sdelay $0x3  }
0x260: {  	(v2sf) =	vpush v24, $0xF  }
0x261: {  	s30 =	ssub.f32 $1.500000000e+00, s2;
	v24 =	vsub.f32 v63, v48;
	v48 =	vmul.f32 v13, v29;
	v13 =	vmul.f32 s17, v0;
	v0 =	vld [tilespmem:$0x1FD90]  }
0x262: {  	s6 =	ssub.f32 $1.500000000e+00, s6  }
0x263: {  	s2 =	ssub.f32 $1.500000000e+00, s1;
	s20 =	smul.f32 s30, s20;
	(v2sf) =	vpush v51, $0xF  }
0x264: {  	(v2sf) =	vpush v56, $0xF;
	s21 =	spop (v2sf);
	s6 =	smul.f32 s10, s6  }
0x265: {  	s1 =	ssub.f32 $1.500000000e+00, s0;
	v23 =	vmul.f32 v15, v4;
	v15 =	vmul.f32 v21, v1;
	s10 =	smul.f32 $1.562500000e-02, s21  }
0x266: {  	s0 =	ssub.f32 $1.500000000e+00, s26;
	s2 =	smul.f32 s2, s16;
	v21 =	vmul.f32 s17, v35;
	v59, _, _ =	vpop (xrf2);
	v35 =	vmul.f32 s17, v0;
	v0 =	vld [tilespmem:$0x1FDA0]  }
0x267: {  	v63 =	vmov v16;
	(v2sf) =	vpush v59, $0xF;
	s24 =	smul.f32 s6, s3;
	v16 =	vmov s10;
	s31 =	spop (v2sf)  }
0x268: {  	(xrf2) =	vadd.scan.msk.f32 $0xffff, v19;
	v50 =	vsub.f32 v53, v16;
	s15 =	smul.f32 $1.562500000e-02, s31;
	v53, _, _ =	vpop (xrf2)  }
0x269: {  	s0 =	smul.f32 s0, s19;
	(v2sf) =	vpush v53, $0xF  }
0x26a: {  	[tilespmem:$0x1FE60] =	vst v27;
	v27 =	vmul.f32 v14, v2;
	s28 =	smul.f32 s24, s6;
	v56 =	vmov s15  }
0x26b: {  	s22 =	smul.f32 s9, s9;
	v14 =	vmul.f32 v21, v2;
	v21 =	vsub.f32 v62, v56;
	v62 =	vmul.f32 s20, v0;
	v0 =	vld [tilespmem:$0x1FEA0]  }
0x26c: {  	s26 =	smul.f32 s7, s7;
	(xrf2) =	vadd.scan.msk.f32 $0xffff, v17;
	s7 =	ssub.f32 $1.500000000e+00, s28  }
0x26d: {  	v15 =	vadd.f32 v15, v3;
	v48 =	vadd.f32 v48, v5;
	s24 =	smul.f32 s10, s10  }
0x26e: {  	[tilespmem:s4+$0x0] =	vst v58;
	v12 =	vadd.f32 v12, v7;
	v51 =	vsub.f32 v60, v16;
	v58, _, _ =	vpop (xrf2);
	s6 =	smul.f32 s7, s6  }
0x26f: {  	[tilespmem:$0x1FE90] =	vst v49;
	v49 =	vmul.f32 v26, v1;
	v55 =	vmovc v24;
	v24 =	vsub.f32 v61, v16;
	s21 =	smul.f32 s15, s15;
	s17 =	spop (v2sf);
	(v2sf) =	vpush v58, $0xF  }
0x270: {  	v59 =	vmovc v54;
	v26 =	vsub.f32 v8, v56;
	v8 =	vadd.f32 v27, v6;
	s3 =	smul.f32 s6, s3;
	v27 =	vmul.f32 s20, v0;
	v0 =	vld [tilespmem:$0x1FDB0]  }
0x271: {  	v28 =	vld [tilespmem:$0x1FEB0];
	v52 =	vsub.f32 v11, v16;
	v16 =	vmul.f32 v18, v29;
	v61 =	vadd.f32 v23, v7;
	v60, _, _ =	vpop (xrf2);
	s7 =	smul.f32 $1.562500000e-02, s17  }
0x272: {  	v19 =	vsub.f32 v57, v56;
	v57 =	vmov v33;
	v33, _, _ =	vpop (xrf2);
	(v2sf) =	vpush v60, $0xF;
	s3 =	smul.f32 s3, s6;
	s28 =	spop (v2sf)  }
0x273: {  	v54 =	vmovc v32;
	v18 =	vsub.f32 v9, v56;
	v56 =	vmovc v20;
	v20 =	vmov s7;
	s7 =	smul.f32 s7, s7;
	s10 =	spop (v2sf);
	(v2sf) =	vpush v33, $0xF  }
0x274: {  	v14 =	vadd.f32 v14, v6;
	[tilespmem:s4+$0x40] =	vst v48;
	v48 =	vld [tilespmem:$0x1FE40];
	v11 =	vmul.f32 v35, v1;
	s31 =	smul.f32 $1.562500000e-02, s28;
	v32 =	vsub.f32 v42, v20;
	s3 =	ssub.f32 $1.500000000e+00, s3  }
0x275: {  	[tilespmem:s4+$0x20] =	vst v61;
	v42 =	vmov s12;
	v61 =	vsub.f32 v40, v20;
	s12 =	smul.f32 $1.562500000e-02, s10;
	v9 =	vmul.f32 s20, v0;
	v0 =	vld [tilespmem:$0x1FDC0]  }
0x276: {  	[tilespmem:s4+$0x10] =	vst v8;
	v40 =	vmul.f32 s2, v28;
	v28 =	vmov v51;
	s13 =	spop (v2sf);
	s3 =	smul.f32 s3, s6;
	v8 =	vmul.f32 v27, v2;
	v27, _, _ =	vpop (xrf2)  }
0x277: {  	v60 =	vsub.f32 v10, v20;
	[tilespmem:$0x1FEB0] =	vst v28;
	v28 =	vld [tilespmem:$0x1FDD0];
	s15 =	smul.f32 $1.562500000e-02, s13;
	(v2sf) =	vpush v27, $0xF  }
0x278: {  	v51 =	vmov v52;
	v11 =	vadd.f32 v11, v3;
	v58 =	vsub.f32 v39, v42;
	s6 =	ssub.f32 s12, s7;
	s16 =	spop (v2sf)  }
0x279: {  	v52 =	vld [tilespmem:$0x1FE10];
	v23 =	vsub.f32 v37, v42;
	v37 =	vmul.f32 s2, v30;
	v30 =	vmovc v50;
	v50 =	vmovc v19;
	v19 =	vmul.f32 s0, v48;
	s7 =	ssub.f32 s15, s22;
	s9 =	smul.f32 $1.562500000e-02, s16  }
0x27a: {  	v17 =	vmul.f32 v62, v29;
	v62 =	vadd.f32 v47, v6;
	v47 =	vld [tilespmem:$0x1FE30];
	s6 =	sadd.f32 $9.999999740e-06, s6;
	v35 =	vmul.f32 s20, v0;
	v0 =	vmovc v22  }
0x27b: {  	s1 =	smul.f32 s1, s18;
	v53 =	vmovc v25;
	v25 =	vmul.f32 s3, v58;
	v58 =	vld [tilespmem:$0x1FE20];
	s9 =	ssub.f32 s9, s14;
	v22 =	vmov s31;
	[tilespmem:$0x1FEA0] =	vst v0;
	v0 =	vsub.f32 v41, v20  }
0x27c: {  	[tilespmem:s4+$0x30] =	vst v15;
	s30 =	smul.f32 s31, s31;
	s17 =	sadd.f32 $9.999999740e-06, s7;
	v33 =	vsub.f32 v43, v22;
	v27 =	vsub.f32 v44, v22;
	v41 =	vmul.f32 s2, v28;
	v28 =	vld [tilespmem:$0x1FDE0]  }
0x27d: {  	[tilespmem:s4+$0x60] =	vst v12;
	s19 =	sshra.s32 s6, $0x1;
	s12 =	smul.f32 $5.000000000e-01, s6;
	s31 =	sadd.f32 $9.999999740e-06, s9;
	v10 =	vmul.f32 v35, v1;
	v35 =	vsub.f32 v45, v22;
	v22 =	vsub.f32 v46, v22;
	v46 =	vld [tilespmem:$0x1FDF0]  }
0x27e: {  	[tilespmem:s4+$0x50] =	vst v62;
	v62 =	vadd.f32 v16, v5;
	v25 =	vmul.f32 v25, v1;
	s22 =	sshra.s32 s17, $0x1;
	s14 =	smul.f32 $5.000000000e-01, s17;
	s20 =	spop (v2sf);
	v45 =	vmovc v21;
	v21 =	vmul.f32 s1, v52;
	v52 =	vld [tilespmem:$0x1FE50]  }
0x27f: {  	[tilespmem:s4+$0x90] =	vst v14;
	v13 =	vmul.f32 v13, v4;
	v36 =	vsub.f32 v36, v42;
	v38 =	vsub.f32 v38, v42;
	s18 =	ssub.s32 $0x5F3759DF, s22;
	s28 =	smul.f32 $1.562500000e-02, s20;
	s10 =	sshra.s32 s31, $0x1  }
0x280: {  	v19 =	vmul.f32 v19, v4;
	[tilespmem:s4+$0x80] =	vst v62;
	v62 =	vadd.f32 v17, v5;
	s16 =	ssub.s32 $0x5F3759DF, s19;
	v25 =	vadd.f32 v25, v3;
	s19 =	ssub.s32 $0x5F3759DF, s10;
	s10 =	smul.f32 s18, s14  }
0x281: {  	v31 =	vmovc v18;
	[tilespmem:s4+$0xB0] =	vst v11;
	v18 =	vmul.f32 s0, v47;
	v8 =	vadd.f32 v8, v6;
	s9 =	spop (v2sf);
	s7 =	ssub.f32 s28, s26;
	v42 =	vmul.f32 s2, v28;
	v28 =	vld [tilespmem:$0x1FE00]  }
0x282: {  	[tilespmem:s11+$0x1F0] =	vst v25;
	v25 =	vmul.f32 s1, v58;
	v58 =	vadd.f32 v49, v3;
	v44 =	vmovc v24;
	s13 =	spop (v2sf);
	s6 =	smul.f32 s18, s10;
	v24 =	vmul.f32 s1, v46  }
0x283: {  	[tilespmem:s4+$0xC0] =	vst v62;
	v49 =	vadd.f32 v13, v7;
	s2 =	smul.f32 $1.562500000e-02, s13;
	v46 =	vmovc v26;
	v26 =	vmul.f32 s0, v34;
	v20 =	vmul.f32 s0, v52;
	s0 =	sadd.f32 $9.999999740e-06, s7  }
0x284: {  	[tilespmem:s4+$0xD0] =	vst v8;
	v9 =	vmul.f32 v9, v4;
	s7 =	smul.f32 s16, s12  }
0x285: {  	[tilespmem:s4+$0xA0] =	vst v49;
	v49 =	vadd.f32 v19, v7;
	s17 =	ssub.f32 s2, s21;
	s2 =	smul.f32 $5.000000000e-01, s0  }
0x286: {  	v16 =	vmul.f32 v37, v29;
	[tilespmem:s4+$0x70] =	vst v58;
	v9 =	vadd.f32 v9, v7;
	s21 =	spop (v2sf);
	v43 =	vmul.f32 s1, v28;
	s1 =	smul.f32 $1.562500000e-02, s9  }
0x287: {  	v23 =	vmul.f32 s3, v23;
	[tilespmem:s4+$0x1A0] =	vst v49;
	v48 =	vmul.f32 v41, v4;
	v8 =	vadd.f32 v10, v3;
	s28 =	sadd.f32 $9.999999740e-06, s17;
	s26 =	smul.f32 $1.562500000e-02, s21  }
0x288: {  	v47 =	vmul.f32 v40, v2;
	v37 =	vmul.f32 v25, v1;
	[tilespmem:s4+$0xE0] =	vst v9;
	v41 =	vadd.f32 v16, v5;
	s7 =	smul.f32 s16, s7;
	s1 =	ssub.f32 s1, s24  }
0x289: {  	v18 =	vmul.f32 v18, v29;
	v21 =	vmul.f32 v21, v4;
	[tilespmem:s4+$0xF0] =	vst v8;
	v8 =	vadd.f32 v48, v7;
	s24 =	smul.f32 $5.000000000e-01, s31;
	s31 =	ssub.f32 s26, s30  }
0x28a: {  	[tilespmem:s4+$0x100] =	vst v41;
	v48 =	vadd.f32 v37, v3;
	v34 =	vmovc v35;
	v35 =	vmov v27;
	v52 =	vmul.f32 v42, v1;
	s15 =	sshra.s32 s0, $0x1;
	s0 =	smul.f32 $5.000000000e-01, s28;
	s1 =	sadd.f32 $9.999999740e-06, s1  }
0x28b: {  	v27 =	vmul.f32 s3, v38;
	v42 =	vadd.f32 v47, v6;
	[tilespmem:s4+$0x120] =	vst v8;
	v28 =	vmovc v33;
	v33 =	vmovc v22;
	v22 =	vmul.f32 s3, v36;
	s3 =	sadd.f32 $9.999999740e-06, s31;
	s31 =	smul.f32 s19, s24  }
0x28c: {  	v47 =	vadd.f32 v21, v7;
	[tilespmem:s4+$0x170] =	vst v48;
	s22 =	sshra.s32 s1, $0x1;
	s1 =	smul.f32 $5.000000000e-01, s1  }
0x28d: {  	v8 =	vadd.f32 v18, v5;
	v38 =	vmul.f32 v26, v2;
	[tilespmem:s4+$0x110] =	vst v42;
	s26 =	smul.f32 $5.000000000e-01, s3  }
0x28e: {  	v39 =	vmul.f32 v20, v1;
	s20 =	ssub.s32 $0x5F3759DF, s15;
	v13 =	vadd.f32 v52, v3;
	[tilespmem:s4+$0x160] =	vst v47;
	s9 =	sshra.s32 s28, $0x1;
	s31 =	smul.f32 s19, s31  }
0x28f: {  	v24 =	vmul.f32 v24, v29;
	[tilespmem:s4+$0x180] =	vst v8;
	v11 =	vadd.f32 v38, v6;
	s21 =	ssub.s32 $0x5F3759DF, s22;
	s22 =	ssub.s32 $0x5F3759DF, s9;
	s9 =	smul.f32 s20, s2  }
0x290: {  	v12 =	vadd.f32 v39, v3;
	[tilespmem:s4+$0x130] =	vst v13;
	v58 =	vmul.f32 v43, v2;
	s28 =	sshra.s32 s3, $0x1;
	s13 =	smul.f32 s21, s1  }
0x291: {  	s23 =	sadd.s32 $0x8, s23;
	v22 =	vmul.f32 v22, v29;
	v43 =	vadd.f32 v24, v5;
	[tilespmem:s4+$0x190] =	vst v11;
	s15 =	ssub.s32 $0x5F3759DF, s28;
	s17 =	smul.f32 s22, s0  }
0x292: {  	p0 =	slt.u32 s23, $0x1F8;
	v40 =	vmul.f32 v27, v2;
	[tilespmem:s4+$0x1B0] =	vst v12;
	v14 =	vadd.f32 v58, v6;
	s28 =	smul.f32 s15, s26  }
.Ltmp3:
0x293: {  	v23 =	vmul.f32 v23, v4;
	s30 =	ssub.f32 $1.500000000e+00, s6;
	v52 =	vadd.f32 v22, v5;
	[tilespmem:s4+$0x140] =	vst v43;
	(pc) =	sbr.rel @p0 .LBB2_8-.Ltmp3, $4  }
0x294: {  	v58 =	vadd.f32 v40, v6;
	[tilespmem:s4+$0x150] =	vst v14;
	s3 =	ssub.f32 $1.500000000e+00, s7;
	s9 =	smul.f32 s20, s9  }
0x295: {  	v62 =	vadd.f32 v23, v7;
	[tilespmem:s11+$0x1C0] =	vst v52;
	s6 =	ssub.f32 $1.500000000e+00, s31;
	s13 =	smul.f32 s21, s13  }
0x296: {  	s4 =	smov.u32 s11;
	[tilespmem:s11+$0x1D0] =	vst v58;
	s10 =	smul.f32 s22, s17;
	s7 =	ssub.f32 $1.500000000e+00, s9  }
0x297: {  	s11 =	sadd.s32 $0x200, s11;
	[tilespmem:s4+$0x1E0] =	vst v62;
	s9 =	ssub.f32 $1.500000000e+00, s13;
	s13 =	smul.f32 s15, s28  }
0x298: {  	s11 =	smul.f32 s16, s3  }
0x299: {  	s16 =	smul.f32 s18, s30  }
0x29a: {  	s6 =	smul.f32 s19, s6  }
0x29b: {  	s19 =	ssub.f32 $1.500000000e+00, s10;
	s7 =	smul.f32 s20, s7  }
0x29c: {  	s9 =	smul.f32 s21, s9  }
0x29d: {  	s23 =	ssub.f32 $1.500000000e+00, s13;
	s13 =	smul.f32 s22, s19  }
0x29e: {  	s28 =	smul.f32 s11, s12  }
0x29f: {  	s30 =	smul.f32 s16, s14  }
0x2a0: {  	s17 =	smul.f32 s6, s24  }
0x2a1: {  	s31 =	smul.f32 s7, s2  }
0x2a2: {  	s3 =	smul.f32 s15, s23  }
0x2a3: {  	s21 =	smul.f32 s9, s1  }
0x2a4: {  	s10 =	smul.f32 s28, s11  }
0x2a5: {  	s15 =	smul.f32 s30, s16  }
0x2a6: {  	s17 =	smul.f32 s17, s6  }
0x2a7: {  	s19 =	smul.f32 s31, s7;
	s10 =	ssub.f32 $1.500000000e+00, s10  }
0x2a8: {  	s22 =	smul.f32 s13, s0;
	s15 =	ssub.f32 $1.500000000e+00, s15  }
0x2a9: {  	s17 =	ssub.f32 $1.500000000e+00, s17;
	s10 =	smul.f32 s10, s11  }
0x2aa: {  	s16 =	smul.f32 s15, s16  }
0x2ab: {  	s6 =	smul.f32 s17, s6  }
0x2ac: {  	s15 =	smul.f32 s21, s9  }
0x2ad: {  	s23 =	smul.f32 s10, s12  }
0x2ae: {  	s11 =	smul.f32 s22, s13  }
0x2af: {  	s15 =	ssub.f32 $1.500000000e+00, s15;
	s28 =	smul.f32 s23, s10  }
0x2b0: {  	s30 =	smul.f32 s16, s14  }
0x2b1: {  	s31 =	smul.f32 s15, s9;
	s15 =	ssub.f32 $1.500000000e+00, s28  }
0x2b2: {  	s14 =	smul.f32 s30, s16  }
0x2b3: {  	s11 =	ssub.f32 $1.500000000e+00, s11;
	s9 =	smul.f32 s15, s10  }
0x2b4: {  	v12 =	vld [tilespmem:$0x1FE60];
	s18 =	smul.f32 s6, s24  }
0x2b5: {  	v13 =	vld [tilespmem:$0x1FE70];
	s11 =	smul.f32 s11, s13;
	s17 =	ssub.f32 $1.500000000e+00, s14;
	v8 =	vmul.f32 s9, v60  }
0x2b6: {  	v14 =	vld [tilespmem:$0x1FE80];
	s13 =	smul.f32 s18, s6;
	v9 =	vmul.f32 s9, v32  }
0x2b7: {  	s10 =	smul.f32 s17, s16;
	v10 =	vmul.f32 s9, v0;
	v8 =	vmul.f32 v8, v29  }
0x2b8: {  	s20 =	ssub.f32 $1.500000000e+00, s19;
	v11 =	vmul.f32 s9, v61;
	v9 =	vmul.f32 v9, v2  }
0x2b9: {  	s13 =	ssub.f32 $1.500000000e+00, s13;
	v12 =	vmul.f32 s10, v12;
	v10 =	vmul.f32 v10, v4;
	v8 =	vadd.f32 v8, v5  }
0x2ba: {  	s7 =	smul.f32 s20, s7;
	v13 =	vmul.f32 s10, v13;
	v11 =	vmul.f32 v11, v1;
	v9 =	vadd.f32 v9, v6  }
0x2bb: {  	s6 =	smul.f32 s13, s6;
	v14 =	vmul.f32 s10, v14;
	v12 =	vmul.f32 v12, v29;
	v52 =	vadd.f32 v10, v7;
	[tilespmem:s4+$0x0] =	vst v8  }
0x2bc: {  	s19 =	smul.f32 s7, s2;
	v13 =	vmul.f32 v13, v2;
	v60 =	vadd.f32 v11, v3;
	v58 =	vld [tilespmem:$0x1FE90];
	[tilespmem:s4+$0x10] =	vst v9  }
0x2bd: {  	v62 =	vmul.f32 s6, v63;
	v61 =	vmul.f32 v14, v4;
	v63 =	vadd.f32 v12, v5;
	[tilespmem:s4+$0x20] =	vst v52  }
0x2be: {  	s2 =	smul.f32 s19, s7;
	v16 =	vadd.f32 v13, v6;
	[tilespmem:s4+$0x30] =	vst v60  }
0x2bf: {  	s20 =	smul.f32 s3, s26;
	v18 =	vadd.f32 v61, v7;
	[tilespmem:s4+$0x40] =	vst v63  }
0x2c0: {  	s2 =	ssub.f32 $1.500000000e+00, s2;
	s21 =	smul.f32 s31, s1;
	[tilespmem:s4+$0x50] =	vst v16  }
0x2c1: {  	s23 =	smul.f32 s11, s0;
	[tilespmem:s4+$0x60] =	vst v18  }
0x2c2: {  	s2 =	smul.f32 s2, s7;
	v0 =	vmul.f32 s6, v59;
	v17 =	vmul.f32 s6, v54;
	v24 =	vld [tilespmem:$0x1FEA0]  }
0x2c3: {  	s1 =	smul.f32 s21, s31;
	v19 =	vmul.f32 s6, v55;
	v14 =	vmul.f32 v62, v29  }
0x2c4: {  	s9 =	smul.f32 s20, s3;
	v12 =	vmul.f32 v0, v2;
	v10 =	vmul.f32 s10, v58  }
0x2c5: {  	s0 =	smul.f32 s23, s11;
	s1 =	ssub.f32 $1.500000000e+00, s1;
	v22 =	vmul.f32 s2, v56;
	v21 =	vmul.f32 v17, v4;
	v23 =	vadd.f32 v14, v5  }
0x2c6: {  	v27 =	vmul.f32 s2, v53;
	s22 =	ssub.f32 $1.500000000e+00, s9;
	v26 =	vadd.f32 v12, v6;
	v10 =	vmul.f32 v10, v1  }
0x2c7: {  	s0 =	ssub.f32 $1.500000000e+00, s0;
	s1 =	smul.f32 s1, s31;
	v11 =	vmul.f32 v19, v1;
	v32 =	vadd.f32 v21, v7;
	[tilespmem:s4+$0x80] =	vst v23;
	v25 =	vmul.f32 s2, v24  }
0x2c8: {  	v36 =	vmul.f32 s2, v57;
	s3 =	smul.f32 s22, s3;
	v13 =	vmul.f32 v22, v29;
	[tilespmem:s4+$0x90] =	vst v26;
	v20 =	vadd.f32 v10, v3  }
0x2c9: {  	s0 =	smul.f32 s0, s11;
	v39 =	vmul.f32 s1, v30;
	v37 =	vadd.f32 v11, v3;
	[tilespmem:s4+$0xA0] =	vst v32;
	v14 =	vmul.f32 v25, v2  }
0x2ca: {  	v38 =	vmul.f32 v27, v4;
	v48 =	vmul.f32 s1, v51;
	s24 =	smul.f32 s3, s26;
	v40 =	vadd.f32 v13, v5;
	[tilespmem:s4+$0x70] =	vst v20  }
0x2cb: {  	v12 =	vmul.f32 v39, v29;
	v52 =	vmul.f32 s0, v45;
	v43 =	vadd.f32 v14, v6;
	v41 =	vld [tilespmem:$0x1FEB0];
	[tilespmem:s4+$0xB0] =	vst v37  }
0x2cc: {  	v47 =	vadd.f32 v38, v7;
	v53 =	vmul.f32 s0, v46;
	v11 =	vmul.f32 v48, v1;
	s2 =	smul.f32 s24, s3;
	[tilespmem:s4+$0xC0] =	vst v40  }
0x2cd: {  	v54 =	vmul.f32 s0, v31;
	v51 =	vadd.f32 v12, v5;
	v12 =	vmul.f32 v52, v2;
	[tilespmem:s4+$0xD0] =	vst v43  }
0x2ce: {  	v44 =	vmul.f32 s1, v44;
	v9 =	vmul.f32 v53, v4;
	v11 =	vadd.f32 v11, v3;
	s26 =	ssub.f32 $1.500000000e+00, s2;
	[tilespmem:s4+$0xE0] =	vst v47  }
0x2cf: {  	v50 =	vmul.f32 s0, v50;
	v8 =	vmul.f32 v54, v1;
	v12 =	vadd.f32 v12, v6;
	[tilespmem:s4+$0x100] =	vst v51  }
0x2d0: {  	v9 =	vadd.f32 v9, v7;
	v10 =	vmul.f32 v36, v1;
	[tilespmem:s4+$0x130] =	vst v11;
	v42 =	vmul.f32 s1, v41;
	s1 =	smul.f32 s26, s3  }
0x2d1: {  	v8 =	vadd.f32 v8, v3;
	v14 =	vmul.f32 v44, v4;
	[tilespmem:s4+$0x150] =	vst v12  }
0x2d2: {  	v49 =	vadd.f32 v10, v3;
	v10 =	vmul.f32 v50, v29;
	[tilespmem:s4+$0x160] =	vst v9;
	v55 =	vmul.f32 s1, v28  }
0x2d3: {  	v14 =	vadd.f32 v14, v7;
	[tilespmem:s4+$0x170] =	vst v8;
	v13 =	vmul.f32 v42, v2;
	v56 =	vmul.f32 s1, v34  }
0x2d4: {  	[tilespmem:s4+$0xF0] =	vst v49;
	v10 =	vadd.f32 v10, v5;
	v57 =	vmul.f32 s1, v35;
	v58 =	vmul.f32 v55, v29  }
0x2d5: {  	[tilespmem:s4+$0x120] =	vst v14;
	v59 =	vmul.f32 s1, v33;
	v13 =	vadd.f32 v13, v6;
	v60 =	vmul.f32 v56, v2  }
0x2d6: {  	[tilespmem:s4+$0x140] =	vst v10;
	v61 =	vmul.f32 v57, v4;
	v0 =	vadd.f32 v58, v5  }
0x2d7: {  	v62 =	vmul.f32 v59, v1;
	[tilespmem:s4+$0x110] =	vst v13;
	v2 =	vadd.f32 v60, v6  }
0x2d8: {  	s8 =	sadd.s32 $0x1, s8;
	v4 =	vadd.f32 v61, v7;
	[tilespmem:s4+$0x180] =	vst v0  }
0x2d9: {  	p0 =	sne.s32 s8, $0x19;
	v63 =	vadd.f32 v62, v3;
	[tilespmem:s4+$0x190] =	vst v2  }
.Ltmp4:
0x2da: {  	s28 =	rddreg [dreg:$0x14];
	[tilespmem:s4+$0x1A0] =	vst v4;
	(pc) =	sbr.rel @p0 .LBB2_2-.Ltmp4, $4  }
0x2db: {  	[tilespmem:s4+$0x1B0] =	vst v63;
	s0 =	sadd.s32 s25, s28  }
0x2dc: {  	s6 =	simm.s32 $0x8400;
	s30 =	rddreg [dreg:$0x5];
	s0 =	sshrl.u32 s0, $0x3  }
0x2dd: {  	s31 =	simm.s32 $0x40;
	s4 =	simm.s32 $0x80;
	s0 =	sadd.s32 s30, s0  }
0x2de: {  	[hbm4b:s0+s31] =	stream.strided.scatter [tilespmem:s6], [sflag:$0x6], $0x8000, s4, s31, $0x38;
	[tilespmem:$0x10480] =	vst v63  }
0x2df: {  	s0 =	simm.s32 $0x5  }
0x2e0: {  	_ =	swait.ge [sflag:s0], $0x8000  }
0x2e1: {  	[sflag:s0] =	ssyncset.done $0x0  }
0x2e2: {  	s1 =	simm.s32 $0x6;
	[sflag:s0] =	ssyncadd.s32 $0xFFFF8000  }
0x2e3: {  	_ =	swait.ge [sflag:s1], $0x8000  }
0x2e4: {  	s2 =	rddreg [dreg:$0x16]  }
0x2e5: {  	s31 =	rddreg [dreg:$0x15];
	s2 =	sadd.s32 $0x1, s2  }
0x2e6: {  	p0 =	sne.s32 s2, s31  }
.Ltmp5:
0x2e7: {  	_ = 	snop;
	(pc) =	sbr.rel @p0 .LBB2_1-.Ltmp5, $3  }
0x2e8: {  	_ =	sdelay $0x1  }
0x2e9: {  	[sflag:s1] =	ssyncset.done $0x0  }
0x2ea: {  	[sflag:s1] =	ssyncadd.s32 $0xFFFF8000  }
0x2eb: {  	_ =	sfence.sel $0x180000  }
0x2ec: {  	[bflag:$0x0] =	sbarrier.arrive $0xFFFF  }
0x2ed: {  	_ =	strace $0x90000047  }
0x2ee: {  	s0 =	stileid.u32;
	[bflag:$0x2] =	sbarrier.arrive $0xFFFF  }
0x2ef: {  	p0 =	sne.s32 s0, $0x0;
	s0 =	rddreg [dreg:$0x3]  }
0x2f0: {  	s0 =	sadd.s32 @!p0 $0x100000, s0  }
0x2f1: {  	[sflag:s0] =	ssyncadd.tile.s32 @!p0 $0x1;
	_ =	shalt  }
.Lfunc_end2:
_tile_overlayer_lowered:
.L_overlay_start_2:
0x2f2: {  	(tag) =	ssettag $0x2  }
0x2f3: {  	s0 =	rddreg [dreg:$0x0];
	s2 =	stileid.u32  }
0x2f4: {  	s1 =	rddreg [dreg:$0x1];
	p0 =	sne.s32 s2, $0x0  }
0x2f5: {  	s3 =	rddreg [dreg:$0x2];
	[bflag:$0x3] =	sbarrier.arrive $0xFFFF;
	s2 =	simm.s32 @!p0 $0x1C07  }
0x2f6: {  	[timem:s3], [sflag:s2] =	dma.local @!p0 [hbm:s0], s1  }
0x2f7: {  	s0 =	simm.s32 @!p0 $0x7  }
0x2f8: {  	_ =	swait.ge @!p0 [sflag:s0], s1  }
0x2f9: {  	s1 =	ssub.s32 @!p0 $0x0, s1;
	[sflag:s0] =	ssyncset.done @!p0 $0x0  }
0x2fa: {  	[sflag:s0] =	ssyncadd.s32 @!p0 s1  }
0x2fb: {  	[bflag:$0x3] =	sbarrier.arrive $0xFFFF  }
0x2fc: {  	_ =	shalt  }

// kernel: sparse-core-data-format-call.cloned.1.call-start
scs
called_computation_lowered:
.L_overlay_start_0:
0x0: {  	s2 =	sld [smem:$0x3FD9]  }
0x1: {  	s3 =	sld [smem:$0x3FFE];
	_ =	sdelay $0x1  }
0x2: {  	s1 =	srdreg.scid  }
0x3: {  	s0 =	sand.u32 $0x1, s1  }
0x4: {  	s15 =	sshll.u32 s0, $0xA;
	s2 =	sadd.s32 s3, s2  }
0x5: {  	s2 =	sadd.s32 s2, s15  }
0x6: {  	[smem:$0x3FC4] =	sst s2  }
0x7: {  	_ = 	snop  }
0x8: {  	s2 =	sld [smem:$0x3FD0];
	_ =	sdelay $0x2  }
0x9: {  	s16 =	simm.s32 $0xA;
	s4 =	simm.s32 $0x10  }
0xa: {  	[smem:s4], [sflag:s16] =	dma.local [hbm:s2], $0x1  }
0xb: {  	_ =	swait.eq [sflag:s16], $0x1  }
0xc: {  	[sflag:s16] =	ssyncset.done $0x0  }
0xd: {  	[sflag:s16] =	ssyncadd.s32 $0xFFFFFFFF  }
0xe: {  	s17 =	sld [smem:$0x10];
	(tm) =	ssettm $0x1  }
0xf: {  	s18 =	sld [smem:$0x3FFB];
	_ =	sdelay $0x3  }
0x10: {  	_ =	strace s18  }
0x11: {  	s3 =	sld [smem:$0x3FFC];
	_ =	sdelay $0x3  }
0x12: {  	_ =	strace s3  }
0x13: {  	s3 =	sld [smem:$0x3FFD];
	_ =	sdelay $0x3  }
0x14: {  	_ =	strace s3  }
0x15: {  	_ =	strace $0x8FFFFFFF  }
0x16: {  	s19 =	sld [smem:$0x3FDB];
	_ =	sdelay $0x1  }
0x17: {  	s20 =	simm.s32 $_scs_section_size  }
0x18: {  	s5 =	simm.s32 $_size__tile_overlayer_lowered;
	s6 =	simm.s32 $_tile_overlayer_lowered  }
0x19: {  	s23 =	simm.s32 $0x1BFF;
	s22 =	sshll.u32 s6, $0x1;
	s3 =	sadd.s32 s20, s19  }
0x1a: {  	s7 =	simm.s32 $0x0;
	s21 =	sshll.u32 s5, $0x1;
	s5 =	sadd.s32 s22, s3  }
0x1b: {  	[timem:s7], [sflag:s23] =	dma.local [hbm:s5], s21  }
0x1c: {  	_ =	swait.ge [sflag:s23], s21  }
0x1d: {  	s4 =	ssub.s32 $0x0, s21;
	[sflag:s23] =	ssyncset.done $0x0  }
0x1e: {  	[sflag:s23] =	ssyncadd.s32 s4;
	_ =	sdelay $0x1  }
0x1f: {  	s24 =	simm.s32 $0x1B8B  }
0x20: {  	_ =	swait.ge [sflag:s24], $0x1  }
0x21: {  	[sflag:s24] =	ssyncset.done $0x0  }
0x22: {  	s26 =	simm.s32 $0x1B8E;
	s25 =	sld [smem:$0x3FFE];
	[sflag:s24] =	ssyncadd.s32 $0xFFFFFFFF  }
0x23: {  	s27 =	simm.s32 $execute0_lowered;
	[smem:$0x3FD2] =	sst s26  }
0x24: {  	s5 =	sshll.u32 s27, $0x1;
	_ =	strace $0x80000049;
	[dreg:$0x1] =	wrdreg $0xFFFFFFFF  }
0x25: {  	s28 =	simm.s32 $_size_execute0_lowered;
	s3 =	sadd.s32 s3, s5;
	[dreg:$0x0] =	wrdreg $0x0  }
0x26: {  	s5 =	sshll.u32 s28, $0x1;
	[dreg:$0x2] =	wrdreg s3  }
0x27: {  	[dreg:$0x3] =	wrdreg s5  }
0x28: {  	[dreg:$0x4] =	wrdreg $0xC0  }
0x29: {  	_ =	task [dreg:s7], $0x5FFFF  }
0x2a: {  	[dreg:$0x1] =	wrdreg $0xFFFFFFFF  }
0x2b: {  	[dreg:$0x0] =	wrdreg $0x60  }
0x2c: {  	[dreg:$0x2] =	wrdreg s25  }
0x2d: {  	[dreg:$0x3] =	wrdreg s17  }
0x2e: {  	[dreg:$0x4] =	wrdreg $0x9  }
0x2f: {  	_ =	task.clear_ibuf [dreg:s7], $0x5FFFF;
	_ =	strace $0x90000049  }
0x30: {  	s29 =	simm.s32 $0x9;
	_ =	strace $0x8000004B  }
0x31: {  	_ =	swait.ge [sflag:s29], $0x1  }
0x32: {  	[sflag:s29] =	ssyncadd.s32 $0xFFFFFFFF  }
0x33: {  	_ =	strace $0x9000004B  }
0x34: {  	_ =	sfence  }
0x35: {  	s30 =	sld [smem:$0x0];
	_ =	sdelay $0x2  }
0x36: {  	s31 =	sshll.u32 s1, $0xD;
	s1 =	sshrl.u32 s1, $0x2  }
0x37: {  	s3 =	sand.u32 $0x4000, s31;
	s1 =	sadd.s32 s1, s30  }
0x38: {  	s0 =	sor.u32 s3, s0;
	s1 =	sshll.u32 s1, $0x11  }
0x39: {  	s0 =	sor.u32 s1, s0  }
0x3a: {  	s0 =	sadd.s32 $0x8F2B, s0  }
0x3b: {  	[sflag:s0] =	ssyncadd.remote.s32 $0x1  }
0x3c: {  	_ =	sfence.sel $0xFFFF  }
0x3d: {  	[dreg:$0x0] =	wrdreg $0xFFFFFFFF;
	(pc) =	sbr.abs _section_cstart, $3  }
0x3e: {  	[dreg:$0x1] =	wrdreg $0xFFFFFFFF  }
0x3f: {  	_ =	task.clear_ibuf [dreg:s7], $0x2FFFF;
	_ =	strace $0x9FFFFFFF  }
0x40: {  	(tm) =	ssettm $0x7FFFFFFF  }
0x41: {  	_ =	shalt  }
tec
execute0_lowered:
.L_overlay_start_1:
0x0: {  	(tag) =	ssettag $0x1  }
0x1: {  	s0 =	srdreg.scid  }
0x2: {  	s1 =	sshll.u32 s0, $0x4  }
0x3: {  	s0 =	stileid.u32;
	s1 =	sand.u32 $0x10, s1  }
0x4: {  	s1 =	sor.u32 s0, s1  }
0x5: {  	s6 =	rddreg [dreg:$0x0];
	s4 =	simm.s32 $0x1;
	s2 =	sshll.u32 s1, $0x7  }
0x6: {  	s7 =	simm.s32 $0x2;
	s12 =	simm.s32 $0x0;
	s1 =	ssub.s32 $0x1000, s2  }
0x7: {  	s8 =	simm.s32 $0x8000;
	s13 =	simm.s32 $0x0;
	s3 =	sand.u32 $0xF80, s1  }
0x8: {  	s9 =	simm.s32 $0x0;
	s5 =	sshrl.u32 s1, $0xC;
	p0 =	sne.s32 s3, $0x0  }
.Ltmp0:
0x9: {  	s1 =	rddreg [dreg:$0x2];
	s4 =	simm.s32 @!p0 $0x0;
	(pc) =	sbr.rel .LBB1_1-.Ltmp0, $4  }
0xa: {  	s11 =	simm.s32 $0x0;
	s3 =	rddreg [dreg:$0x1];
	s5 =	sadd.s32 s4, s5  }
0xb: {  	_ =	strace $0x8000004A;
	s4 =	simm.s32 $0x1;
	s5 =	smul.u32 $0xC8, s5  }
0xc: {  	s6 =	sadd.s32 $0xFD200, s6;
	s10 =	smov.u32 s2;
	[sflag:s4] =	ssyncpa.u1 $0x0  }
0xd: {  	p0 =	por $0x0, $0x0;
	[sflag:s7] =	ssyncpa.u1 $0x0;
	s7 =	sor.u32 $0x1, s5  }
.LBB1_4:
0xe: {  	s16 =	sshll.u32 s13, $0x3;
	s17 =	sand.u32 $0x78, s13  }
0xf: {  	s30 =	sand.u32 $0x7E00, s13;
	s12 =	sshll.u32 s12, $0xF;
	s16 =	sand.u32 $0xC00, s16  }
0x10: {  	[tilespmem:s15+$0x810 ss:$0x81] =	vst.msk $0xffff, v2;
	s31 =	sand.u32 $0x7, s13;
	s16 =	sor.u32 s17, s16;
	s17 =	sadd.s32 s3, s30  }
0x11: {  	[tilespmem:s15+$0x1020 ss:$0x81] =	vst.msk $0xffff, v0;
	s13 =	sshll.u32 s31, $0x12;
	s12 =	sadd.s32 s12, s17;
	s16 =	sshrl.u32 s16, $0x3  }
0x12: {  	[tilespmem:s15+$0x0 ss:$0x81] =	vst.msk $0xffff, v1;
	s13 =	sor.u32 $0x400, s13;
	s12 =	sadd.s32 s16, s12  }
0x13: {  	[hbm4b:s12+s13] =	stream.strided.scatter [tilespmem:s14], [sflag:$0x2], $0x2000, s8, s13, $0x20;
	[tilespmem:$0x8080] =	vst v63  }
.LBB1_5:
0x14: {  	s14 =	sadd.s32 $0x1, s9  }
0x15: {  	s12 =	sadd.s32 $0x1000, s10;
	s16 =	smov.u32 s10;
	p2 =	sgt.s32 s14, $0xC7  }
0x16: {  	s16 =	smov.u32 @p2 s12  }
0x17: {  	s14 =	simm.s32 @p2 $0x0;
	p2 =	sgt.s32 s16, $0xFFF  }
0x18: {  	s16 =	smov.u32 @p2 s2;
	p2 =	sne.s32 s11, s7  }
.Ltmp1:
0x19: {  	p1 =	slt.u32 s11, $0x2;
	(pc) =	sbr.rel @!p2 .LBB1_6-.Ltmp1, $4  }
0x1a: {  	s15 =	simm.s32 @!p1 $0x2  }
0x1b: {  	s13 =	smov.u32 s10;
	p0 =	por !p0, !p0;
	_ =	swait.ge @!p1 [sflag:s15], $0x2000  }
0x1c: {  	s12 =	smov.u32 s9;
	[sflag:s15] =	ssyncset.done @!p1 $0x0;
	s9 =	smov.u32 s14  }
0x1d: {  	s11 =	sadd.s32 $0x1, s11;
	[sflag:s15] =	ssyncadd.s32 @!p1 $0xFFFFE000;
	s10 =	smov.u32 s16  }
.LBB1_1:
0x1e: {  	p1 =	sge.u32 s11, s5  }
0x1f: {  	s14 =	sand.u32 @!p1 $0x1FFFFFF, s9  }
0x20: {  	s15 =	smulhi.u32 @!p1 $0x147AE15, s14;
	_ =	sdelay $0x1  }
0x21: {  	s15 =	smul.u32 @!p1 $0xC8, s15  }
0x22: {  	s16 =	sxor.u32 @!p1 $0xFFFFFFFF, s11;
	s17 =	smul.u32 @!p1 $0xC80, s10  }
0x23: {  	s31 =	sadd.s32 $0xFFFFFFFF, s11;
	s16 =	sshll.u32 @!p1 s16, $0xD;
	s14 =	ssub.s32 @!p1 s14, s15  }
0x24: {  	s15 =	sand.u32 @!p1 $0x2000, s16;
	s16 =	sadd.s32 @!p1 s6, s17;
	s14 =	sshll.u32 @!p1 s14, $0x4  }
0x25: {  	s17 =	simm.s32 @!p1 $0x6400;
	s14 =	sadd.s32 @!p1 s14, s16;
	s16 =	simm.s32 @!p1 $0x40  }
0x26: {  	[tilespmem:s15], [sflag:$0x1] =	stream.strided.gather @!p1 [hbm4b:s14+s16], $0x2000, s17, s16, $0x38;
	[tilespmem:$0x8080] =	vst v63  }
0x27: {  	p1 =	sge.u32 s31, s5  }
.Ltmp2:
0x28: {  	_ = 	snop;
	(pc) =	sbr.rel @p1 .LBB1_5-.Ltmp2, $1  }
0x29: {  	_ =	sdelay $0x3  }
0x2a: {  	s14 =	simm.s32 $0x1  }
0x2b: {  	_ =	swait.ge [sflag:s4], $0x2000;
	s14 =	simm.s32 @!p0 $0x0  }
0x2c: {  	[sflag:s4] =	ssyncset.done $0x0;
	s15 =	sshll.u32 s14, $0xD  }
0x2d: {  	[sflag:s4] =	ssyncadd.s32 $0xFFFFE000;
	s18 =	sor.u32 $0x20, s15  }
0x2e: {  	s14 =	smul.u32 $0x8100, s14;
	v3 =	vld [tilespmem:s18+$0x10]  }
0x2f: {  	s30 =	sand.u32 $0x1, s11;
	v2 =	vld [tilespmem:s18+$0xFFFFFFF0]  }
0x30: {  	s15 =	smul.u32 $0x8100, s30;
	s14 =	sshrl.u32 s14, $0x2;
	v0 =	vld [tilespmem:s18+$0x0]  }
0x31: {  	v1 =	vld [tilespmem:s18+$0xFFFFFFE0];
	s16 =	sor.u32 $0x4000, s14  }
0x32: {  	s31 =	sshrl.u32 s15, $0x2;
	s15 =	sadd.s32 $0x0, s16  }
0x33: {  	s17 =	simm.s32 $0x4;
	s18 =	sadd.s32 $0x40, s18;
	s14 =	sor.u32 $0x4000, s31;
	[tilespmem:s15+$0x1830 ss:$0x81] =	vst.msk $0xffff, v3  }
.LBB1_3:
0x34: {  	v3 =	vld [tilespmem:s18+$0x10];
	p1 =	sne.s32 s17, $0x1FC;
	[tilespmem:s15+$0x810 ss:$0x81] =	vst.msk $0xffff, v2;
	s19 =	smov.u32 s17;
	s17 =	sadd.s32 $0x4, s17  }
.Ltmp3:
0x35: {  	v2 =	vld [tilespmem:s18+$0xFFFFFFF0];
	[tilespmem:s15+$0x1020 ss:$0x81] =	vst.msk $0xffff, v0;
	(pc) =	sbr.rel @p1 .LBB1_3-.Ltmp3, $4  }
0x36: {  	v0 =	vld [tilespmem:s18+$0x0];
	[tilespmem:s15+$0x0 ss:$0x81] =	vst.msk $0xffff, v1  }
0x37: {  	s15 =	sshra.s32 s19, $0x2;
	v1 =	vld [tilespmem:s18+$0xFFFFFFE0]  }
0x38: {  	s15 =	sadd.s32 s15, s16  }
0x39: {  	s18 =	sadd.s32 $0x40, s18;
	[tilespmem:s15+$0x1830 ss:$0x81] =	vst.msk $0xffff, v3  }
.Ltmp4:
0x3a: {  	_ = 	snop;
	(pc) =	sbr.rel .LBB1_4-.Ltmp4, $1  }
0x3b: {  	_ =	sdelay $0x3  }
.LBB1_6:
0x3c: {  	_ =	sfence.sel $0x180000  }
0x3d: {  	s2 =	simm.s32 $0x1;
	[bflag:$0x0] =	sbarrier.arrive $0xFFFF  }
0x3e: {  	s31 =	simm.s32 $0x2;
	[sflag:s2] =	ssyncpa.u1 $0x1  }
0x3f: {  	[sflag:s31] =	ssyncpa.u1 $0x1  }
0x40: {  	p0 =	sne.s32 s0, $0x0;
	_ =	strace $0x9000004A  }
0x41: {  	s0 =	sadd.s32 @!p0 $0x100000, s1;
	[bflag:$0x2] =	sbarrier.arrive $0xFFFF  }
0x42: {  	[sflag:s0] =	ssyncadd.tile.s32 @!p0 $0x1;
	_ =	shalt  }
.Lfunc_end1:
_tile_overlayer_lowered:
.L_overlay_start_2:
0x43: {  	(tag) =	ssettag $0x2  }
0x44: {  	s0 =	rddreg [dreg:$0x0];
	s2 =	stileid.u32  }
0x45: {  	s1 =	rddreg [dreg:$0x1];
	p0 =	sne.s32 s2, $0x0  }
0x46: {  	s3 =	rddreg [dreg:$0x2];
	[bflag:$0x3] =	sbarrier.arrive $0xFFFF;
	s2 =	simm.s32 @!p0 $0x1C01  }
0x47: {  	[timem:s3], [sflag:s2] =	dma.local @!p0 [hbm:s0], s1  }
0x48: {  	s0 =	simm.s32 @!p0 $0x1  }
0x49: {  	_ =	swait.ge @!p0 [sflag:s0], s1  }
0x4a: {  	s1 =	ssub.s32 @!p0 $0x0, s1;
	[sflag:s0] =	ssyncset.done @!p0 $0x0  }
0x4b: {  	[sflag:s0] =	ssyncadd.s32 @!p0 s1  }
0x4c: {  	[bflag:$0x3] =	sbarrier.arrive $0xFFFF  }
0x4d: {  	_ =	shalt  }

</sc_bundles>
